<compile_context>
chip_gen: v7x
topology: tpu7x:2x2x1
jax: 0.10.2.dev20260603
libtpu: 0.0.44.dev20260713+nightly
codegen_flags: <defaults>
</compile_context>

<pallas_src>
import functools

import jax
import jax.numpy as jnp
from jax import lax
from jax.experimental import pallas as pl
from jax.experimental.pallas import tpu as pltpu
from jax.experimental.pallas import tpu_sc as plsc

_N = 10000
_E = 320000
_D = 128
_HID = 256
_EMB = 128
_OUT = 64

_NC = 2
_NS = 16
_NW = _NC * _NS
_EPW = _E // _NW
_CH = 80
_NCH = _EPW // _CH
_NP = 10240
_RPT = _NP // _NS
_BB = 32
_NBB = _RPT // _BB

_MESH = plsc.VectorSubcoreMesh(core_axis_name="c", subcore_axis_name="s",
                               num_cores=_NC, num_subcores=_NS)



@functools.partial(
    pl.kernel,
    out_type=jax.ShapeDtypeStruct((_NC, _NP, _D), jnp.float32),
    mesh=_MESH,
    scratch_types=[
        pltpu.VMEM((_CH,), jnp.int32),
        pltpu.VMEM((_CH,), jnp.int32),
        pltpu.VMEM((_CH,), jnp.int32),
        pltpu.VMEM((_CH,), jnp.int32),
        pltpu.VMEM((_CH,), jnp.int32),
        pltpu.VMEM((_CH,), jnp.int32),
        pltpu.VMEM((_CH, _D), jnp.float32),
        pltpu.VMEM((_CH, _D), jnp.float32),
        pltpu.VMEM((_CH, _D), jnp.float32),
        pltpu.VMEM((_BB, _D), jnp.float32),
        pltpu.SemaphoreType.DMA,
        pltpu.SemaphoreType.DMA,
        pltpu.SemaphoreType.DMA,
        pltpu.SemaphoreType.DMA,
        pltpu.SemaphoreType.DMA,
        pltpu.SemaphoreType.DMA,
        pltpu.VMEM_SHARED((_NP, _D), jnp.float32),
    ],
)
def _seg(a_hbm, src_hbm, dst_hbm, zd_hbm,
         accp_hbm,
         src0_v, src1_v, src2_v, dst0_v, dst1_v, dst2_v,
         rows0_v, rows1_v, rows2_v, bb_v,
         sem0, sem1, sem2, isem0, isem1, isem2, acc_sh):
    c = lax.axis_index("c")
    s = lax.axis_index("s")
    wid = s * _NC + c
    base = s * _RPT
    pltpu.sync_copy(zd_hbm, bb_v)

    def zinit(i, carry):
        pltpu.sync_copy(bb_v, acc_sh.at[pl.ds(base + i * _BB, _BB)])
        return carry

    lax.fori_loop(0, _NBB, zinit, 0)
    plsc.subcore_barrier()

    srcs = (src0_v, src1_v, src2_v)
    dsts = (dst0_v, dst1_v, dst2_v)
    rows = (rows0_v, rows1_v, rows2_v)
    sems = (sem0, sem1, sem2)
    isems = (isem0, isem1, isem2)
    ebase = wid * _EPW

    def stage_idx(k, slot):
        kk = jnp.minimum(k, _NCH - 1)
        off = ebase + kk * _CH
        pltpu.async_copy(src_hbm.at[pl.ds(off, _CH)], srcs[slot], isems[slot])
        pltpu.async_copy(dst_hbm.at[pl.ds(off, _CH)], dsts[slot], isems[slot])

    def wait_idx(slot):
        pltpu.make_async_copy(src_hbm.at[pl.ds(0, _CH)], srcs[slot],
                              isems[slot]).wait()
        pltpu.make_async_copy(dst_hbm.at[pl.ds(0, _CH)], dsts[slot],
                              isems[slot]).wait()

    stage_idx(0, 0)
    stage_idx(1, 1)
    stage_idx(2, 2)
    wait_idx(0)
    pltpu.async_copy(a_hbm.at[srcs[0]], rows[0], sems[0])
    wait_idx(1)
    pltpu.async_copy(a_hbm.at[srcs[1]], rows[1], sems[1])

    def round_body(jo, carry):
        for b in (0, 1, 2):
            j = jo * 3 + b
            b2 = (b + 2) % 3
            pltpu.make_async_copy(a_hbm.at[srcs[b]], rows[b], sems[b]).wait()
            wait_idx(b2)
            pltpu.async_copy(a_hbm.at[srcs[b2]], rows[b2], sems[b2])
            pltpu.sync_copy(rows[b], acc_sh.at[dsts[b]], add=True)
            stage_idx(j + 3, b)
        return carry

    lax.fori_loop(0, (_NCH - 2) // 3, round_body, 0)
    for k in (_NCH - 2, _NCH - 1):
        bk = k % 3
        pltpu.make_async_copy(a_hbm.at[srcs[bk]], rows[bk], sems[bk]).wait()
        pltpu.sync_copy(rows[bk], acc_sh.at[dsts[bk]], add=True)
    wait_idx(_NCH % 3)
    plsc.subcore_barrier()

    def wback(i, carry):
        o = base + i * _BB
        pltpu.sync_copy(acc_sh.at[pl.ds(o, _BB)], bb_v)
        pltpu.sync_copy(bb_v, accp_hbm.at[c, pl.ds(o, _BB)])
        return carry

    lax.fori_loop(0, _NBB, wback, 0)



_W = 4


@functools.partial(
    pl.kernel,
    out_type=jax.ShapeDtypeStruct((_NC, _NP, _D), jnp.float32),
    mesh=_MESH,
    scratch_types=[
        pltpu.VMEM((_NCH, _CH), jnp.int32),
        pltpu.VMEM((_CH, _D), jnp.float32),
        pltpu.VMEM((_BB, _D), jnp.float32),
        pltpu.SemaphoreType.DMA,
        pltpu.VMEM_SHARED((_NP, _D), jnp.float32),
    ],
)
def _cnt(dst_hbm, zd_hbm, ones_hbm,
         cntp_hbm,
         didx_v, ones_v, bb_v, ssem, cnt_sh):
    c = lax.axis_index("c")
    s = lax.axis_index("s")
    wid = s * _NC + c
    base = s * _RPT
    pltpu.sync_copy(ones_hbm, ones_v)
    pltpu.sync_copy(zd_hbm, bb_v)

    def zinit(i, carry):
        pltpu.sync_copy(bb_v, cnt_sh.at[pl.ds(base + i * _BB, _BB)])
        return carry

    lax.fori_loop(0, _NBB, zinit, 0)
    plsc.subcore_barrier()
    pltpu.sync_copy(dst_hbm.at[wid], didx_v)

    for j in range(_W):
        pltpu.async_copy(ones_v, cnt_sh.at[didx_v.at[j]], add=True, sem=ssem)

    def body(j, carry):
        pltpu.async_copy(ones_v, cnt_sh.at[didx_v.at[j]], add=True, sem=ssem)
        pltpu.make_async_copy(ones_v, cnt_sh.at[didx_v.at[j - _W]], ssem).wait()
        return carry

    lax.fori_loop(_W, _NCH, body, 0)
    for j in range(_W):
        pltpu.make_async_copy(ones_v, cnt_sh.at[didx_v.at[_NCH - _W + j]],
                              ssem).wait()
    plsc.subcore_barrier()

    def wback(i, carry):
        o = base + i * _BB
        pltpu.sync_copy(cnt_sh.at[pl.ds(o, _BB)], bb_v)
        pltpu.sync_copy(bb_v, cntp_hbm.at[c, pl.ds(o, _BB)])
        return carry

    lax.fori_loop(0, _NBB, wback, 0)



_BR = 1000


def _tc1_body(x_ref, s1_ref, cnt_ref, wl1_ref, wr1_ref, b1_ref, wl2_ref,
              h_ref, p2_ref):
    cnt = jnp.maximum(cnt_ref[0][:, 0:1] + cnt_ref[1][:, 0:1], 1.0)
    mean = (s1_ref[0] + s1_ref[1]) / cnt
    h = jnp.dot(mean, wl1_ref[...], preferred_element_type=jnp.float32)
    h = h + jnp.dot(x_ref[...], wr1_ref[...], preferred_element_type=jnp.float32)
    h = jnp.maximum(h + b1_ref[...], 0.0)
    h_ref[...] = h
    p2_ref[...] = jnp.dot(h, wl2_ref[...], preferred_element_type=jnp.float32)


_tc1 = pl.pallas_call(
    _tc1_body,
    grid=(_N // _BR,),
    in_specs=[
        pl.BlockSpec((_BR, _D), lambda i: (i, 0)),
        pl.BlockSpec((_NC, _BR, _D), lambda i: (0, i, 0)),
        pl.BlockSpec((_NC, _BR, _D), lambda i: (0, i, 0)),
        pl.BlockSpec((_D, _HID), lambda i: (0, 0)),
        pl.BlockSpec((_D, _HID), lambda i: (0, 0)),
        pl.BlockSpec((1, _HID), lambda i: (0, 0)),
        pl.BlockSpec((_HID, _EMB), lambda i: (0, 0)),
    ],
    out_specs=[
        pl.BlockSpec((_BR, _HID), lambda i: (i, 0)),
        pl.BlockSpec((_BR, _EMB), lambda i: (i, 0)),
    ],
    out_shape=[
        jax.ShapeDtypeStruct((_N, _HID), jnp.float32),
        jax.ShapeDtypeStruct((_N, _EMB), jnp.float32),
    ],
)


def _tc2_body(h_ref, s2_ref, cnt_ref, wr2_ref, b2_ref, wo_ref, bo_ref,
              out_ref, h2_ref):
    cnt = jnp.maximum(cnt_ref[0][:, 0:1] + cnt_ref[1][:, 0:1], 1.0)
    mean = (s2_ref[0] + s2_ref[1]) / cnt
    h2 = mean + jnp.dot(h_ref[...], wr2_ref[...], preferred_element_type=jnp.float32)
    h2 = h2 + b2_ref[...]
    h2_ref[...] = h2
    out_ref[...] = jnp.dot(h2, wo_ref[...], preferred_element_type=jnp.float32) + bo_ref[...]


_tc2 = pl.pallas_call(
    _tc2_body,
    grid=(_N // _BR,),
    in_specs=[
        pl.BlockSpec((_BR, _HID), lambda i: (i, 0)),
        pl.BlockSpec((_NC, _BR, _D), lambda i: (0, i, 0)),
        pl.BlockSpec((_NC, _BR, _D), lambda i: (0, i, 0)),
        pl.BlockSpec((_HID, _EMB), lambda i: (0, 0)),
        pl.BlockSpec((1, _EMB), lambda i: (0, 0)),
        pl.BlockSpec((_EMB, _OUT), lambda i: (0, 0)),
        pl.BlockSpec((1, _OUT), lambda i: (0, 0)),
    ],
    out_specs=[
        pl.BlockSpec((_BR, _OUT), lambda i: (i, 0)),
        pl.BlockSpec((_BR, _EMB), lambda i: (i, 0)),
    ],
    out_shape=[
        jax.ShapeDtypeStruct((_N, _OUT), jnp.float32),
        jax.ShapeDtypeStruct((_N, _EMB), jnp.float32),
    ],
)


def kernel(x, edge_index, W_l1, W_r1, b1, W_l2, W_r2, b2, W_o, b_o):
    src = edge_index[0]
    dst = edge_index[1]
    dst3 = dst.reshape(_NW, _NCH, _CH)
    zd = jnp.zeros((_BB, _D), jnp.float32)
    ones = jnp.ones((_CH, _D), jnp.float32)
    cntp = _cnt(dst3, zd, ones)
    s1p = _seg(x, src, dst, zd)
    h, p2 = _tc1(x, s1p, cntp, W_l1, W_r1, b1.reshape(1, _HID), W_l2)
    s2p = _seg(p2, src, dst, zd)
    out, h2 = _tc2(h, s2p, cntp, W_r2, b2.reshape(1, _EMB), W_o,
                   b_o.reshape(1, _OUT))
    return (out, h2)

# --- scband reference (transcript-rebuilt; emitter-appended) ---
"""Pipeline reference for scband-graph-sage-9405978378566 (READ-ONLY COPY).

The authoritative reference and input builder live on the scoring server;
editing this copy changes nothing except your own understanding.
"""

import jax, jax.numpy as jnp
import numpy as np

N = 10000
E = 320000
F_IN = 128
HID = 256
EMB = 128
OUT = 64


def setup_inputs(seed: int = 0) -> dict:
    key = jax.random.key(seed)
    ks = jax.random.split(key, 10)
    x = jax.random.normal(ks[0], (N, F_IN), dtype=jnp.float32)
    edge_index = jax.random.randint(ks[1], (2, E), 0, N, dtype=jnp.int32)
    # SAGEConv layer 1: in=F_IN, out=HID. lin_l acts on aggregated neighbors, lin_r on root.
    W_l1 = jax.random.normal(ks[2], (F_IN, HID), dtype=jnp.float32) * (1.0 / np.sqrt(F_IN))
    W_r1 = jax.random.normal(ks[3], (F_IN, HID), dtype=jnp.float32) * (1.0 / np.sqrt(F_IN))
    b1 = jnp.zeros((HID,), dtype=jnp.float32)
    # SAGEConv layer 2: in=HID, out=EMB.
    W_l2 = jax.random.normal(ks[4], (HID, EMB), dtype=jnp.float32) * (1.0 / np.sqrt(HID))
    W_r2 = jax.random.normal(ks[5], (HID, EMB), dtype=jnp.float32) * (1.0 / np.sqrt(HID))
    b2 = jnp.zeros((EMB,), dtype=jnp.float32)
    # Decoder_linear: Linear(EMB, OUT)
    W_o = jax.random.normal(ks[6], (EMB, OUT), dtype=jnp.float32) * (1.0 / np.sqrt(EMB))
    b_o = jnp.zeros((OUT,), dtype=jnp.float32)
    return {"x": x, "edge_index": edge_index, "W_l1": W_l1, "W_r1": W_r1, "b1": b1,
            "W_l2": W_l2, "W_r2": W_r2, "b2": b2, "W_o": W_o, "b_o": b_o}


def _sage_conv(x, edge_index, W_l, W_r, b):
    # PyG SAGEConv with mean aggregation:
    # out = lin_l(mean_{j in N(i)} x_j) + lin_r(x_i)
    src = edge_index[0]
    dst = edge_index[1]
    msgs = jnp.take(x, src, axis=0)
    summed = jax.ops.segment_sum(msgs, dst, num_segments=x.shape[0])
    cnt = jax.ops.segment_sum(jnp.ones((edge_index.shape[1], 1), dtype=x.dtype), dst,
                              num_segments=x.shape[0])
    mean = summed / jnp.maximum(cnt, 1.0)
    return mean @ W_l + x @ W_r + b


def reference(x, edge_index, W_l1, W_r1, b1, W_l2, W_r2, b2, W_o, b_o):
    h = _sage_conv(x, edge_index, W_l1, W_r1, b1)
    h = jax.nn.relu(h)
    # dropout_rate = 0 -> identity
    h = _sage_conv(h, edge_index, W_l2, W_r2, b2)
    out = h @ W_o + b_o
    return (out, h)

if __name__ == "__main__":
    import jax
    _d = setup_inputs()
    print(jax.jit(kernel)(*tuple(_d.values())))

</pallas_src>

<mosaic_0001>
#map = affine_map<(d0, d1) -> (0, 0)>
#map1 = affine_map<(d0, d1) -> (0)>
#map2 = affine_map<(d0, d1) -> (0, 0, 0)>
module attributes {stable_mosaic.version = 14 : i64} {
  func.func @_seg(%arg0: i32, %arg1: i32, %arg2: memref<10000x128xf32, #tpu.memory_space<hbm>>, %arg3: memref<320000xi32, #tpu.memory_space<hbm>>, %arg4: memref<320000xi32, #tpu.memory_space<hbm>>, %arg5: memref<32x128xf32, #tpu.memory_space<hbm>>, %arg6: memref<2x10240x128xf32, #tpu.memory_space<hbm>>, %arg7: memref<80xi32, #tpu.memory_space<vmem>>, %arg8: memref<80xi32, #tpu.memory_space<vmem>>, %arg9: memref<80xi32, #tpu.memory_space<vmem>>, %arg10: memref<80xi32, #tpu.memory_space<vmem>>, %arg11: memref<80xi32, #tpu.memory_space<vmem>>, %arg12: memref<80xi32, #tpu.memory_space<vmem>>, %arg13: memref<80x128xf32, #tpu.memory_space<vmem>>, %arg14: memref<80x128xf32, #tpu.memory_space<vmem>>, %arg15: memref<80x128xf32, #tpu.memory_space<vmem>>, %arg16: memref<32x128xf32, #tpu.memory_space<vmem>>, %arg17: memref<!tpu.dma_semaphore, #tpu.memory_space<semaphore_mem>>, %arg18: memref<!tpu.dma_semaphore, #tpu.memory_space<semaphore_mem>>, %arg19: memref<!tpu.dma_semaphore, #tpu.memory_space<semaphore_mem>>, %arg20: memref<!tpu.dma_semaphore, #tpu.memory_space<semaphore_mem>>, %arg21: memref<!tpu.dma_semaphore, #tpu.memory_space<semaphore_mem>>, %arg22: memref<!tpu.dma_semaphore, #tpu.memory_space<semaphore_mem>>, %arg23: memref<10240x128xf32, #tpu.memory_space<vmem_shared>>) attributes {dimension_semantics = [#tpu.dimension_semantics<core_parallel>, #tpu.dimension_semantics<subcore_parallel>], iteration_bounds = array<i64: 2, 16>, scalar_prefetch = 0 : i64, scratch_operands = 17 : i64, tpu.core_type = #tpu.core_type<sc_vector_subcore>, window_params = [{transform_indices = #map}, {transform_indices = #map1}, {transform_indices = #map1}, {transform_indices = #map}, {transform_indices = #map2}]} {
    %mul3A = arith.constant 2 : i32
    %mul3A_0 = arith.muli %arg1, %mul3A : i32
    %add3A = arith.addi %mul3A_0, %arg0 : i32
    %mul3A_1 = arith.constant 640 : i32
    %mul3A_2 = arith.muli %arg1, %mul3A_1 : i32
    "tpu.region"() ({
      %run_scoped3A = tpu.sem_alloc : memref<!tpu.dma_semaphore, #tpu.memory_space<semaphore_mem>>
      tpu.enqueue_dma source(%arg5 : memref<32x128xf32, #tpu.memory_space<hbm>>) target(%arg16 : memref<32x128xf32, #tpu.memory_space<vmem>>) target_semaphore(%run_scoped3A : memref<!tpu.dma_semaphore, #tpu.memory_space<semaphore_mem>>)
      tpu.wait_dma2 semaphore(%run_scoped3A : memref<!tpu.dma_semaphore, #tpu.memory_space<semaphore_mem>>) src(%arg5 : memref<32x128xf32, #tpu.memory_space<hbm>>) dst(%arg16 : memref<32x128xf32, #tpu.memory_space<vmem>>)
      tpu.yield
    }) : () -> ()
    %scan3A = arith.constant 0 : i32
    %scan3A_3 = arith.constant 0 : i32
    %scan3A_4 = arith.constant 20 : i32
    %scan3A_5 = arith.addi %scan3A_3, %scan3A_4 : i32
    %scan3A_6 = arith.constant 1 : i32
    scf.for %scan3A_86 = %scan3A_3 to %scan3A_5 step %scan3A_6  : i32 {
      %mul3A_87 = arith.constant 32 : i32
      %mul3A_88 = arith.muli %scan3A_86, %mul3A_87 : i32
      %add3A_89 = arith.addi %mul3A_2, %mul3A_88 : i32
      "tpu.region"() ({
        %run_scoped3A = tpu.sem_alloc : memref<!tpu.dma_semaphore, #tpu.memory_space<semaphore_mem>>
        %dma_start3A_90 = arith.constant 0 : i32
        %dma_start3A_91 = tpu.memref_slice %arg23[%add3A_89, %dma_start3A_90] : memref<10240x128xf32, #tpu.memory_space<vmem_shared>> -> memref<32x128xf32, #tpu.memory_space<vmem_shared>>
        %dma_start3A_92 = arith.constant 0 : i32
        %dma_start3A_93 = tpu.memref_slice %arg23[%add3A_89, %dma_start3A_92] : memref<10240x128xf32, #tpu.memory_space<vmem_shared>> -> memref<32x128xf32, #tpu.memory_space<vmem_shared>>
        tpu.enqueue_dma source(%arg16 : memref<32x128xf32, #tpu.memory_space<vmem>>) target(%dma_start3A_93 : memref<32x128xf32, #tpu.memory_space<vmem_shared>>) target_semaphore(%run_scoped3A : memref<!tpu.dma_semaphore, #tpu.memory_space<semaphore_mem>>)
        %dma_wait3A_94 = arith.constant 0 : i32
        %dma_wait3A_95 = tpu.memref_slice %arg23[%add3A_89, %dma_wait3A_94] : memref<10240x128xf32, #tpu.memory_space<vmem_shared>> -> memref<32x128xf32, #tpu.memory_space<vmem_shared>>
        %dma_wait3A_96 = arith.constant 0 : i32
        %dma_wait3A_97 = tpu.memref_slice %arg23[%add3A_89, %dma_wait3A_96] : memref<10240x128xf32, #tpu.memory_space<vmem_shared>> -> memref<32x128xf32, #tpu.memory_space<vmem_shared>>
        tpu.wait_dma2 semaphore(%run_scoped3A : memref<!tpu.dma_semaphore, #tpu.memory_space<semaphore_mem>>) src(%arg16 : memref<32x128xf32, #tpu.memory_space<vmem>>) dst(%dma_wait3A_97 : memref<32x128xf32, #tpu.memory_space<vmem_shared>>)
        tpu.yield
      }) : () -> ()
    }
    %scan3A_7 = arith.constant 20 : i32
    %barrier3A = arith.constant 0 : index
    tpu.barrier barrier_id(%barrier3A)
    %mul3A_8 = arith.constant 10000 : i32
    %mul3A_9 = arith.muli %add3A, %mul3A_8 : i32
    %min3A = arith.constant 0 : i32
    %min3A_10 = arith.constant 124 : i32
    %min3A_11 = arith.minsi %min3A, %min3A_10 : i32
    %mul3A_12 = arith.constant 80 : i32
    %mul3A_13 = arith.muli %min3A_11, %mul3A_12 : i32
    %add3A_14 = arith.addi %mul3A_9, %mul3A_13 : i32
    %dma_start3A = tpu.memref_slice %arg3[%add3A_14] : memref<320000xi32, #tpu.memory_space<hbm>> -> memref<80xi32, #tpu.memory_space<hbm>>
    %dma_start3A_15 = tpu.memref_slice %arg3[%add3A_14] : memref<320000xi32, #tpu.memory_space<hbm>> -> memref<80xi32, #tpu.memory_space<hbm>>
    tpu.enqueue_dma source(%dma_start3A_15 : memref<80xi32, #tpu.memory_space<hbm>>) target(%arg7 : memref<80xi32, #tpu.memory_space<vmem>>) target_semaphore(%arg20 : memref<!tpu.dma_semaphore, #tpu.memory_space<semaphore_mem>>)
    %dma_start3A_16 = tpu.memref_slice %arg4[%add3A_14] : memref<320000xi32, #tpu.memory_space<hbm>> -> memref<80xi32, #tpu.memory_space<hbm>>
    %dma_start3A_17 = tpu.memref_slice %arg4[%add3A_14] : memref<320000xi32, #tpu.memory_space<hbm>> -> memref<80xi32, #tpu.memory_space<hbm>>
    tpu.enqueue_dma source(%dma_start3A_17 : memref<80xi32, #tpu.memory_space<hbm>>) target(%arg10 : memref<80xi32, #tpu.memory_space<vmem>>) target_semaphore(%arg20 : memref<!tpu.dma_semaphore, #tpu.memory_space<semaphore_mem>>)
    %min3A_18 = arith.constant 1 : i32
    %min3A_19 = arith.constant 124 : i32
    %min3A_20 = arith.minsi %min3A_18, %min3A_19 : i32
    %mul3A_21 = arith.constant 80 : i32
    %mul3A_22 = arith.muli %min3A_20, %mul3A_21 : i32
    %add3A_23 = arith.addi %mul3A_9, %mul3A_22 : i32
    %dma_start3A_24 = tpu.memref_slice %arg3[%add3A_23] : memref<320000xi32, #tpu.memory_space<hbm>> -> memref<80xi32, #tpu.memory_space<hbm>>
    %dma_start3A_25 = tpu.memref_slice %arg3[%add3A_23] : memref<320000xi32, #tpu.memory_space<hbm>> -> memref<80xi32, #tpu.memory_space<hbm>>
    tpu.enqueue_dma source(%dma_start3A_25 : memref<80xi32, #tpu.memory_space<hbm>>) target(%arg8 : memref<80xi32, #tpu.memory_space<vmem>>) target_semaphore(%arg21 : memref<!tpu.dma_semaphore, #tpu.memory_space<semaphore_mem>>)
    %dma_start3A_26 = tpu.memref_slice %arg4[%add3A_23] : memref<320000xi32, #tpu.memory_space<hbm>> -> memref<80xi32, #tpu.memory_space<hbm>>
    %dma_start3A_27 = tpu.memref_slice %arg4[%add3A_23] : memref<320000xi32, #tpu.memory_space<hbm>> -> memref<80xi32, #tpu.memory_space<hbm>>
    tpu.enqueue_dma source(%dma_start3A_27 : memref<80xi32, #tpu.memory_space<hbm>>) target(%arg11 : memref<80xi32, #tpu.memory_space<vmem>>) target_semaphore(%arg21 : memref<!tpu.dma_semaphore, #tpu.memory_space<semaphore_mem>>)
    %min3A_28 = arith.constant 2 : i32
    %min3A_29 = arith.constant 124 : i32
    %min3A_30 = arith.minsi %min3A_28, %min3A_29 : i32
    %mul3A_31 = arith.constant 80 : i32
    %mul3A_32 = arith.muli %min3A_30, %mul3A_31 : i32
    %add3A_33 = arith.addi %mul3A_9, %mul3A_32 : i32
    %dma_start3A_34 = tpu.memref_slice %arg3[%add3A_33] : memref<320000xi32, #tpu.memory_space<hbm>> -> memref<80xi32, #tpu.memory_space<hbm>>
    %dma_start3A_35 = tpu.memref_slice %arg3[%add3A_33] : memref<320000xi32, #tpu.memory_space<hbm>> -> memref<80xi32, #tpu.memory_space<hbm>>
    tpu.enqueue_dma source(%dma_start3A_35 : memref<80xi32, #tpu.memory_space<hbm>>) target(%arg9 : memref<80xi32, #tpu.memory_space<vmem>>) target_semaphore(%arg22 : memref<!tpu.dma_semaphore, #tpu.memory_space<semaphore_mem>>)
    %dma_start3A_36 = tpu.memref_slice %arg4[%add3A_33] : memref<320000xi32, #tpu.memory_space<hbm>> -> memref<80xi32, #tpu.memory_space<hbm>>
    %dma_start3A_37 = tpu.memref_slice %arg4[%add3A_33] : memref<320000xi32, #tpu.memory_space<hbm>> -> memref<80xi32, #tpu.memory_space<hbm>>
    tpu.enqueue_dma source(%dma_start3A_37 : memref<80xi32, #tpu.memory_space<hbm>>) target(%arg12 : memref<80xi32, #tpu.memory_space<vmem>>) target_semaphore(%arg22 : memref<!tpu.dma_semaphore, #tpu.memory_space<semaphore_mem>>)
    %dma_wait3A = arith.constant 0 : i32
    %dma_wait3A_38 = tpu.memref_slice %arg3[%dma_wait3A] : memref<320000xi32, #tpu.memory_space<hbm>> -> memref<80xi32, #tpu.memory_space<hbm>>
    %dma_wait3A_39 = arith.constant 0 : i32
    %dma_wait3A_40 = tpu.memref_slice %arg3[%dma_wait3A_39] : memref<320000xi32, #tpu.memory_space<hbm>> -> memref<80xi32, #tpu.memory_space<hbm>>
    tpu.wait_dma2 semaphore(%arg20 : memref<!tpu.dma_semaphore, #tpu.memory_space<semaphore_mem>>) src(%dma_wait3A_40 : memref<80xi32, #tpu.memory_space<hbm>>) dst(%arg7 : memref<80xi32, #tpu.memory_space<vmem>>)
    %dma_wait3A_41 = arith.constant 0 : i32
    %dma_wait3A_42 = tpu.memref_slice %arg4[%dma_wait3A_41] : memref<320000xi32, #tpu.memory_space<hbm>> -> memref<80xi32, #tpu.memory_space<hbm>>
    %dma_wait3A_43 = arith.constant 0 : i32
    %dma_wait3A_44 = tpu.memref_slice %arg4[%dma_wait3A_43] : memref<320000xi32, #tpu.memory_space<hbm>> -> memref<80xi32, #tpu.memory_space<hbm>>
    tpu.wait_dma2 semaphore(%arg20 : memref<!tpu.dma_semaphore, #tpu.memory_space<semaphore_mem>>) src(%dma_wait3A_44 : memref<80xi32, #tpu.memory_space<hbm>>) dst(%arg10 : memref<80xi32, #tpu.memory_space<vmem>>)
    %dma_start3A_45 = arith.constant 0 : i32
    %dma_start3A_46 = arith.constant 0 : i32
    %dma_start3A_47 = tpu.memref_slice %arg2[%dma_start3A_45, %dma_start3A_46] : memref<10000x128xf32, #tpu.memory_space<hbm>> -> memref<10000x128xf32, #tpu.memory_space<hbm>>
    tpu.enqueue_indirect_dma source(%dma_start3A_47 : memref<10000x128xf32, #tpu.memory_space<hbm>>) target(%arg13 : memref<80x128xf32, #tpu.memory_space<vmem>>) offsets(%arg7 : memref<80xi32, #tpu.memory_space<vmem>>) semaphore(%arg17 : memref<!tpu.dma_semaphore, #tpu.memory_space<semaphore_mem>>)
    %dma_wait3A_48 = arith.constant 0 : i32
    %dma_wait3A_49 = tpu.memref_slice %arg3[%dma_wait3A_48] : memref<320000xi32, #tpu.memory_space<hbm>> -> memref<80xi32, #tpu.memory_space<hbm>>
    %dma_wait3A_50 = arith.constant 0 : i32
    %dma_wait3A_51 = tpu.memref_slice %arg3[%dma_wait3A_50] : memref<320000xi32, #tpu.memory_space<hbm>> -> memref<80xi32, #tpu.memory_space<hbm>>
    tpu.wait_dma2 semaphore(%arg21 : memref<!tpu.dma_semaphore, #tpu.memory_space<semaphore_mem>>) src(%dma_wait3A_51 : memref<80xi32, #tpu.memory_space<hbm>>) dst(%arg8 : memref<80xi32, #tpu.memory_space<vmem>>)
    %dma_wait3A_52 = arith.constant 0 : i32
    %dma_wait3A_53 = tpu.memref_slice %arg4[%dma_wait3A_52] : memref<320000xi32, #tpu.memory_space<hbm>> -> memref<80xi32, #tpu.memory_space<hbm>>
    %dma_wait3A_54 = arith.constant 0 : i32
    %dma_wait3A_55 = tpu.memref_slice %arg4[%dma_wait3A_54] : memref<320000xi32, #tpu.memory_space<hbm>> -> memref<80xi32, #tpu.memory_space<hbm>>
    tpu.wait_dma2 semaphore(%arg21 : memref<!tpu.dma_semaphore, #tpu.memory_space<semaphore_mem>>) src(%dma_wait3A_55 : memref<80xi32, #tpu.memory_space<hbm>>) dst(%arg11 : memref<80xi32, #tpu.memory_space<vmem>>)
    %dma_start3A_56 = arith.constant 0 : i32
    %dma_start3A_57 = arith.constant 0 : i32
    %dma_start3A_58 = tpu.memref_slice %arg2[%dma_start3A_56, %dma_start3A_57] : memref<10000x128xf32, #tpu.memory_space<hbm>> -> memref<10000x128xf32, #tpu.memory_space<hbm>>
    tpu.enqueue_indirect_dma source(%dma_start3A_58 : memref<10000x128xf32, #tpu.memory_space<hbm>>) target(%arg14 : memref<80x128xf32, #tpu.memory_space<vmem>>) offsets(%arg8 : memref<80xi32, #tpu.memory_space<vmem>>) semaphore(%arg18 : memref<!tpu.dma_semaphore, #tpu.memory_space<semaphore_mem>>)
    %scan3A_59 = arith.constant 0 : i32
    %scan3A_60 = arith.constant 0 : i32
    %scan3A_61 = arith.constant 41 : i32
    %scan3A_62 = arith.addi %scan3A_60, %scan3A_61 : i32
    %scan3A_63 = arith.constant 1 : i32
    scf.for %scan3A_86 = %scan3A_60 to %scan3A_62 step %scan3A_63  : i32 {
      %mul3A_87 = arith.constant 3 : i32
      %mul3A_88 = arith.muli %scan3A_86, %mul3A_87 : i32
      %add3A_89 = arith.constant 0 : i32
      %add3A_90 = arith.addi %mul3A_88, %add3A_89 : i32
      %dma_wait3A_91 = arith.constant 0 : i32
      %dma_wait3A_92 = arith.constant 0 : i32
      %dma_wait3A_93 = tpu.memref_slice %arg2[%dma_wait3A_91, %dma_wait3A_92] : memref<10000x128xf32, #tpu.memory_space<hbm>> -> memref<10000x128xf32, #tpu.memory_space<hbm>>
      tpu.wait_indirect_dma semaphore(%arg17 : memref<!tpu.dma_semaphore, #tpu.memory_space<semaphore_mem>>) src(%dma_wait3A_93 : memref<10000x128xf32, #tpu.memory_space<hbm>>) dst(%arg13 : memref<80x128xf32, #tpu.memory_space<vmem>>)
      %dma_wait3A_94 = arith.constant 0 : i32
      %dma_wait3A_95 = tpu.memref_slice %arg3[%dma_wait3A_94] : memref<320000xi32, #tpu.memory_space<hbm>> -> memref<80xi32, #tpu.memory_space<hbm>>
      %dma_wait3A_96 = arith.constant 0 : i32
      %dma_wait3A_97 = tpu.memref_slice %arg3[%dma_wait3A_96] : memref<320000xi32, #tpu.memory_space<hbm>> -> memref<80xi32, #tpu.memory_space<hbm>>
      tpu.wait_dma2 semaphore(%arg22 : memref<!tpu.dma_semaphore, #tpu.memory_space<semaphore_mem>>) src(%dma_wait3A_97 : memref<80xi32, #tpu.memory_space<hbm>>) dst(%arg9 : memref<80xi32, #tpu.memory_space<vmem>>)
      %dma_wait3A_98 = arith.constant 0 : i32
      %dma_wait3A_99 = tpu.memref_slice %arg4[%dma_wait3A_98] : memref<320000xi32, #tpu.memory_space<hbm>> -> memref<80xi32, #tpu.memory_space<hbm>>
      %dma_wait3A_100 = arith.constant 0 : i32
      %dma_wait3A_101 = tpu.memref_slice %arg4[%dma_wait3A_100] : memref<320000xi32, #tpu.memory_space<hbm>> -> memref<80xi32, #tpu.memory_space<hbm>>
      tpu.wait_dma2 semaphore(%arg22 : memref<!tpu.dma_semaphore, #tpu.memory_space<semaphore_mem>>) src(%dma_wait3A_101 : memref<80xi32, #tpu.memory_space<hbm>>) dst(%arg12 : memref<80xi32, #tpu.memory_space<vmem>>)
      %dma_start3A_102 = arith.constant 0 : i32
      %dma_start3A_103 = arith.constant 0 : i32
      %dma_start3A_104 = tpu.memref_slice %arg2[%dma_start3A_102, %dma_start3A_103] : memref<10000x128xf32, #tpu.memory_space<hbm>> -> memref<10000x128xf32, #tpu.memory_space<hbm>>
      tpu.enqueue_indirect_dma source(%dma_start3A_104 : memref<10000x128xf32, #tpu.memory_space<hbm>>) target(%arg15 : memref<80x128xf32, #tpu.memory_space<vmem>>) offsets(%arg9 : memref<80xi32, #tpu.memory_space<vmem>>) semaphore(%arg19 : memref<!tpu.dma_semaphore, #tpu.memory_space<semaphore_mem>>)
      "tpu.region"() ({
        %run_scoped3A = tpu.sem_alloc : memref<!tpu.dma_semaphore, #tpu.memory_space<semaphore_mem>>
        %dma_start3A_174 = arith.constant 0 : i32
        %dma_start3A_175 = arith.constant 0 : i32
        %dma_start3A_176 = tpu.memref_slice %arg23[%dma_start3A_174, %dma_start3A_175] : memref<10240x128xf32, #tpu.memory_space<vmem_shared>> -> memref<10240x128xf32, #tpu.memory_space<vmem_shared>>
        tpu.enqueue_indirect_dma source(%arg13 : memref<80x128xf32, #tpu.memory_space<vmem>>) target(%dma_start3A_176 : memref<10240x128xf32, #tpu.memory_space<vmem_shared>>) offsets(%arg10 : memref<80xi32, #tpu.memory_space<vmem>>) semaphore(%run_scoped3A : memref<!tpu.dma_semaphore, #tpu.memory_space<semaphore_mem>>) {add = true}
        %dma_wait3A_177 = arith.constant 0 : i32
        %dma_wait3A_178 = arith.constant 0 : i32
        %dma_wait3A_179 = tpu.memref_slice %arg23[%dma_wait3A_177, %dma_wait3A_178] : memref<10240x128xf32, #tpu.memory_space<vmem_shared>> -> memref<10240x128xf32, #tpu.memory_space<vmem_shared>>
        tpu.wait_indirect_dma semaphore(%run_scoped3A : memref<!tpu.dma_semaphore, #tpu.memory_space<semaphore_mem>>) src(%arg13 : memref<80x128xf32, #tpu.memory_space<vmem>>) dst(%dma_wait3A_179 : memref<10240x128xf32, #tpu.memory_space<vmem_shared>>)
        tpu.yield
      }) : () -> ()
      %add3A_105 = arith.constant 3 : i32
      %add3A_106 = arith.addi %add3A_90, %add3A_105 : i32
      %min3A_107 = arith.constant 124 : i32
      %min3A_108 = arith.minsi %add3A_106, %min3A_107 : i32
      %mul3A_109 = arith.constant 80 : i32
      %mul3A_110 = arith.muli %min3A_108, %mul3A_109 : i32
      %add3A_111 = arith.addi %mul3A_9, %mul3A_110 : i32
      %dma_start3A_112 = tpu.memref_slice %arg3[%add3A_111] : memref<320000xi32, #tpu.memory_space<hbm>> -> memref<80xi32, #tpu.memory_space<hbm>>
      %dma_start3A_113 = tpu.memref_slice %arg3[%add3A_111] : memref<320000xi32, #tpu.memory_space<hbm>> -> memref<80xi32, #tpu.memory_space<hbm>>
      tpu.enqueue_dma source(%dma_start3A_113 : memref<80xi32, #tpu.memory_space<hbm>>) target(%arg7 : memref<80xi32, #tpu.memory_space<vmem>>) target_semaphore(%arg20 : memref<!tpu.dma_semaphore, #tpu.memory_space<semaphore_mem>>)
      %dma_start3A_114 = tpu.memref_slice %arg4[%add3A_111] : memref<320000xi32, #tpu.memory_space<hbm>> -> memref<80xi32, #tpu.memory_space<hbm>>
      %dma_start3A_115 = tpu.memref_slice %arg4[%add3A_111] : memref<320000xi32, #tpu.memory_space<hbm>> -> memref<80xi32, #tpu.memory_space<hbm>>
      tpu.enqueue_dma source(%dma_start3A_115 : memref<80xi32, #tpu.memory_space<hbm>>) target(%arg10 : memref<80xi32, #tpu.memory_space<vmem>>) target_semaphore(%arg20 : memref<!tpu.dma_semaphore, #tpu.memory_space<semaphore_mem>>)
      %mul3A_116 = arith.constant 3 : i32
      %mul3A_117 = arith.muli %scan3A_86, %mul3A_116 : i32
      %add3A_118 = arith.constant 1 : i32
      %add3A_119 = arith.addi %mul3A_117, %add3A_118 : i32
      %dma_wait3A_120 = arith.constant 0 : i32
      %dma_wait3A_121 = arith.constant 0 : i32
      %dma_wait3A_122 = tpu.memref_slice %arg2[%dma_wait3A_120, %dma_wait3A_121] : memref<10000x128xf32, #tpu.memory_space<hbm>> -> memref<10000x128xf32, #tpu.memory_space<hbm>>
      tpu.wait_indirect_dma semaphore(%arg18 : memref<!tpu.dma_semaphore, #tpu.memory_space<semaphore_mem>>) src(%dma_wait3A_122 : memref<10000x128xf32, #tpu.memory_space<hbm>>) dst(%arg14 : memref<80x128xf32, #tpu.memory_space<vmem>>)
      %dma_wait3A_123 = arith.constant 0 : i32
      %dma_wait3A_124 = tpu.memref_slice %arg3[%dma_wait3A_123] : memref<320000xi32, #tpu.memory_space<hbm>> -> memref<80xi32, #tpu.memory_space<hbm>>
      %dma_wait3A_125 = arith.constant 0 : i32
      %dma_wait3A_126 = tpu.memref_slice %arg3[%dma_wait3A_125] : memref<320000xi32, #tpu.memory_space<hbm>> -> memref<80xi32, #tpu.memory_space<hbm>>
      tpu.wait_dma2 semaphore(%arg20 : memref<!tpu.dma_semaphore, #tpu.memory_space<semaphore_mem>>) src(%dma_wait3A_126 : memref<80xi32, #tpu.memory_space<hbm>>) dst(%arg7 : memref<80xi32, #tpu.memory_space<vmem>>)
      %dma_wait3A_127 = arith.constant 0 : i32
      %dma_wait3A_128 = tpu.memref_slice %arg4[%dma_wait3A_127] : memref<320000xi32, #tpu.memory_space<hbm>> -> memref<80xi32, #tpu.memory_space<hbm>>
      %dma_wait3A_129 = arith.constant 0 : i32
      %dma_wait3A_130 = tpu.memref_slice %arg4[%dma_wait3A_129] : memref<320000xi32, #tpu.memory_space<hbm>> -> memref<80xi32, #tpu.memory_space<hbm>>
      tpu.wait_dma2 semaphore(%arg20 : memref<!tpu.dma_semaphore, #tpu.memory_space<semaphore_mem>>) src(%dma_wait3A_130 : memref<80xi32, #tpu.memory_space<hbm>>) dst(%arg10 : memref<80xi32, #tpu.memory_space<vmem>>)
      %dma_start3A_131 = arith.constant 0 : i32
      %dma_start3A_132 = arith.constant 0 : i32
      %dma_start3A_133 = tpu.memref_slice %arg2[%dma_start3A_131, %dma_start3A_132] : memref<10000x128xf32, #tpu.memory_space<hbm>> -> memref<10000x128xf32, #tpu.memory_space<hbm>>
      tpu.enqueue_indirect_dma source(%dma_start3A_133 : memref<10000x128xf32, #tpu.memory_space<hbm>>) target(%arg13 : memref<80x128xf32, #tpu.memory_space<vmem>>) offsets(%arg7 : memref<80xi32, #tpu.memory_space<vmem>>) semaphore(%arg17 : memref<!tpu.dma_semaphore, #tpu.memory_space<semaphore_mem>>)
      "tpu.region"() ({
        %run_scoped3A = tpu.sem_alloc : memref<!tpu.dma_semaphore, #tpu.memory_space<semaphore_mem>>
        %dma_start3A_174 = arith.constant 0 : i32
        %dma_start3A_175 = arith.constant 0 : i32
        %dma_start3A_176 = tpu.memref_slice %arg23[%dma_start3A_174, %dma_start3A_175] : memref<10240x128xf32, #tpu.memory_space<vmem_shared>> -> memref<10240x128xf32, #tpu.memory_space<vmem_shared>>
        tpu.enqueue_indirect_dma source(%arg14 : memref<80x128xf32, #tpu.memory_space<vmem>>) target(%dma_start3A_176 : memref<10240x128xf32, #tpu.memory_space<vmem_shared>>) offsets(%arg11 : memref<80xi32, #tpu.memory_space<vmem>>) semaphore(%run_scoped3A : memref<!tpu.dma_semaphore, #tpu.memory_space<semaphore_mem>>) {add = true}
        %dma_wait3A_177 = arith.constant 0 : i32
        %dma_wait3A_178 = arith.constant 0 : i32
        %dma_wait3A_179 = tpu.memref_slice %arg23[%dma_wait3A_177, %dma_wait3A_178] : memref<10240x128xf32, #tpu.memory_space<vmem_shared>> -> memref<10240x128xf32, #tpu.memory_space<vmem_shared>>
        tpu.wait_indirect_dma semaphore(%run_scoped3A : memref<!tpu.dma_semaphore, #tpu.memory_space<semaphore_mem>>) src(%arg14 : memref<80x128xf32, #tpu.memory_space<vmem>>) dst(%dma_wait3A_179 : memref<10240x128xf32, #tpu.memory_space<vmem_shared>>)
        tpu.yield
      }) : () -> ()
      %add3A_134 = arith.constant 3 : i32
      %add3A_135 = arith.addi %add3A_119, %add3A_134 : i32
      %min3A_136 = arith.constant 124 : i32
      %min3A_137 = arith.minsi %add3A_135, %min3A_136 : i32
      %mul3A_138 = arith.constant 80 : i32
      %mul3A_139 = arith.muli %min3A_137, %mul3A_138 : i32
      %add3A_140 = arith.addi %mul3A_9, %mul3A_139 : i32
      %dma_start3A_141 = tpu.memref_slice %arg3[%add3A_140] : memref<320000xi32, #tpu.memory_space<hbm>> -> memref<80xi32, #tpu.memory_space<hbm>>
      %dma_start3A_142 = tpu.memref_slice %arg3[%add3A_140] : memref<320000xi32, #tpu.memory_space<hbm>> -> memref<80xi32, #tpu.memory_space<hbm>>
      tpu.enqueue_dma source(%dma_start3A_142 : memref<80xi32, #tpu.memory_space<hbm>>) target(%arg8 : memref<80xi32, #tpu.memory_space<vmem>>) target_semaphore(%arg21 : memref<!tpu.dma_semaphore, #tpu.memory_space<semaphore_mem>>)
      %dma_start3A_143 = tpu.memref_slice %arg4[%add3A_140] : memref<320000xi32, #tpu.memory_space<hbm>> -> memref<80xi32, #tpu.memory_space<hbm>>
      %dma_start3A_144 = tpu.memref_slice %arg4[%add3A_140] : memref<320000xi32, #tpu.memory_space<hbm>> -> memref<80xi32, #tpu.memory_space<hbm>>
      tpu.enqueue_dma source(%dma_start3A_144 : memref<80xi32, #tpu.memory_space<hbm>>) target(%arg11 : memref<80xi32, #tpu.memory_space<vmem>>) target_semaphore(%arg21 : memref<!tpu.dma_semaphore, #tpu.memory_space<semaphore_mem>>)
      %mul3A_145 = arith.constant 3 : i32
      %mul3A_146 = arith.muli %scan3A_86, %mul3A_145 : i32
      %add3A_147 = arith.constant 2 : i32
      %add3A_148 = arith.addi %mul3A_146, %add3A_147 : i32
      %dma_wait3A_149 = arith.constant 0 : i32
      %dma_wait3A_150 = arith.constant 0 : i32
      %dma_wait3A_151 = tpu.memref_slice %arg2[%dma_wait3A_149, %dma_wait3A_150] : memref<10000x128xf32, #tpu.memory_space<hbm>> -> memref<10000x128xf32, #tpu.memory_space<hbm>>
      tpu.wait_indirect_dma semaphore(%arg19 : memref<!tpu.dma_semaphore, #tpu.memory_space<semaphore_mem>>) src(%dma_wait3A_151 : memref<10000x128xf32, #tpu.memory_space<hbm>>) dst(%arg15 : memref<80x128xf32, #tpu.memory_space<vmem>>)
      %dma_wait3A_152 = arith.constant 0 : i32
      %dma_wait3A_153 = tpu.memref_slice %arg3[%dma_wait3A_152] : memref<320000xi32, #tpu.memory_space<hbm>> -> memref<80xi32, #tpu.memory_space<hbm>>
      %dma_wait3A_154 = arith.constant 0 : i32
      %dma_wait3A_155 = tpu.memref_slice %arg3[%dma_wait3A_154] : memref<320000xi32, #tpu.memory_space<hbm>> -> memref<80xi32, #tpu.memory_space<hbm>>
      tpu.wait_dma2 semaphore(%arg21 : memref<!tpu.dma_semaphore, #tpu.memory_space<semaphore_mem>>) src(%dma_wait3A_155 : memref<80xi32, #tpu.memory_space<hbm>>) dst(%arg8 : memref<80xi32, #tpu.memory_space<vmem>>)
      %dma_wait3A_156 = arith.constant 0 : i32
      %dma_wait3A_157 = tpu.memref_slice %arg4[%dma_wait3A_156] : memref<320000xi32, #tpu.memory_space<hbm>> -> memref<80xi32, #tpu.memory_space<hbm>>
      %dma_wait3A_158 = arith.constant 0 : i32
      %dma_wait3A_159 = tpu.memref_slice %arg4[%dma_wait3A_158] : memref<320000xi32, #tpu.memory_space<hbm>> -> memref<80xi32, #tpu.memory_space<hbm>>
      tpu.wait_dma2 semaphore(%arg21 : memref<!tpu.dma_semaphore, #tpu.memory_space<semaphore_mem>>) src(%dma_wait3A_159 : memref<80xi32, #tpu.memory_space<hbm>>) dst(%arg11 : memref<80xi32, #tpu.memory_space<vmem>>)
      %dma_start3A_160 = arith.constant 0 : i32
      %dma_start3A_161 = arith.constant 0 : i32
      %dma_start3A_162 = tpu.memref_slice %arg2[%dma_start3A_160, %dma_start3A_161] : memref<10000x128xf32, #tpu.memory_space<hbm>> -> memref<10000x128xf32, #tpu.memory_space<hbm>>
      tpu.enqueue_indirect_dma source(%dma_start3A_162 : memref<10000x128xf32, #tpu.memory_space<hbm>>) target(%arg14 : memref<80x128xf32, #tpu.memory_space<vmem>>) offsets(%arg8 : memref<80xi32, #tpu.memory_space<vmem>>) semaphore(%arg18 : memref<!tpu.dma_semaphore, #tpu.memory_space<semaphore_mem>>)
      "tpu.region"() ({
        %run_scoped3A = tpu.sem_alloc : memref<!tpu.dma_semaphore, #tpu.memory_space<semaphore_mem>>
        %dma_start3A_174 = arith.constant 0 : i32
        %dma_start3A_175 = arith.constant 0 : i32
        %dma_start3A_176 = tpu.memref_slice %arg23[%dma_start3A_174, %dma_start3A_175] : memref<10240x128xf32, #tpu.memory_space<vmem_shared>> -> memref<10240x128xf32, #tpu.memory_space<vmem_shared>>
        tpu.enqueue_indirect_dma source(%arg15 : memref<80x128xf32, #tpu.memory_space<vmem>>) target(%dma_start3A_176 : memref<10240x128xf32, #tpu.memory_space<vmem_shared>>) offsets(%arg12 : memref<80xi32, #tpu.memory_space<vmem>>) semaphore(%run_scoped3A : memref<!tpu.dma_semaphore, #tpu.memory_space<semaphore_mem>>) {add = true}
        %dma_wait3A_177 = arith.constant 0 : i32
        %dma_wait3A_178 = arith.constant 0 : i32
        %dma_wait3A_179 = tpu.memref_slice %arg23[%dma_wait3A_177, %dma_wait3A_178] : memref<10240x128xf32, #tpu.memory_space<vmem_shared>> -> memref<10240x128xf32, #tpu.memory_space<vmem_shared>>
        tpu.wait_indirect_dma semaphore(%run_scoped3A : memref<!tpu.dma_semaphore, #tpu.memory_space<semaphore_mem>>) src(%arg15 : memref<80x128xf32, #tpu.memory_space<vmem>>) dst(%dma_wait3A_179 : memref<10240x128xf32, #tpu.memory_space<vmem_shared>>)
        tpu.yield
      }) : () -> ()
      %add3A_163 = arith.constant 3 : i32
      %add3A_164 = arith.addi %add3A_148, %add3A_163 : i32
      %min3A_165 = arith.constant 124 : i32
      %min3A_166 = arith.minsi %add3A_164, %min3A_165 : i32
      %mul3A_167 = arith.constant 80 : i32
      %mul3A_168 = arith.muli %min3A_166, %mul3A_167 : i32
      %add3A_169 = arith.addi %mul3A_9, %mul3A_168 : i32
      %dma_start3A_170 = tpu.memref_slice %arg3[%add3A_169] : memref<320000xi32, #tpu.memory_space<hbm>> -> memref<80xi32, #tpu.memory_space<hbm>>
      %dma_start3A_171 = tpu.memref_slice %arg3[%add3A_169] : memref<320000xi32, #tpu.memory_space<hbm>> -> memref<80xi32, #tpu.memory_space<hbm>>
      tpu.enqueue_dma source(%dma_start3A_171 : memref<80xi32, #tpu.memory_space<hbm>>) target(%arg9 : memref<80xi32, #tpu.memory_space<vmem>>) target_semaphore(%arg22 : memref<!tpu.dma_semaphore, #tpu.memory_space<semaphore_mem>>)
      %dma_start3A_172 = tpu.memref_slice %arg4[%add3A_169] : memref<320000xi32, #tpu.memory_space<hbm>> -> memref<80xi32, #tpu.memory_space<hbm>>
      %dma_start3A_173 = tpu.memref_slice %arg4[%add3A_169] : memref<320000xi32, #tpu.memory_space<hbm>> -> memref<80xi32, #tpu.memory_space<hbm>>
      tpu.enqueue_dma source(%dma_start3A_173 : memref<80xi32, #tpu.memory_space<hbm>>) target(%arg12 : memref<80xi32, #tpu.memory_space<vmem>>) target_semaphore(%arg22 : memref<!tpu.dma_semaphore, #tpu.memory_space<semaphore_mem>>)
    }
    %scan3A_64 = arith.constant 41 : i32
    %dma_wait3A_65 = arith.constant 0 : i32
    %dma_wait3A_66 = arith.constant 0 : i32
    %dma_wait3A_67 = tpu.memref_slice %arg2[%dma_wait3A_65, %dma_wait3A_66] : memref<10000x128xf32, #tpu.memory_space<hbm>> -> memref<10000x128xf32, #tpu.memory_space<hbm>>
    tpu.wait_indirect_dma semaphore(%arg17 : memref<!tpu.dma_semaphore, #tpu.memory_space<semaphore_mem>>) src(%dma_wait3A_67 : memref<10000x128xf32, #tpu.memory_space<hbm>>) dst(%arg13 : memref<80x128xf32, #tpu.memory_space<vmem>>)
    "tpu.region"() ({
      %run_scoped3A = tpu.sem_alloc : memref<!tpu.dma_semaphore, #tpu.memory_space<semaphore_mem>>
      %dma_start3A_86 = arith.constant 0 : i32
      %dma_start3A_87 = arith.constant 0 : i32
      %dma_start3A_88 = tpu.memref_slice %arg23[%dma_start3A_86, %dma_start3A_87] : memref<10240x128xf32, #tpu.memory_space<vmem_shared>> -> memref<10240x128xf32, #tpu.memory_space<vmem_shared>>
      tpu.enqueue_indirect_dma source(%arg13 : memref<80x128xf32, #tpu.memory_space<vmem>>) target(%dma_start3A_88 : memref<10240x128xf32, #tpu.memory_space<vmem_shared>>) offsets(%arg10 : memref<80xi32, #tpu.memory_space<vmem>>) semaphore(%run_scoped3A : memref<!tpu.dma_semaphore, #tpu.memory_space<semaphore_mem>>) {add = true}
      %dma_wait3A_89 = arith.constant 0 : i32
      %dma_wait3A_90 = arith.constant 0 : i32
      %dma_wait3A_91 = tpu.memref_slice %arg23[%dma_wait3A_89, %dma_wait3A_90] : memref<10240x128xf32, #tpu.memory_space<vmem_shared>> -> memref<10240x128xf32, #tpu.memory_space<vmem_shared>>
      tpu.wait_indirect_dma semaphore(%run_scoped3A : memref<!tpu.dma_semaphore, #tpu.memory_space<semaphore_mem>>) src(%arg13 : memref<80x128xf32, #tpu.memory_space<vmem>>) dst(%dma_wait3A_91 : memref<10240x128xf32, #tpu.memory_space<vmem_shared>>)
      tpu.yield
    }) : () -> ()
    %dma_wait3A_68 = arith.constant 0 : i32
    %dma_wait3A_69 = arith.constant 0 : i32
    %dma_wait3A_70 = tpu.memref_slice %arg2[%dma_wait3A_68, %dma_wait3A_69] : memref<10000x128xf32, #tpu.memory_space<hbm>> -> memref<10000x128xf32, #tpu.memory_space<hbm>>
    tpu.wait_indirect_dma semaphore(%arg18 : memref<!tpu.dma_semaphore, #tpu.memory_space<semaphore_mem>>) src(%dma_wait3A_70 : memref<10000x128xf32, #tpu.memory_space<hbm>>) dst(%arg14 : memref<80x128xf32, #tpu.memory_space<vmem>>)
    "tpu.region"() ({
      %run_scoped3A = tpu.sem_alloc : memref<!tpu.dma_semaphore, #tpu.memory_space<semaphore_mem>>
      %dma_start3A_86 = arith.constant 0 : i32
      %dma_start3A_87 = arith.constant 0 : i32
      %dma_start3A_88 = tpu.memref_slice %arg23[%dma_start3A_86, %dma_start3A_87] : memref<10240x128xf32, #tpu.memory_space<vmem_shared>> -> memref<10240x128xf32, #tpu.memory_space<vmem_shared>>
      tpu.enqueue_indirect_dma source(%arg14 : memref<80x128xf32, #tpu.memory_space<vmem>>) target(%dma_start3A_88 : memref<10240x128xf32, #tpu.memory_space<vmem_shared>>) offsets(%arg11 : memref<80xi32, #tpu.memory_space<vmem>>) semaphore(%run_scoped3A : memref<!tpu.dma_semaphore, #tpu.memory_space<semaphore_mem>>) {add = true}
      %dma_wait3A_89 = arith.constant 0 : i32
      %dma_wait3A_90 = arith.constant 0 : i32
      %dma_wait3A_91 = tpu.memref_slice %arg23[%dma_wait3A_89, %dma_wait3A_90] : memref<10240x128xf32, #tpu.memory_space<vmem_shared>> -> memref<10240x128xf32, #tpu.memory_space<vmem_shared>>
      tpu.wait_indirect_dma semaphore(%run_scoped3A : memref<!tpu.dma_semaphore, #tpu.memory_space<semaphore_mem>>) src(%arg14 : memref<80x128xf32, #tpu.memory_space<vmem>>) dst(%dma_wait3A_91 : memref<10240x128xf32, #tpu.memory_space<vmem_shared>>)
      tpu.yield
    }) : () -> ()
    %dma_wait3A_71 = arith.constant 0 : i32
    %dma_wait3A_72 = tpu.memref_slice %arg3[%dma_wait3A_71] : memref<320000xi32, #tpu.memory_space<hbm>> -> memref<80xi32, #tpu.memory_space<hbm>>
    %dma_wait3A_73 = arith.constant 0 : i32
    %dma_wait3A_74 = tpu.memref_slice %arg3[%dma_wait3A_73] : memref<320000xi32, #tpu.memory_space<hbm>> -> memref<80xi32, #tpu.memory_space<hbm>>
    tpu.wait_dma2 semaphore(%arg22 : memref<!tpu.dma_semaphore, #tpu.memory_space<semaphore_mem>>) src(%dma_wait3A_74 : memref<80xi32, #tpu.memory_space<hbm>>) dst(%arg9 : memref<80xi32, #tpu.memory_space<vmem>>)
    %dma_wait3A_75 = arith.constant 0 : i32
    %dma_wait3A_76 = tpu.memref_slice %arg4[%dma_wait3A_75] : memref<320000xi32, #tpu.memory_space<hbm>> -> memref<80xi32, #tpu.memory_space<hbm>>
    %dma_wait3A_77 = arith.constant 0 : i32
    %dma_wait3A_78 = tpu.memref_slice %arg4[%dma_wait3A_77] : memref<320000xi32, #tpu.memory_space<hbm>> -> memref<80xi32, #tpu.memory_space<hbm>>
    tpu.wait_dma2 semaphore(%arg22 : memref<!tpu.dma_semaphore, #tpu.memory_space<semaphore_mem>>) src(%dma_wait3A_78 : memref<80xi32, #tpu.memory_space<hbm>>) dst(%arg12 : memref<80xi32, #tpu.memory_space<vmem>>)
    %barrier3A_79 = arith.constant 0 : index
    tpu.barrier barrier_id(%barrier3A_79)
    %scan3A_80 = arith.constant 0 : i32
    %scan3A_81 = arith.constant 0 : i32
    %scan3A_82 = arith.constant 20 : i32
    %scan3A_83 = arith.addi %scan3A_81, %scan3A_82 : i32
    %scan3A_84 = arith.constant 1 : i32
    scf.for %scan3A_86 = %scan3A_81 to %scan3A_83 step %scan3A_84  : i32 {
      %mul3A_87 = arith.constant 32 : i32
      %mul3A_88 = arith.muli %scan3A_86, %mul3A_87 : i32
      %add3A_89 = arith.addi %mul3A_2, %mul3A_88 : i32
      "tpu.region"() ({
        %run_scoped3A = tpu.sem_alloc : memref<!tpu.dma_semaphore, #tpu.memory_space<semaphore_mem>>
        %dma_start3A_90 = arith.constant 0 : i32
        %dma_start3A_91 = tpu.memref_slice %arg23[%add3A_89, %dma_start3A_90] : memref<10240x128xf32, #tpu.memory_space<vmem_shared>> -> memref<32x128xf32, #tpu.memory_space<vmem_shared>>
        %dma_start3A_92 = arith.constant 0 : i32
        %dma_start3A_93 = tpu.memref_slice %arg23[%add3A_89, %dma_start3A_92] : memref<10240x128xf32, #tpu.memory_space<vmem_shared>> -> memref<32x128xf32, #tpu.memory_space<vmem_shared>>
        tpu.enqueue_dma source(%dma_start3A_93 : memref<32x128xf32, #tpu.memory_space<vmem_shared>>) target(%arg16 : memref<32x128xf32, #tpu.memory_space<vmem>>) target_semaphore(%run_scoped3A : memref<!tpu.dma_semaphore, #tpu.memory_space<semaphore_mem>>)
        %dma_wait3A_94 = arith.constant 0 : i32
        %dma_wait3A_95 = tpu.memref_slice %arg23[%add3A_89, %dma_wait3A_94] : memref<10240x128xf32, #tpu.memory_space<vmem_shared>> -> memref<32x128xf32, #tpu.memory_space<vmem_shared>>
        %dma_wait3A_96 = arith.constant 0 : i32
        %dma_wait3A_97 = tpu.memref_slice %arg23[%add3A_89, %dma_wait3A_96] : memref<10240x128xf32, #tpu.memory_space<vmem_shared>> -> memref<32x128xf32, #tpu.memory_space<vmem_shared>>
        tpu.wait_dma2 semaphore(%run_scoped3A : memref<!tpu.dma_semaphore, #tpu.memory_space<semaphore_mem>>) src(%dma_wait3A_97 : memref<32x128xf32, #tpu.memory_space<vmem_shared>>) dst(%arg16 : memref<32x128xf32, #tpu.memory_space<vmem>>)
        tpu.yield
      }) : () -> ()
      "tpu.region"() ({
        %run_scoped3A = tpu.sem_alloc : memref<!tpu.dma_semaphore, #tpu.memory_space<semaphore_mem>>
        %dma_start3A_90 = arith.constant 0 : i32
        %dma_start3A_91 = tpu.memref_slice %arg6[%arg0, %add3A_89, %dma_start3A_90] : memref<2x10240x128xf32, #tpu.memory_space<hbm>> -> memref<1x32x128xf32, #tpu.memory_space<hbm>>
        %dma_start3A_92 = tpu.memref_squeeze %dma_start3A_91 : memref<1x32x128xf32, #tpu.memory_space<hbm>> -> memref<32x128xf32, #tpu.memory_space<hbm>>
        %dma_start3A_93 = arith.constant 0 : i32
        %dma_start3A_94 = tpu.memref_slice %arg6[%arg0, %add3A_89, %dma_start3A_93] : memref<2x10240x128xf32, #tpu.memory_space<hbm>> -> memref<1x32x128xf32, #tpu.memory_space<hbm>>
        %dma_start3A_95 = tpu.memref_squeeze %dma_start3A_94 : memref<1x32x128xf32, #tpu.memory_space<hbm>> -> memref<32x128xf32, #tpu.memory_space<hbm>>
        tpu.enqueue_dma source(%arg16 : memref<32x128xf32, #tpu.memory_space<vmem>>) target(%dma_start3A_95 : memref<32x128xf32, #tpu.memory_space<hbm>>) target_semaphore(%run_scoped3A : memref<!tpu.dma_semaphore, #tpu.memory_space<semaphore_mem>>)
        %dma_wait3A_96 = arith.constant 0 : i32
        %dma_wait3A_97 = tpu.memref_slice %arg6[%arg0, %add3A_89, %dma_wait3A_96] : memref<2x10240x128xf32, #tpu.memory_space<hbm>> -> memref<1x32x128xf32, #tpu.memory_space<hbm>>
        %dma_wait3A_98 = tpu.memref_squeeze %dma_wait3A_97 : memref<1x32x128xf32, #tpu.memory_space<hbm>> -> memref<32x128xf32, #tpu.memory_space<hbm>>
        %dma_wait3A_99 = arith.constant 0 : i32
        %dma_wait3A_100 = tpu.memref_slice %arg6[%arg0, %add3A_89, %dma_wait3A_99] : memref<2x10240x128xf32, #tpu.memory_space<hbm>> -> memref<1x32x128xf32, #tpu.memory_space<hbm>>
        %dma_wait3A_101 = tpu.memref_squeeze %dma_wait3A_100 : memref<1x32x128xf32, #tpu.memory_space<hbm>> -> memref<32x128xf32, #tpu.memory_space<hbm>>
        tpu.wait_dma2 semaphore(%run_scoped3A : memref<!tpu.dma_semaphore, #tpu.memory_space<semaphore_mem>>) src(%arg16 : memref<32x128xf32, #tpu.memory_space<vmem>>) dst(%dma_wait3A_101 : memref<32x128xf32, #tpu.memory_space<hbm>>)
        tpu.yield
      }) : () -> ()
    }
    %scan3A_85 = arith.constant 20 : i32
    return
  }
}

#map = affine_map<(d0, d1) -> (0, 0)>
#map1 = affine_map<(d0, d1) -> (0)>
#map2 = affine_map<(d0, d1) -> (0, 0, 0)>
module attributes {stable_mosaic.version = 14 : i64} {
  func.func @_seg(%arg0: i32, %arg1: i32, %arg2: memref<10000x128xf32, #tpu.memory_space<hbm>>, %arg3: memref<320000xi32, #tpu.memory_space<hbm>>, %arg4: memref<320000xi32, #tpu.memory_space<hbm>>, %arg5: memref<32x128xf32, #tpu.memory_space<hbm>>, %arg6: memref<2x10240x128xf32, #tpu.memory_space<hbm>>, %arg7: memref<80xi32, #tpu.memory_space<vmem>>, %arg8: memref<80xi32, #tpu.memory_space<vmem>>, %arg9: memref<80xi32, #tpu.memory_space<vmem>>, %arg10: memref<80xi32, #tpu.memory_space<vmem>>, %arg11: memref<80xi32, #tpu.memory_space<vmem>>, %arg12: memref<80xi32, #tpu.memory_space<vmem>>, %arg13: memref<80x128xf32, #tpu.memory_space<vmem>>, %arg14: memref<80x128xf32, #tpu.memory_space<vmem>>, %arg15: memref<80x128xf32, #tpu.memory_space<vmem>>, %arg16: memref<32x128xf32, #tpu.memory_space<vmem>>, %arg17: memref<!tpu.dma_semaphore, #tpu.memory_space<semaphore_mem>>, %arg18: memref<!tpu.dma_semaphore, #tpu.memory_space<semaphore_mem>>, %arg19: memref<!tpu.dma_semaphore, #tpu.memory_space<semaphore_mem>>, %arg20: memref<!tpu.dma_semaphore, #tpu.memory_space<semaphore_mem>>, %arg21: memref<!tpu.dma_semaphore, #tpu.memory_space<semaphore_mem>>, %arg22: memref<!tpu.dma_semaphore, #tpu.memory_space<semaphore_mem>>, %arg23: memref<10240x128xf32, #tpu.memory_space<vmem_shared>>) attributes {dimension_semantics = [#tpu.dimension_semantics<core_parallel>, #tpu.dimension_semantics<subcore_parallel>], iteration_bounds = array<i64: 2, 16>, scalar_prefetch = 0 : i64, scratch_operands = 17 : i64, tpu.core_type = #tpu.core_type<sc_vector_subcore>, window_params = [{transform_indices = #map}, {transform_indices = #map1}, {transform_indices = #map1}, {transform_indices = #map}, {transform_indices = #map2}]} {
    %mul3A = arith.constant 2 : i32
    %mul3A_0 = arith.muli %arg1, %mul3A : i32
    %add3A = arith.addi %mul3A_0, %arg0 : i32
    %mul3A_1 = arith.constant 640 : i32
    %mul3A_2 = arith.muli %arg1, %mul3A_1 : i32
    "tpu.region"() ({
      %run_scoped3A = tpu.sem_alloc : memref<!tpu.dma_semaphore, #tpu.memory_space<semaphore_mem>>
      tpu.enqueue_dma source(%arg5 : memref<32x128xf32, #tpu.memory_space<hbm>>) target(%arg16 : memref<32x128xf32, #tpu.memory_space<vmem>>) target_semaphore(%run_scoped3A : memref<!tpu.dma_semaphore, #tpu.memory_space<semaphore_mem>>)
      tpu.wait_dma2 semaphore(%run_scoped3A : memref<!tpu.dma_semaphore, #tpu.memory_space<semaphore_mem>>) src(%arg5 : memref<32x128xf32, #tpu.memory_space<hbm>>) dst(%arg16 : memref<32x128xf32, #tpu.memory_space<vmem>>)
      tpu.yield
    }) : () -> ()
    %scan3A = arith.constant 0 : i32
    %scan3A_3 = arith.constant 0 : i32
    %scan3A_4 = arith.constant 20 : i32
    %scan3A_5 = arith.addi %scan3A_3, %scan3A_4 : i32
    %scan3A_6 = arith.constant 1 : i32
    scf.for %scan3A_86 = %scan3A_3 to %scan3A_5 step %scan3A_6  : i32 {
      %mul3A_87 = arith.constant 32 : i32
      %mul3A_88 = arith.muli %scan3A_86, %mul3A_87 : i32
      %add3A_89 = arith.addi %mul3A_2, %mul3A_88 : i32
      "tpu.region"() ({
        %run_scoped3A = tpu.sem_alloc : memref<!tpu.dma_semaphore, #tpu.memory_space<semaphore_mem>>
        %dma_start3A_90 = arith.constant 0 : i32
        %dma_start3A_91 = tpu.memref_slice %arg23[%add3A_89, %dma_start3A_90] : memref<10240x128xf32, #tpu.memory_space<vmem_shared>> -> memref<32x128xf32, #tpu.memory_space<vmem_shared>>
        %dma_start3A_92 = arith.constant 0 : i32
        %dma_start3A_93 = tpu.memref_slice %arg23[%add3A_89, %dma_start3A_92] : memref<10240x128xf32, #tpu.memory_space<vmem_shared>> -> memref<32x128xf32, #tpu.memory_space<vmem_shared>>
        tpu.enqueue_dma source(%arg16 : memref<32x128xf32, #tpu.memory_space<vmem>>) target(%dma_start3A_93 : memref<32x128xf32, #tpu.memory_space<vmem_shared>>) target_semaphore(%run_scoped3A : memref<!tpu.dma_semaphore, #tpu.memory_space<semaphore_mem>>)
        %dma_wait3A_94 = arith.constant 0 : i32
        %dma_wait3A_95 = tpu.memref_slice %arg23[%add3A_89, %dma_wait3A_94] : memref<10240x128xf32, #tpu.memory_space<vmem_shared>> -> memref<32x128xf32, #tpu.memory_space<vmem_shared>>
        %dma_wait3A_96 = arith.constant 0 : i32
        %dma_wait3A_97 = tpu.memref_slice %arg23[%add3A_89, %dma_wait3A_96] : memref<10240x128xf32, #tpu.memory_space<vmem_shared>> -> memref<32x128xf32, #tpu.memory_space<vmem_shared>>
        tpu.wait_dma2 semaphore(%run_scoped3A : memref<!tpu.dma_semaphore, #tpu.memory_space<semaphore_mem>>) src(%arg16 : memref<32x128xf32, #tpu.memory_space<vmem>>) dst(%dma_wait3A_97 : memref<32x128xf32, #tpu.memory_space<vmem_shared>>)
        tpu.yield
      }) : () -> ()
    }
    %scan3A_7 = arith.constant 20 : i32
    %barrier3A = arith.constant 0 : index
    tpu.barrier barrier_id(%barrier3A)
    %mul3A_8 = arith.constant 10000 : i32
    %mul3A_9 = arith.muli %add3A, %mul3A_8 : i32
    %min3A = arith.constant 0 : i32
    %min3A_10 = arith.constant 124 : i32
    %min3A_11 = arith.minsi %min3A, %min3A_10 : i32
    %mul3A_12 = arith.constant 80 : i32
    %mul3A_13 = arith.muli %min3A_11, %mul3A_12 : i32
    %add3A_14 = arith.addi %mul3A_9, %mul3A_13 : i32
    %dma_start3A = tpu.memref_slice %arg3[%add3A_14] : memref<320000xi32, #tpu.memory_space<hbm>> -> memref<80xi32, #tpu.memory_space<hbm>>
    %dma_start3A_15 = tpu.memref_slice %arg3[%add3A_14] : memref<320000xi32, #tpu.memory_space<hbm>> -> memref<80xi32, #tpu.memory_space<hbm>>
    tpu.enqueue_dma source(%dma_start3A_15 : memref<80xi32, #tpu.memory_space<hbm>>) target(%arg7 : memref<80xi32, #tpu.memory_space<vmem>>) target_semaphore(%arg20 : memref<!tpu.dma_semaphore, #tpu.memory_space<semaphore_mem>>)
    %dma_start3A_16 = tpu.memref_slice %arg4[%add3A_14] : memref<320000xi32, #tpu.memory_space<hbm>> -> memref<80xi32, #tpu.memory_space<hbm>>
    %dma_start3A_17 = tpu.memref_slice %arg4[%add3A_14] : memref<320000xi32, #tpu.memory_space<hbm>> -> memref<80xi32, #tpu.memory_space<hbm>>
    tpu.enqueue_dma source(%dma_start3A_17 : memref<80xi32, #tpu.memory_space<hbm>>) target(%arg10 : memref<80xi32, #tpu.memory_space<vmem>>) target_semaphore(%arg20 : memref<!tpu.dma_semaphore, #tpu.memory_space<semaphore_mem>>)
    %min3A_18 = arith.constant 1 : i32
    %min3A_19 = arith.constant 124 : i32
    %min3A_20 = arith.minsi %min3A_18, %min3A_19 : i32
    %mul3A_21 = arith.constant 80 : i32
    %mul3A_22 = arith.muli %min3A_20, %mul3A_21 : i32
    %add3A_23 = arith.addi %mul3A_9, %mul3A_22 : i32
    %dma_start3A_24 = tpu.memref_slice %arg3[%add3A_23] : memref<320000xi32, #tpu.memory_space<hbm>> -> memref<80xi32, #tpu.memory_space<hbm>>
    %dma_start3A_25 = tpu.memref_slice %arg3[%add3A_23] : memref<320000xi32, #tpu.memory_space<hbm>> -> memref<80xi32, #tpu.memory_space<hbm>>
    tpu.enqueue_dma source(%dma_start3A_25 : memref<80xi32, #tpu.memory_space<hbm>>) target(%arg8 : memref<80xi32, #tpu.memory_space<vmem>>) target_semaphore(%arg21 : memref<!tpu.dma_semaphore, #tpu.memory_space<semaphore_mem>>)
    %dma_start3A_26 = tpu.memref_slice %arg4[%add3A_23] : memref<320000xi32, #tpu.memory_space<hbm>> -> memref<80xi32, #tpu.memory_space<hbm>>
    %dma_start3A_27 = tpu.memref_slice %arg4[%add3A_23] : memref<320000xi32, #tpu.memory_space<hbm>> -> memref<80xi32, #tpu.memory_space<hbm>>
    tpu.enqueue_dma source(%dma_start3A_27 : memref<80xi32, #tpu.memory_space<hbm>>) target(%arg11 : memref<80xi32, #tpu.memory_space<vmem>>) target_semaphore(%arg21 : memref<!tpu.dma_semaphore, #tpu.memory_space<semaphore_mem>>)
    %min3A_28 = arith.constant 2 : i32
    %min3A_29 = arith.constant 124 : i32
    %min3A_30 = arith.minsi %min3A_28, %min3A_29 : i32
    %mul3A_31 = arith.constant 80 : i32
    %mul3A_32 = arith.muli %min3A_30, %mul3A_31 : i32
    %add3A_33 = arith.addi %mul3A_9, %mul3A_32 : i32
    %dma_start3A_34 = tpu.memref_slice %arg3[%add3A_33] : memref<320000xi32, #tpu.memory_space<hbm>> -> memref<80xi32, #tpu.memory_space<hbm>>
    %dma_start3A_35 = tpu.memref_slice %arg3[%add3A_33] : memref<320000xi32, #tpu.memory_space<hbm>> -> memref<80xi32, #tpu.memory_space<hbm>>
    tpu.enqueue_dma source(%dma_start3A_35 : memref<80xi32, #tpu.memory_space<hbm>>) target(%arg9 : memref<80xi32, #tpu.memory_space<vmem>>) target_semaphore(%arg22 : memref<!tpu.dma_semaphore, #tpu.memory_space<semaphore_mem>>)
    %dma_start3A_36 = tpu.memref_slice %arg4[%add3A_33] : memref<320000xi32, #tpu.memory_space<hbm>> -> memref<80xi32, #tpu.memory_space<hbm>>
    %dma_start3A_37 = tpu.memref_slice %arg4[%add3A_33] : memref<320000xi32, #tpu.memory_space<hbm>> -> memref<80xi32, #tpu.memory_space<hbm>>
    tpu.enqueue_dma source(%dma_start3A_37 : memref<80xi32, #tpu.memory_space<hbm>>) target(%arg12 : memref<80xi32, #tpu.memory_space<vmem>>) target_semaphore(%arg22 : memref<!tpu.dma_semaphore, #tpu.memory_space<semaphore_mem>>)
    %dma_wait3A = arith.constant 0 : i32
    %dma_wait3A_38 = tpu.memref_slice %arg3[%dma_wait3A] : memref<320000xi32, #tpu.memory_space<hbm>> -> memref<80xi32, #tpu.memory_space<hbm>>
    %dma_wait3A_39 = arith.constant 0 : i32
    %dma_wait3A_40 = tpu.memref_slice %arg3[%dma_wait3A_39] : memref<320000xi32, #tpu.memory_space<hbm>> -> memref<80xi32, #tpu.memory_space<hbm>>
    tpu.wait_dma2 semaphore(%arg20 : memref<!tpu.dma_semaphore, #tpu.memory_space<semaphore_mem>>) src(%dma_wait3A_40 : memref<80xi32, #tpu.memory_space<hbm>>) dst(%arg7 : memref<80xi32, #tpu.memory_space<vmem>>)
    %dma_wait3A_41 = arith.constant 0 : i32
    %dma_wait3A_42 = tpu.memref_slice %arg4[%dma_wait3A_41] : memref<320000xi32, #tpu.memory_space<hbm>> -> memref<80xi32, #tpu.memory_space<hbm>>
    %dma_wait3A_43 = arith.constant 0 : i32
    %dma_wait3A_44 = tpu.memref_slice %arg4[%dma_wait3A_43] : memref<320000xi32, #tpu.memory_space<hbm>> -> memref<80xi32, #tpu.memory_space<hbm>>
    tpu.wait_dma2 semaphore(%arg20 : memref<!tpu.dma_semaphore, #tpu.memory_space<semaphore_mem>>) src(%dma_wait3A_44 : memref<80xi32, #tpu.memory_space<hbm>>) dst(%arg10 : memref<80xi32, #tpu.memory_space<vmem>>)
    %dma_start3A_45 = arith.constant 0 : i32
    %dma_start3A_46 = arith.constant 0 : i32
    %dma_start3A_47 = tpu.memref_slice %arg2[%dma_start3A_45, %dma_start3A_46] : memref<10000x128xf32, #tpu.memory_space<hbm>> -> memref<10000x128xf32, #tpu.memory_space<hbm>>
    tpu.enqueue_indirect_dma source(%dma_start3A_47 : memref<10000x128xf32, #tpu.memory_space<hbm>>) target(%arg13 : memref<80x128xf32, #tpu.memory_space<vmem>>) offsets(%arg7 : memref<80xi32, #tpu.memory_space<vmem>>) semaphore(%arg17 : memref<!tpu.dma_semaphore, #tpu.memory_space<semaphore_mem>>)
    %dma_wait3A_48 = arith.constant 0 : i32
    %dma_wait3A_49 = tpu.memref_slice %arg3[%dma_wait3A_48] : memref<320000xi32, #tpu.memory_space<hbm>> -> memref<80xi32, #tpu.memory_space<hbm>>
    %dma_wait3A_50 = arith.constant 0 : i32
    %dma_wait3A_51 = tpu.memref_slice %arg3[%dma_wait3A_50] : memref<320000xi32, #tpu.memory_space<hbm>> -> memref<80xi32, #tpu.memory_space<hbm>>
    tpu.wait_dma2 semaphore(%arg21 : memref<!tpu.dma_semaphore, #tpu.memory_space<semaphore_mem>>) src(%dma_wait3A_51 : memref<80xi32, #tpu.memory_space<hbm>>) dst(%arg8 : memref<80xi32, #tpu.memory_space<vmem>>)
    %dma_wait3A_52 = arith.constant 0 : i32
    %dma_wait3A_53 = tpu.memref_slice %arg4[%dma_wait3A_52] : memref<320000xi32, #tpu.memory_space<hbm>> -> memref<80xi32, #tpu.memory_space<hbm>>
    %dma_wait3A_54 = arith.constant 0 : i32
    %dma_wait3A_55 = tpu.memref_slice %arg4[%dma_wait3A_54] : memref<320000xi32, #tpu.memory_space<hbm>> -> memref<80xi32, #tpu.memory_space<hbm>>
    tpu.wait_dma2 semaphore(%arg21 : memref<!tpu.dma_semaphore, #tpu.memory_space<semaphore_mem>>) src(%dma_wait3A_55 : memref<80xi32, #tpu.memory_space<hbm>>) dst(%arg11 : memref<80xi32, #tpu.memory_space<vmem>>)
    %dma_start3A_56 = arith.constant 0 : i32
    %dma_start3A_57 = arith.constant 0 : i32
    %dma_start3A_58 = tpu.memref_slice %arg2[%dma_start3A_56, %dma_start3A_57] : memref<10000x128xf32, #tpu.memory_space<hbm>> -> memref<10000x128xf32, #tpu.memory_space<hbm>>
    tpu.enqueue_indirect_dma source(%dma_start3A_58 : memref<10000x128xf32, #tpu.memory_space<hbm>>) target(%arg14 : memref<80x128xf32, #tpu.memory_space<vmem>>) offsets(%arg8 : memref<80xi32, #tpu.memory_space<vmem>>) semaphore(%arg18 : memref<!tpu.dma_semaphore, #tpu.memory_space<semaphore_mem>>)
    %scan3A_59 = arith.constant 0 : i32
    %scan3A_60 = arith.constant 0 : i32
    %scan3A_61 = arith.constant 41 : i32
    %scan3A_62 = arith.addi %scan3A_60, %scan3A_61 : i32
    %scan3A_63 = arith.constant 1 : i32
    scf.for %scan3A_86 = %scan3A_60 to %scan3A_62 step %scan3A_63  : i32 {
      %mul3A_87 = arith.constant 3 : i32
      %mul3A_88 = arith.muli %scan3A_86, %mul3A_87 : i32
      %add3A_89 = arith.constant 0 : i32
      %add3A_90 = arith.addi %mul3A_88, %add3A_89 : i32
      %dma_wait3A_91 = arith.constant 0 : i32
      %dma_wait3A_92 = arith.constant 0 : i32
      %dma_wait3A_93 = tpu.memref_slice %arg2[%dma_wait3A_91, %dma_wait3A_92] : memref<10000x128xf32, #tpu.memory_space<hbm>> -> memref<10000x128xf32, #tpu.memory_space<hbm>>
      tpu.wait_indirect_dma semaphore(%arg17 : memref<!tpu.dma_semaphore, #tpu.memory_space<semaphore_mem>>) src(%dma_wait3A_93 : memref<10000x128xf32, #tpu.memory_space<hbm>>) dst(%arg13 : memref<80x128xf32, #tpu.memory_space<vmem>>)
      %dma_wait3A_94 = arith.constant 0 : i32
      %dma_wait3A_95 = tpu.memref_slice %arg3[%dma_wait3A_94] : memref<320000xi32, #tpu.memory_space<hbm>> -> memref<80xi32, #tpu.memory_space<hbm>>
      %dma_wait3A_96 = arith.constant 0 : i32
      %dma_wait3A_97 = tpu.memref_slice %arg3[%dma_wait3A_96] : memref<320000xi32, #tpu.memory_space<hbm>> -> memref<80xi32, #tpu.memory_space<hbm>>
      tpu.wait_dma2 semaphore(%arg22 : memref<!tpu.dma_semaphore, #tpu.memory_space<semaphore_mem>>) src(%dma_wait3A_97 : memref<80xi32, #tpu.memory_space<hbm>>) dst(%arg9 : memref<80xi32, #tpu.memory_space<vmem>>)
      %dma_wait3A_98 = arith.constant 0 : i32
      %dma_wait3A_99 = tpu.memref_slice %arg4[%dma_wait3A_98] : memref<320000xi32, #tpu.memory_space<hbm>> -> memref<80xi32, #tpu.memory_space<hbm>>
      %dma_wait3A_100 = arith.constant 0 : i32
      %dma_wait3A_101 = tpu.memref_slice %arg4[%dma_wait3A_100] : memref<320000xi32, #tpu.memory_space<hbm>> -> memref<80xi32, #tpu.memory_space<hbm>>
      tpu.wait_dma2 semaphore(%arg22 : memref<!tpu.dma_semaphore, #tpu.memory_space<semaphore_mem>>) src(%dma_wait3A_101 : memref<80xi32, #tpu.memory_space<hbm>>) dst(%arg12 : memref<80xi32, #tpu.memory_space<vmem>>)
      %dma_start3A_102 = arith.constant 0 : i32
      %dma_start3A_103 = arith.constant 0 : i32
      %dma_start3A_104 = tpu.memref_slice %arg2[%dma_start3A_102, %dma_start3A_103] : memref<10000x128xf32, #tpu.memory_space<hbm>> -> memref<10000x128xf32, #tpu.memory_space<hbm>>
      tpu.enqueue_indirect_dma source(%dma_start3A_104 : memref<10000x128xf32, #tpu.memory_space<hbm>>) target(%arg15 : memref<80x128xf32, #tpu.memory_space<vmem>>) offsets(%arg9 : memref<80xi32, #tpu.memory_space<vmem>>) semaphore(%arg19 : memref<!tpu.dma_semaphore, #tpu.memory_space<semaphore_mem>>)
      "tpu.region"() ({
        %run_scoped3A = tpu.sem_alloc : memref<!tpu.dma_semaphore, #tpu.memory_space<semaphore_mem>>
        %dma_start3A_174 = arith.constant 0 : i32
        %dma_start3A_175 = arith.constant 0 : i32
        %dma_start3A_176 = tpu.memref_slice %arg23[%dma_start3A_174, %dma_start3A_175] : memref<10240x128xf32, #tpu.memory_space<vmem_shared>> -> memref<10240x128xf32, #tpu.memory_space<vmem_shared>>
        tpu.enqueue_indirect_dma source(%arg13 : memref<80x128xf32, #tpu.memory_space<vmem>>) target(%dma_start3A_176 : memref<10240x128xf32, #tpu.memory_space<vmem_shared>>) offsets(%arg10 : memref<80xi32, #tpu.memory_space<vmem>>) semaphore(%run_scoped3A : memref<!tpu.dma_semaphore, #tpu.memory_space<semaphore_mem>>) {add = true}
        %dma_wait3A_177 = arith.constant 0 : i32
        %dma_wait3A_178 = arith.constant 0 : i32
        %dma_wait3A_179 = tpu.memref_slice %arg23[%dma_wait3A_177, %dma_wait3A_178] : memref<10240x128xf32, #tpu.memory_space<vmem_shared>> -> memref<10240x128xf32, #tpu.memory_space<vmem_shared>>
        tpu.wait_indirect_dma semaphore(%run_scoped3A : memref<!tpu.dma_semaphore, #tpu.memory_space<semaphore_mem>>) src(%arg13 : memref<80x128xf32, #tpu.memory_space<vmem>>) dst(%dma_wait3A_179 : memref<10240x128xf32, #tpu.memory_space<vmem_shared>>)
        tpu.yield
      }) : () -> ()
      %add3A_105 = arith.constant 3 : i32
      %add3A_106 = arith.addi %add3A_90, %add3A_105 : i32
      %min3A_107 = arith.constant 124 : i32
      %min3A_108 = arith.minsi %add3A_106, %min3A_107 : i32
      %mul3A_109 = arith.constant 80 : i32
      %mul3A_110 = arith.muli %min3A_108, %mul3A_109 : i32
      %add3A_111 = arith.addi %mul3A_9, %mul3A_110 : i32
      %dma_start3A_112 = tpu.memref_slice %arg3[%add3A_111] : memref<320000xi32, #tpu.memory_space<hbm>> -> memref<80xi32, #tpu.memory_space<hbm>>
      %dma_start3A_113 = tpu.memref_slice %arg3[%add3A_111] : memref<320000xi32, #tpu.memory_space<hbm>> -> memref<80xi32, #tpu.memory_space<hbm>>
      tpu.enqueue_dma source(%dma_start3A_113 : memref<80xi32, #tpu.memory_space<hbm>>) target(%arg7 : memref<80xi32, #tpu.memory_space<vmem>>) target_semaphore(%arg20 : memref<!tpu.dma_semaphore, #tpu.memory_space<semaphore_mem>>)
      %dma_start3A_114 = tpu.memref_slice %arg4[%add3A_111] : memref<320000xi32, #tpu.memory_space<hbm>> -> memref<80xi32, #tpu.memory_space<hbm>>
      %dma_start3A_115 = tpu.memref_slice %arg4[%add3A_111] : memref<320000xi32, #tpu.memory_space<hbm>> -> memref<80xi32, #tpu.memory_space<hbm>>
      tpu.enqueue_dma source(%dma_start3A_115 : memref<80xi32, #tpu.memory_space<hbm>>) target(%arg10 : memref<80xi32, #tpu.memory_space<vmem>>) target_semaphore(%arg20 : memref<!tpu.dma_semaphore, #tpu.memory_space<semaphore_mem>>)
      %mul3A_116 = arith.constant 3 : i32
      %mul3A_117 = arith.muli %scan3A_86, %mul3A_116 : i32
      %add3A_118 = arith.constant 1 : i32
      %add3A_119 = arith.addi %mul3A_117, %add3A_118 : i32
      %dma_wait3A_120 = arith.constant 0 : i32
      %dma_wait3A_121 = arith.constant 0 : i32
      %dma_wait3A_122 = tpu.memref_slice %arg2[%dma_wait3A_120, %dma_wait3A_121] : memref<10000x128xf32, #tpu.memory_space<hbm>> -> memref<10000x128xf32, #tpu.memory_space<hbm>>
      tpu.wait_indirect_dma semaphore(%arg18 : memref<!tpu.dma_semaphore, #tpu.memory_space<semaphore_mem>>) src(%dma_wait3A_122 : memref<10000x128xf32, #tpu.memory_space<hbm>>) dst(%arg14 : memref<80x128xf32, #tpu.memory_space<vmem>>)
      %dma_wait3A_123 = arith.constant 0 : i32
      %dma_wait3A_124 = tpu.memref_slice %arg3[%dma_wait3A_123] : memref<320000xi32, #tpu.memory_space<hbm>> -> memref<80xi32, #tpu.memory_space<hbm>>
      %dma_wait3A_125 = arith.constant 0 : i32
      %dma_wait3A_126 = tpu.memref_slice %arg3[%dma_wait3A_125] : memref<320000xi32, #tpu.memory_space<hbm>> -> memref<80xi32, #tpu.memory_space<hbm>>
      tpu.wait_dma2 semaphore(%arg20 : memref<!tpu.dma_semaphore, #tpu.memory_space<semaphore_mem>>) src(%dma_wait3A_126 : memref<80xi32, #tpu.memory_space<hbm>>) dst(%arg7 : memref<80xi32, #tpu.memory_space<vmem>>)
      %dma_wait3A_127 = arith.constant 0 : i32
      %dma_wait3A_128 = tpu.memref_slice %arg4[%dma_wait3A_127] : memref<320000xi32, #tpu.memory_space<hbm>> -> memref<80xi32, #tpu.memory_space<hbm>>
      %dma_wait3A_129 = arith.constant 0 : i32
      %dma_wait3A_130 = tpu.memref_slice %arg4[%dma_wait3A_129] : memref<320000xi32, #tpu.memory_space<hbm>> -> memref<80xi32, #tpu.memory_space<hbm>>
      tpu.wait_dma2 semaphore(%arg20 : memref<!tpu.dma_semaphore, #tpu.memory_space<semaphore_mem>>) src(%dma_wait3A_130 : memref<80xi32, #tpu.memory_space<hbm>>) dst(%arg10 : memref<80xi32, #tpu.memory_space<vmem>>)
      %dma_start3A_131 = arith.constant 0 : i32
      %dma_start3A_132 = arith.constant 0 : i32
      %dma_start3A_133 = tpu.memref_slice %arg2[%dma_start3A_131, %dma_start3A_132] : memref<10000x128xf32, #tpu.memory_space<hbm>> -> memref<10000x128xf32, #tpu.memory_space<hbm>>
      tpu.enqueue_indirect_dma source(%dma_start3A_133 : memref<10000x128xf32, #tpu.memory_space<hbm>>) target(%arg13 : memref<80x128xf32, #tpu.memory_space<vmem>>) offsets(%arg7 : memref<80xi32, #tpu.memory_space<vmem>>) semaphore(%arg17 : memref<!tpu.dma_semaphore, #tpu.memory_space<semaphore_mem>>)
      "tpu.region"() ({
        %run_scoped3A = tpu.sem_alloc : memref<!tpu.dma_semaphore, #tpu.memory_space<semaphore_mem>>
        %dma_start3A_174 = arith.constant 0 : i32
        %dma_start3A_175 = arith.constant 0 : i32
        %dma_start3A_176 = tpu.memref_slice %arg23[%dma_start3A_174, %dma_start3A_175] : memref<10240x128xf32, #tpu.memory_space<vmem_shared>> -> memref<10240x128xf32, #tpu.memory_space<vmem_shared>>
        tpu.enqueue_indirect_dma source(%arg14 : memref<80x128xf32, #tpu.memory_space<vmem>>) target(%dma_start3A_176 : memref<10240x128xf32, #tpu.memory_space<vmem_shared>>) offsets(%arg11 : memref<80xi32, #tpu.memory_space<vmem>>) semaphore(%run_scoped3A : memref<!tpu.dma_semaphore, #tpu.memory_space<semaphore_mem>>) {add = true}
        %dma_wait3A_177 = arith.constant 0 : i32
        %dma_wait3A_178 = arith.constant 0 : i32
        %dma_wait3A_179 = tpu.memref_slice %arg23[%dma_wait3A_177, %dma_wait3A_178] : memref<10240x128xf32, #tpu.memory_space<vmem_shared>> -> memref<10240x128xf32, #tpu.memory_space<vmem_shared>>
        tpu.wait_indirect_dma semaphore(%run_scoped3A : memref<!tpu.dma_semaphore, #tpu.memory_space<semaphore_mem>>) src(%arg14 : memref<80x128xf32, #tpu.memory_space<vmem>>) dst(%dma_wait3A_179 : memref<10240x128xf32, #tpu.memory_space<vmem_shared>>)
        tpu.yield
      }) : () -> ()
      %add3A_134 = arith.constant 3 : i32
      %add3A_135 = arith.addi %add3A_119, %add3A_134 : i32
      %min3A_136 = arith.constant 124 : i32
      %min3A_137 = arith.minsi %add3A_135, %min3A_136 : i32
      %mul3A_138 = arith.constant 80 : i32
      %mul3A_139 = arith.muli %min3A_137, %mul3A_138 : i32
      %add3A_140 = arith.addi %mul3A_9, %mul3A_139 : i32
      %dma_start3A_141 = tpu.memref_slice %arg3[%add3A_140] : memref<320000xi32, #tpu.memory_space<hbm>> -> memref<80xi32, #tpu.memory_space<hbm>>
      %dma_start3A_142 = tpu.memref_slice %arg3[%add3A_140] : memref<320000xi32, #tpu.memory_space<hbm>> -> memref<80xi32, #tpu.memory_space<hbm>>
      tpu.enqueue_dma source(%dma_start3A_142 : memref<80xi32, #tpu.memory_space<hbm>>) target(%arg8 : memref<80xi32, #tpu.memory_space<vmem>>) target_semaphore(%arg21 : memref<!tpu.dma_semaphore, #tpu.memory_space<semaphore_mem>>)
      %dma_start3A_143 = tpu.memref_slice %arg4[%add3A_140] : memref<320000xi32, #tpu.memory_space<hbm>> -> memref<80xi32, #tpu.memory_space<hbm>>
      %dma_start3A_144 = tpu.memref_slice %arg4[%add3A_140] : memref<320000xi32, #tpu.memory_space<hbm>> -> memref<80xi32, #tpu.memory_space<hbm>>
      tpu.enqueue_dma source(%dma_start3A_144 : memref<80xi32, #tpu.memory_space<hbm>>) target(%arg11 : memref<80xi32, #tpu.memory_space<vmem>>) target_semaphore(%arg21 : memref<!tpu.dma_semaphore, #tpu.memory_space<semaphore_mem>>)
      %mul3A_145 = arith.constant 3 : i32
      %mul3A_146 = arith.muli %scan3A_86, %mul3A_145 : i32
      %add3A_147 = arith.constant 2 : i32
      %add3A_148 = arith.addi %mul3A_146, %add3A_147 : i32
      %dma_wait3A_149 = arith.constant 0 : i32
      %dma_wait3A_150 = arith.constant 0 : i32
      %dma_wait3A_151 = tpu.memref_slice %arg2[%dma_wait3A_149, %dma_wait3A_150] : memref<10000x128xf32, #tpu.memory_space<hbm>> -> memref<10000x128xf32, #tpu.memory_space<hbm>>
      tpu.wait_indirect_dma semaphore(%arg19 : memref<!tpu.dma_semaphore, #tpu.memory_space<semaphore_mem>>) src(%dma_wait3A_151 : memref<10000x128xf32, #tpu.memory_space<hbm>>) dst(%arg15 : memref<80x128xf32, #tpu.memory_space<vmem>>)
      %dma_wait3A_152 = arith.constant 0 : i32
      %dma_wait3A_153 = tpu.memref_slice %arg3[%dma_wait3A_152] : memref<320000xi32, #tpu.memory_space<hbm>> -> memref<80xi32, #tpu.memory_space<hbm>>
      %dma_wait3A_154 = arith.constant 0 : i32
      %dma_wait3A_155 = tpu.memref_slice %arg3[%dma_wait3A_154] : memref<320000xi32, #tpu.memory_space<hbm>> -> memref<80xi32, #tpu.memory_space<hbm>>
      tpu.wait_dma2 semaphore(%arg21 : memref<!tpu.dma_semaphore, #tpu.memory_space<semaphore_mem>>) src(%dma_wait3A_155 : memref<80xi32, #tpu.memory_space<hbm>>) dst(%arg8 : memref<80xi32, #tpu.memory_space<vmem>>)
      %dma_wait3A_156 = arith.constant 0 : i32
      %dma_wait3A_157 = tpu.memref_slice %arg4[%dma_wait3A_156] : memref<320000xi32, #tpu.memory_space<hbm>> -> memref<80xi32, #tpu.memory_space<hbm>>
      %dma_wait3A_158 = arith.constant 0 : i32
      %dma_wait3A_159 = tpu.memref_slice %arg4[%dma_wait3A_158] : memref<320000xi32, #tpu.memory_space<hbm>> -> memref<80xi32, #tpu.memory_space<hbm>>
      tpu.wait_dma2 semaphore(%arg21 : memref<!tpu.dma_semaphore, #tpu.memory_space<semaphore_mem>>) src(%dma_wait3A_159 : memref<80xi32, #tpu.memory_space<hbm>>) dst(%arg11 : memref<80xi32, #tpu.memory_space<vmem>>)
      %dma_start3A_160 = arith.constant 0 : i32
      %dma_start3A_161 = arith.constant 0 : i32
      %dma_start3A_162 = tpu.memref_slice %arg2[%dma_start3A_160, %dma_start3A_161] : memref<10000x128xf32, #tpu.memory_space<hbm>> -> memref<10000x128xf32, #tpu.memory_space<hbm>>
      tpu.enqueue_indirect_dma source(%dma_start3A_162 : memref<10000x128xf32, #tpu.memory_space<hbm>>) target(%arg14 : memref<80x128xf32, #tpu.memory_space<vmem>>) offsets(%arg8 : memref<80xi32, #tpu.memory_space<vmem>>) semaphore(%arg18 : memref<!tpu.dma_semaphore, #tpu.memory_space<semaphore_mem>>)
      "tpu.region"() ({
        %run_scoped3A = tpu.sem_alloc : memref<!tpu.dma_semaphore, #tpu.memory_space<semaphore_mem>>
        %dma_start3A_174 = arith.constant 0 : i32
        %dma_start3A_175 = arith.constant 0 : i32
        %dma_start3A_176 = tpu.memref_slice %arg23[%dma_start3A_174, %dma_start3A_175] : memref<10240x128xf32, #tpu.memory_space<vmem_shared>> -> memref<10240x128xf32, #tpu.memory_space<vmem_shared>>
        tpu.enqueue_indirect_dma source(%arg15 : memref<80x128xf32, #tpu.memory_space<vmem>>) target(%dma_start3A_176 : memref<10240x128xf32, #tpu.memory_space<vmem_shared>>) offsets(%arg12 : memref<80xi32, #tpu.memory_space<vmem>>) semaphore(%run_scoped3A : memref<!tpu.dma_semaphore, #tpu.memory_space<semaphore_mem>>) {add = true}
        %dma_wait3A_177 = arith.constant 0 : i32
        %dma_wait3A_178 = arith.constant 0 : i32
        %dma_wait3A_179 = tpu.memref_slice %arg23[%dma_wait3A_177, %dma_wait3A_178] : memref<10240x128xf32, #tpu.memory_space<vmem_shared>> -> memref<10240x128xf32, #tpu.memory_space<vmem_shared>>
        tpu.wait_indirect_dma semaphore(%run_scoped3A : memref<!tpu.dma_semaphore, #tpu.memory_space<semaphore_mem>>) src(%arg15 : memref<80x128xf32, #tpu.memory_space<vmem>>) dst(%dma_wait3A_179 : memref<10240x128xf32, #tpu.memory_space<vmem_shared>>)
        tpu.yield
      }) : () -> ()
      %add3A_163 = arith.constant 3 : i32
      %add3A_164 = arith.addi %add3A_148, %add3A_163 : i32
      %min3A_165 = arith.constant 124 : i32
      %min3A_166 = arith.minsi %add3A_164, %min3A_165 : i32
      %mul3A_167 = arith.constant 80 : i32
      %mul3A_168 = arith.muli %min3A_166, %mul3A_167 : i32
      %add3A_169 = arith.addi %mul3A_9, %mul3A_168 : i32
      %dma_start3A_170 = tpu.memref_slice %arg3[%add3A_169] : memref<320000xi32, #tpu.memory_space<hbm>> -> memref<80xi32, #tpu.memory_space<hbm>>
      %dma_start3A_171 = tpu.memref_slice %arg3[%add3A_169] : memref<320000xi32, #tpu.memory_space<hbm>> -> memref<80xi32, #tpu.memory_space<hbm>>
      tpu.enqueue_dma source(%dma_start3A_171 : memref<80xi32, #tpu.memory_space<hbm>>) target(%arg9 : memref<80xi32, #tpu.memory_space<vmem>>) target_semaphore(%arg22 : memref<!tpu.dma_semaphore, #tpu.memory_space<semaphore_mem>>)
      %dma_start3A_172 = tpu.memref_slice %arg4[%add3A_169] : memref<320000xi32, #tpu.memory_space<hbm>> -> memref<80xi32, #tpu.memory_space<hbm>>
      %dma_start3A_173 = tpu.memref_slice %arg4[%add3A_169] : memref<320000xi32, #tpu.memory_space<hbm>> -> memref<80xi32, #tpu.memory_space<hbm>>
      tpu.enqueue_dma source(%dma_start3A_173 : memref<80xi32, #tpu.memory_space<hbm>>) target(%arg12 : memref<80xi32, #tpu.memory_space<vmem>>) target_semaphore(%arg22 : memref<!tpu.dma_semaphore, #tpu.memory_space<semaphore_mem>>)
    }
    %scan3A_64 = arith.constant 41 : i32
    %dma_wait3A_65 = arith.constant 0 : i32
    %dma_wait3A_66 = arith.constant 0 : i32
    %dma_wait3A_67 = tpu.memref_slice %arg2[%dma_wait3A_65, %dma_wait3A_66] : memref<10000x128xf32, #tpu.memory_space<hbm>> -> memref<10000x128xf32, #tpu.memory_space<hbm>>
    tpu.wait_indirect_dma semaphore(%arg17 : memref<!tpu.dma_semaphore, #tpu.memory_space<semaphore_mem>>) src(%dma_wait3A_67 : memref<10000x128xf32, #tpu.memory_space<hbm>>) dst(%arg13 : memref<80x128xf32, #tpu.memory_space<vmem>>)
    "tpu.region"() ({
      %run_scoped3A = tpu.sem_alloc : memref<!tpu.dma_semaphore, #tpu.memory_space<semaphore_mem>>
      %dma_start3A_86 = arith.constant 0 : i32
      %dma_start3A_87 = arith.constant 0 : i32
      %dma_start3A_88 = tpu.memref_slice %arg23[%dma_start3A_86, %dma_start3A_87] : memref<10240x128xf32, #tpu.memory_space<vmem_shared>> -> memref<10240x128xf32, #tpu.memory_space<vmem_shared>>
      tpu.enqueue_indirect_dma source(%arg13 : memref<80x128xf32, #tpu.memory_space<vmem>>) target(%dma_start3A_88 : memref<10240x128xf32, #tpu.memory_space<vmem_shared>>) offsets(%arg10 : memref<80xi32, #tpu.memory_space<vmem>>) semaphore(%run_scoped3A : memref<!tpu.dma_semaphore, #tpu.memory_space<semaphore_mem>>) {add = true}
      %dma_wait3A_89 = arith.constant 0 : i32
      %dma_wait3A_90 = arith.constant 0 : i32
      %dma_wait3A_91 = tpu.memref_slice %arg23[%dma_wait3A_89, %dma_wait3A_90] : memref<10240x128xf32, #tpu.memory_space<vmem_shared>> -> memref<10240x128xf32, #tpu.memory_space<vmem_shared>>
      tpu.wait_indirect_dma semaphore(%run_scoped3A : memref<!tpu.dma_semaphore, #tpu.memory_space<semaphore_mem>>) src(%arg13 : memref<80x128xf32, #tpu.memory_space<vmem>>) dst(%dma_wait3A_91 : memref<10240x128xf32, #tpu.memory_space<vmem_shared>>)
      tpu.yield
    }) : () -> ()
    %dma_wait3A_68 = arith.constant 0 : i32
    %dma_wait3A_69 = arith.constant 0 : i32
    %dma_wait3A_70 = tpu.memref_slice %arg2[%dma_wait3A_68, %dma_wait3A_69] : memref<10000x128xf32, #tpu.memory_space<hbm>> -> memref<10000x128xf32, #tpu.memory_space<hbm>>
    tpu.wait_indirect_dma semaphore(%arg18 : memref<!tpu.dma_semaphore, #tpu.memory_space<semaphore_mem>>) src(%dma_wait3A_70 : memref<10000x128xf32, #tpu.memory_space<hbm>>) dst(%arg14 : memref<80x128xf32, #tpu.memory_space<vmem>>)
    "tpu.region"() ({
      %run_scoped3A = tpu.sem_alloc : memref<!tpu.dma_semaphore, #tpu.memory_space<semaphore_mem>>
      %dma_start3A_86 = arith.constant 0 : i32
      %dma_start3A_87 = arith.constant 0 : i32
      %dma_start3A_88 = tpu.memref_slice %arg23[%dma_start3A_86, %dma_start3A_87] : memref<10240x128xf32, #tpu.memory_space<vmem_shared>> -> memref<10240x128xf32, #tpu.memory_space<vmem_shared>>
      tpu.enqueue_indirect_dma source(%arg14 : memref<80x128xf32, #tpu.memory_space<vmem>>) target(%dma_start3A_88 : memref<10240x128xf32, #tpu.memory_space<vmem_shared>>) offsets(%arg11 : memref<80xi32, #tpu.memory_space<vmem>>) semaphore(%run_scoped3A : memref<!tpu.dma_semaphore, #tpu.memory_space<semaphore_mem>>) {add = true}
      %dma_wait3A_89 = arith.constant 0 : i32
      %dma_wait3A_90 = arith.constant 0 : i32
      %dma_wait3A_91 = tpu.memref_slice %arg23[%dma_wait3A_89, %dma_wait3A_90] : memref<10240x128xf32, #tpu.memory_space<vmem_shared>> -> memref<10240x128xf32, #tpu.memory_space<vmem_shared>>
      tpu.wait_indirect_dma semaphore(%run_scoped3A : memref<!tpu.dma_semaphore, #tpu.memory_space<semaphore_mem>>) src(%arg14 : memref<80x128xf32, #tpu.memory_space<vmem>>) dst(%dma_wait3A_91 : memref<10240x128xf32, #tpu.memory_space<vmem_shared>>)
      tpu.yield
    }) : () -> ()
    %dma_wait3A_71 = arith.constant 0 : i32
    %dma_wait3A_72 = tpu.memref_slice %arg3[%dma_wait3A_71] : memref<320000xi32, #tpu.memory_space<hbm>> -> memref<80xi32, #tpu.memory_space<hbm>>
    %dma_wait3A_73 = arith.constant 0 : i32
    %dma_wait3A_74 = tpu.memref_slice %arg3[%dma_wait3A_73] : memref<320000xi32, #tpu.memory_space<hbm>> -> memref<80xi32, #tpu.memory_space<hbm>>
    tpu.wait_dma2 semaphore(%arg22 : memref<!tpu.dma_semaphore, #tpu.memory_space<semaphore_mem>>) src(%dma_wait3A_74 : memref<80xi32, #tpu.memory_space<hbm>>) dst(%arg9 : memref<80xi32, #tpu.memory_space<vmem>>)
    %dma_wait3A_75 = arith.constant 0 : i32
    %dma_wait3A_76 = tpu.memref_slice %arg4[%dma_wait3A_75] : memref<320000xi32, #tpu.memory_space<hbm>> -> memref<80xi32, #tpu.memory_space<hbm>>
    %dma_wait3A_77 = arith.constant 0 : i32
    %dma_wait3A_78 = tpu.memref_slice %arg4[%dma_wait3A_77] : memref<320000xi32, #tpu.memory_space<hbm>> -> memref<80xi32, #tpu.memory_space<hbm>>
    tpu.wait_dma2 semaphore(%arg22 : memref<!tpu.dma_semaphore, #tpu.memory_space<semaphore_mem>>) src(%dma_wait3A_78 : memref<80xi32, #tpu.memory_space<hbm>>) dst(%arg12 : memref<80xi32, #tpu.memory_space<vmem>>)
    %barrier3A_79 = arith.constant 0 : index
    tpu.barrier barrier_id(%barrier3A_79)
    %scan3A_80 = arith.constant 0 : i32
    %scan3A_81 = arith.constant 0 : i32
    %scan3A_82 = arith.constant 20 : i32
    %scan3A_83 = arith.addi %scan3A_81, %scan3A_82 : i32
    %scan3A_84 = arith.constant 1 : i32
    scf.for %scan3A_86 = %scan3A_81 to %scan3A_83 step %scan3A_84  : i32 {
      %mul3A_87 = arith.constant 32 : i32
      %mul3A_88 = arith.muli %scan3A_86, %mul3A_87 : i32
      %add3A_89 = arith.addi %mul3A_2, %mul3A_88 : i32
      "tpu.region"() ({
        %run_scoped3A = tpu.sem_alloc : memref<!tpu.dma_semaphore, #tpu.memory_space<semaphore_mem>>
        %dma_start3A_90 = arith.constant 0 : i32
        %dma_start3A_91 = tpu.memref_slice %arg23[%add3A_89, %dma_start3A_90] : memref<10240x128xf32, #tpu.memory_space<vmem_shared>> -> memref<32x128xf32, #tpu.memory_space<vmem_shared>>
        %dma_start3A_92 = arith.constant 0 : i32
        %dma_start3A_93 = tpu.memref_slice %arg23[%add3A_89, %dma_start3A_92] : memref<10240x128xf32, #tpu.memory_space<vmem_shared>> -> memref<32x128xf32, #tpu.memory_space<vmem_shared>>
        tpu.enqueue_dma source(%dma_start3A_93 : memref<32x128xf32, #tpu.memory_space<vmem_shared>>) target(%arg16 : memref<32x128xf32, #tpu.memory_space<vmem>>) target_semaphore(%run_scoped3A : memref<!tpu.dma_semaphore, #tpu.memory_space<semaphore_mem>>)
        %dma_wait3A_94 = arith.constant 0 : i32
        %dma_wait3A_95 = tpu.memref_slice %arg23[%add3A_89, %dma_wait3A_94] : memref<10240x128xf32, #tpu.memory_space<vmem_shared>> -> memref<32x128xf32, #tpu.memory_space<vmem_shared>>
        %dma_wait3A_96 = arith.constant 0 : i32
        %dma_wait3A_97 = tpu.memref_slice %arg23[%add3A_89, %dma_wait3A_96] : memref<10240x128xf32, #tpu.memory_space<vmem_shared>> -> memref<32x128xf32, #tpu.memory_space<vmem_shared>>
        tpu.wait_dma2 semaphore(%run_scoped3A : memref<!tpu.dma_semaphore, #tpu.memory_space<semaphore_mem>>) src(%dma_wait3A_97 : memref<32x128xf32, #tpu.memory_space<vmem_shared>>) dst(%arg16 : memref<32x128xf32, #tpu.memory_space<vmem>>)
        tpu.yield
      }) : () -> ()
      "tpu.region"() ({
        %run_scoped3A = tpu.sem_alloc : memref<!tpu.dma_semaphore, #tpu.memory_space<semaphore_mem>>
        %dma_start3A_90 = arith.constant 0 : i32
        %dma_start3A_91 = tpu.memref_slice %arg6[%arg0, %add3A_89, %dma_start3A_90] : memref<2x10240x128xf32, #tpu.memory_space<hbm>> -> memref<1x32x128xf32, #tpu.memory_space<hbm>>
        %dma_start3A_92 = tpu.memref_squeeze %dma_start3A_91 : memref<1x32x128xf32, #tpu.memory_space<hbm>> -> memref<32x128xf32, #tpu.memory_space<hbm>>
        %dma_start3A_93 = arith.constant 0 : i32
        %dma_start3A_94 = tpu.memref_slice %arg6[%arg0, %add3A_89, %dma_start3A_93] : memref<2x10240x128xf32, #tpu.memory_space<hbm>> -> memref<1x32x128xf32, #tpu.memory_space<hbm>>
        %dma_start3A_95 = tpu.memref_squeeze %dma_start3A_94 : memref<1x32x128xf32, #tpu.memory_space<hbm>> -> memref<32x128xf32, #tpu.memory_space<hbm>>
        tpu.enqueue_dma source(%arg16 : memref<32x128xf32, #tpu.memory_space<vmem>>) target(%dma_start3A_95 : memref<32x128xf32, #tpu.memory_space<hbm>>) target_semaphore(%run_scoped3A : memref<!tpu.dma_semaphore, #tpu.memory_space<semaphore_mem>>)
        %dma_wait3A_96 = arith.constant 0 : i32
        %dma_wait3A_97 = tpu.memref_slice %arg6[%arg0, %add3A_89, %dma_wait3A_96] : memref<2x10240x128xf32, #tpu.memory_space<hbm>> -> memref<1x32x128xf32, #tpu.memory_space<hbm>>
        %dma_wait3A_98 = tpu.memref_squeeze %dma_wait3A_97 : memref<1x32x128xf32, #tpu.memory_space<hbm>> -> memref<32x128xf32, #tpu.memory_space<hbm>>
        %dma_wait3A_99 = arith.constant 0 : i32
        %dma_wait3A_100 = tpu.memref_slice %arg6[%arg0, %add3A_89, %dma_wait3A_99] : memref<2x10240x128xf32, #tpu.memory_space<hbm>> -> memref<1x32x128xf32, #tpu.memory_space<hbm>>
        %dma_wait3A_101 = tpu.memref_squeeze %dma_wait3A_100 : memref<1x32x128xf32, #tpu.memory_space<hbm>> -> memref<32x128xf32, #tpu.memory_space<hbm>>
        tpu.wait_dma2 semaphore(%run_scoped3A : memref<!tpu.dma_semaphore, #tpu.memory_space<semaphore_mem>>) src(%arg16 : memref<32x128xf32, #tpu.memory_space<vmem>>) dst(%dma_wait3A_101 : memref<32x128xf32, #tpu.memory_space<hbm>>)
        tpu.yield
      }) : () -> ()
    }
    %scan3A_85 = arith.constant 20 : i32
    return
  }
}

#map = affine_map<(d0, d1) -> (0, 0, 0)>
#map1 = affine_map<(d0, d1) -> (0, 0)>
module attributes {stable_mosaic.version = 14 : i64} {
  func.func @_cnt(%arg0: i32, %arg1: i32, %arg2: memref<32x125x80xi32, #tpu.memory_space<hbm>>, %arg3: memref<32x128xf32, #tpu.memory_space<hbm>>, %arg4: memref<80x128xf32, #tpu.memory_space<hbm>>, %arg5: memref<2x10240x128xf32, #tpu.memory_space<hbm>>, %arg6: memref<125x80xi32, #tpu.memory_space<vmem>>, %arg7: memref<80x128xf32, #tpu.memory_space<vmem>>, %arg8: memref<32x128xf32, #tpu.memory_space<vmem>>, %arg9: memref<!tpu.dma_semaphore, #tpu.memory_space<semaphore_mem>>, %arg10: memref<10240x128xf32, #tpu.memory_space<vmem_shared>>) attributes {dimension_semantics = [#tpu.dimension_semantics<core_parallel>, #tpu.dimension_semantics<subcore_parallel>], iteration_bounds = array<i64: 2, 16>, scalar_prefetch = 0 : i64, scratch_operands = 5 : i64, tpu.core_type = #tpu.core_type<sc_vector_subcore>, window_params = [{transform_indices = #map}, {transform_indices = #map1}, {transform_indices = #map1}, {transform_indices = #map}]} {
    %mul3A = arith.constant 2 : i32
    %mul3A_0 = arith.muli %arg1, %mul3A : i32
    %add3A = arith.addi %mul3A_0, %arg0 : i32
    %mul3A_1 = arith.constant 640 : i32
    %mul3A_2 = arith.muli %arg1, %mul3A_1 : i32
    "tpu.region"() ({
      %run_scoped3A = tpu.sem_alloc : memref<!tpu.dma_semaphore, #tpu.memory_space<semaphore_mem>>
      tpu.enqueue_dma source(%arg4 : memref<80x128xf32, #tpu.memory_space<hbm>>) target(%arg7 : memref<80x128xf32, #tpu.memory_space<vmem>>) target_semaphore(%run_scoped3A : memref<!tpu.dma_semaphore, #tpu.memory_space<semaphore_mem>>)
      tpu.wait_dma2 semaphore(%run_scoped3A : memref<!tpu.dma_semaphore, #tpu.memory_space<semaphore_mem>>) src(%arg4 : memref<80x128xf32, #tpu.memory_space<hbm>>) dst(%arg7 : memref<80x128xf32, #tpu.memory_space<vmem>>)
      tpu.yield
    }) : () -> ()
    "tpu.region"() ({
      %run_scoped3A = tpu.sem_alloc : memref<!tpu.dma_semaphore, #tpu.memory_space<semaphore_mem>>
      tpu.enqueue_dma source(%arg3 : memref<32x128xf32, #tpu.memory_space<hbm>>) target(%arg8 : memref<32x128xf32, #tpu.memory_space<vmem>>) target_semaphore(%run_scoped3A : memref<!tpu.dma_semaphore, #tpu.memory_space<semaphore_mem>>)
      tpu.wait_dma2 semaphore(%run_scoped3A : memref<!tpu.dma_semaphore, #tpu.memory_space<semaphore_mem>>) src(%arg3 : memref<32x128xf32, #tpu.memory_space<hbm>>) dst(%arg8 : memref<32x128xf32, #tpu.memory_space<vmem>>)
      tpu.yield
    }) : () -> ()
    %scan3A = arith.constant 0 : i32
    %scan3A_3 = arith.constant 0 : i32
    %scan3A_4 = arith.constant 20 : i32
    %scan3A_5 = arith.addi %scan3A_3, %scan3A_4 : i32
    %scan3A_6 = arith.constant 1 : i32
    scf.for %scan3A_75 = %scan3A_3 to %scan3A_5 step %scan3A_6  : i32 {
      %mul3A_76 = arith.constant 32 : i32
      %mul3A_77 = arith.muli %scan3A_75, %mul3A_76 : i32
      %add3A_78 = arith.addi %mul3A_2, %mul3A_77 : i32
      "tpu.region"() ({
        %run_scoped3A = tpu.sem_alloc : memref<!tpu.dma_semaphore, #tpu.memory_space<semaphore_mem>>
        %dma_start3A_79 = arith.constant 0 : i32
        %dma_start3A_80 = tpu.memref_slice %arg10[%add3A_78, %dma_start3A_79] : memref<10240x128xf32, #tpu.memory_space<vmem_shared>> -> memref<32x128xf32, #tpu.memory_space<vmem_shared>>
        %dma_start3A_81 = arith.constant 0 : i32
        %dma_start3A_82 = tpu.memref_slice %arg10[%add3A_78, %dma_start3A_81] : memref<10240x128xf32, #tpu.memory_space<vmem_shared>> -> memref<32x128xf32, #tpu.memory_space<vmem_shared>>
        tpu.enqueue_dma source(%arg8 : memref<32x128xf32, #tpu.memory_space<vmem>>) target(%dma_start3A_82 : memref<32x128xf32, #tpu.memory_space<vmem_shared>>) target_semaphore(%run_scoped3A : memref<!tpu.dma_semaphore, #tpu.memory_space<semaphore_mem>>)
        %dma_wait3A_83 = arith.constant 0 : i32
        %dma_wait3A_84 = tpu.memref_slice %arg10[%add3A_78, %dma_wait3A_83] : memref<10240x128xf32, #tpu.memory_space<vmem_shared>> -> memref<32x128xf32, #tpu.memory_space<vmem_shared>>
        %dma_wait3A_85 = arith.constant 0 : i32
        %dma_wait3A_86 = tpu.memref_slice %arg10[%add3A_78, %dma_wait3A_85] : memref<10240x128xf32, #tpu.memory_space<vmem_shared>> -> memref<32x128xf32, #tpu.memory_space<vmem_shared>>
        tpu.wait_dma2 semaphore(%run_scoped3A : memref<!tpu.dma_semaphore, #tpu.memory_space<semaphore_mem>>) src(%arg8 : memref<32x128xf32, #tpu.memory_space<vmem>>) dst(%dma_wait3A_86 : memref<32x128xf32, #tpu.memory_space<vmem_shared>>)
        tpu.yield
      }) : () -> ()
    }
    %scan3A_7 = arith.constant 20 : i32
    %barrier3A = arith.constant 0 : index
    tpu.barrier barrier_id(%barrier3A)
    "tpu.region"() ({
      %run_scoped3A = tpu.sem_alloc : memref<!tpu.dma_semaphore, #tpu.memory_space<semaphore_mem>>
      %dma_start3A_75 = arith.constant 0 : i32
      %dma_start3A_76 = arith.constant 0 : i32
      %dma_start3A_77 = tpu.memref_slice %arg2[%add3A, %dma_start3A_75, %dma_start3A_76] : memref<32x125x80xi32, #tpu.memory_space<hbm>> -> memref<1x125x80xi32, #tpu.memory_space<hbm>>
      %dma_start3A_78 = tpu.memref_squeeze %dma_start3A_77 : memref<1x125x80xi32, #tpu.memory_space<hbm>> -> memref<125x80xi32, #tpu.memory_space<hbm>>
      %dma_start3A_79 = arith.constant 0 : i32
      %dma_start3A_80 = arith.constant 0 : i32
      %dma_start3A_81 = tpu.memref_slice %arg2[%add3A, %dma_start3A_79, %dma_start3A_80] : memref<32x125x80xi32, #tpu.memory_space<hbm>> -> memref<1x125x80xi32, #tpu.memory_space<hbm>>
      %dma_start3A_82 = tpu.memref_squeeze %dma_start3A_81 : memref<1x125x80xi32, #tpu.memory_space<hbm>> -> memref<125x80xi32, #tpu.memory_space<hbm>>
      tpu.enqueue_dma source(%dma_start3A_82 : memref<125x80xi32, #tpu.memory_space<hbm>>) target(%arg6 : memref<125x80xi32, #tpu.memory_space<vmem>>) target_semaphore(%run_scoped3A : memref<!tpu.dma_semaphore, #tpu.memory_space<semaphore_mem>>)
      %dma_wait3A_83 = arith.constant 0 : i32
      %dma_wait3A_84 = arith.constant 0 : i32
      %dma_wait3A_85 = tpu.memref_slice %arg2[%add3A, %dma_wait3A_83, %dma_wait3A_84] : memref<32x125x80xi32, #tpu.memory_space<hbm>> -> memref<1x125x80xi32, #tpu.memory_space<hbm>>
      %dma_wait3A_86 = tpu.memref_squeeze %dma_wait3A_85 : memref<1x125x80xi32, #tpu.memory_space<hbm>> -> memref<125x80xi32, #tpu.memory_space<hbm>>
      %dma_wait3A_87 = arith.constant 0 : i32
      %dma_wait3A_88 = arith.constant 0 : i32
      %dma_wait3A_89 = tpu.memref_slice %arg2[%add3A, %dma_wait3A_87, %dma_wait3A_88] : memref<32x125x80xi32, #tpu.memory_space<hbm>> -> memref<1x125x80xi32, #tpu.memory_space<hbm>>
      %dma_wait3A_90 = tpu.memref_squeeze %dma_wait3A_89 : memref<1x125x80xi32, #tpu.memory_space<hbm>> -> memref<125x80xi32, #tpu.memory_space<hbm>>
      tpu.wait_dma2 semaphore(%run_scoped3A : memref<!tpu.dma_semaphore, #tpu.memory_space<semaphore_mem>>) src(%dma_wait3A_90 : memref<125x80xi32, #tpu.memory_space<hbm>>) dst(%arg6 : memref<125x80xi32, #tpu.memory_space<vmem>>)
      tpu.yield
    }) : () -> ()
    %dma_start3A = arith.constant 0 : i32
    %dma_start3A_8 = arith.constant 0 : i32
    %dma_start3A_9 = tpu.memref_slice %arg6[%dma_start3A, %dma_start3A_8] : memref<125x80xi32, #tpu.memory_space<vmem>> -> memref<1x80xi32, #tpu.memory_space<vmem>>
    %dma_start3A_10 = tpu.memref_squeeze %dma_start3A_9 : memref<1x80xi32, #tpu.memory_space<vmem>> -> memref<80xi32, #tpu.memory_space<vmem>>
    %dma_start3A_11 = arith.constant 0 : i32
    %dma_start3A_12 = arith.constant 0 : i32
    %dma_start3A_13 = tpu.memref_slice %arg10[%dma_start3A_11, %dma_start3A_12] : memref<10240x128xf32, #tpu.memory_space<vmem_shared>> -> memref<10240x128xf32, #tpu.memory_space<vmem_shared>>
    tpu.enqueue_indirect_dma source(%arg7 : memref<80x128xf32, #tpu.memory_space<vmem>>) target(%dma_start3A_13 : memref<10240x128xf32, #tpu.memory_space<vmem_shared>>) offsets(%dma_start3A_10 : memref<80xi32, #tpu.memory_space<vmem>>) semaphore(%arg9 : memref<!tpu.dma_semaphore, #tpu.memory_space<semaphore_mem>>) {add = true}
    %dma_start3A_14 = arith.constant 1 : i32
    %dma_start3A_15 = arith.constant 0 : i32
    %dma_start3A_16 = tpu.memref_slice %arg6[%dma_start3A_14, %dma_start3A_15] : memref<125x80xi32, #tpu.memory_space<vmem>> -> memref<1x80xi32, #tpu.memory_space<vmem>>
    %dma_start3A_17 = tpu.memref_squeeze %dma_start3A_16 : memref<1x80xi32, #tpu.memory_space<vmem>> -> memref<80xi32, #tpu.memory_space<vmem>>
    %dma_start3A_18 = arith.constant 0 : i32
    %dma_start3A_19 = arith.constant 0 : i32
    %dma_start3A_20 = tpu.memref_slice %arg10[%dma_start3A_18, %dma_start3A_19] : memref<10240x128xf32, #tpu.memory_space<vmem_shared>> -> memref<10240x128xf32, #tpu.memory_space<vmem_shared>>
    tpu.enqueue_indirect_dma source(%arg7 : memref<80x128xf32, #tpu.memory_space<vmem>>) target(%dma_start3A_20 : memref<10240x128xf32, #tpu.memory_space<vmem_shared>>) offsets(%dma_start3A_17 : memref<80xi32, #tpu.memory_space<vmem>>) semaphore(%arg9 : memref<!tpu.dma_semaphore, #tpu.memory_space<semaphore_mem>>) {add = true}
    %dma_start3A_21 = arith.constant 2 : i32
    %dma_start3A_22 = arith.constant 0 : i32
    %dma_start3A_23 = tpu.memref_slice %arg6[%dma_start3A_21, %dma_start3A_22] : memref<125x80xi32, #tpu.memory_space<vmem>> -> memref<1x80xi32, #tpu.memory_space<vmem>>
    %dma_start3A_24 = tpu.memref_squeeze %dma_start3A_23 : memref<1x80xi32, #tpu.memory_space<vmem>> -> memref<80xi32, #tpu.memory_space<vmem>>
    %dma_start3A_25 = arith.constant 0 : i32
    %dma_start3A_26 = arith.constant 0 : i32
    %dma_start3A_27 = tpu.memref_slice %arg10[%dma_start3A_25, %dma_start3A_26] : memref<10240x128xf32, #tpu.memory_space<vmem_shared>> -> memref<10240x128xf32, #tpu.memory_space<vmem_shared>>
    tpu.enqueue_indirect_dma source(%arg7 : memref<80x128xf32, #tpu.memory_space<vmem>>) target(%dma_start3A_27 : memref<10240x128xf32, #tpu.memory_space<vmem_shared>>) offsets(%dma_start3A_24 : memref<80xi32, #tpu.memory_space<vmem>>) semaphore(%arg9 : memref<!tpu.dma_semaphore, #tpu.memory_space<semaphore_mem>>) {add = true}
    %dma_start3A_28 = arith.constant 3 : i32
    %dma_start3A_29 = arith.constant 0 : i32
    %dma_start3A_30 = tpu.memref_slice %arg6[%dma_start3A_28, %dma_start3A_29] : memref<125x80xi32, #tpu.memory_space<vmem>> -> memref<1x80xi32, #tpu.memory_space<vmem>>
    %dma_start3A_31 = tpu.memref_squeeze %dma_start3A_30 : memref<1x80xi32, #tpu.memory_space<vmem>> -> memref<80xi32, #tpu.memory_space<vmem>>
    %dma_start3A_32 = arith.constant 0 : i32
    %dma_start3A_33 = arith.constant 0 : i32
    %dma_start3A_34 = tpu.memref_slice %arg10[%dma_start3A_32, %dma_start3A_33] : memref<10240x128xf32, #tpu.memory_space<vmem_shared>> -> memref<10240x128xf32, #tpu.memory_space<vmem_shared>>
    tpu.enqueue_indirect_dma source(%arg7 : memref<80x128xf32, #tpu.memory_space<vmem>>) target(%dma_start3A_34 : memref<10240x128xf32, #tpu.memory_space<vmem_shared>>) offsets(%dma_start3A_31 : memref<80xi32, #tpu.memory_space<vmem>>) semaphore(%arg9 : memref<!tpu.dma_semaphore, #tpu.memory_space<semaphore_mem>>) {add = true}
    %scan3A_35 = arith.constant 0 : i32
    %scan3A_36 = arith.constant 4 : i32
    %scan3A_37 = arith.constant 121 : i32
    %scan3A_38 = arith.addi %scan3A_36, %scan3A_37 : i32
    %scan3A_39 = arith.constant 1 : i32
    scf.for %scan3A_75 = %scan3A_36 to %scan3A_38 step %scan3A_39  : i32 {
      %dma_start3A_76 = arith.constant 0 : i32
      %dma_start3A_77 = tpu.memref_slice %arg6[%scan3A_75, %dma_start3A_76] : memref<125x80xi32, #tpu.memory_space<vmem>> -> memref<1x80xi32, #tpu.memory_space<vmem>>
      %dma_start3A_78 = tpu.memref_squeeze %dma_start3A_77 : memref<1x80xi32, #tpu.memory_space<vmem>> -> memref<80xi32, #tpu.memory_space<vmem>>
      %dma_start3A_79 = arith.constant 0 : i32
      %dma_start3A_80 = arith.constant 0 : i32
      %dma_start3A_81 = tpu.memref_slice %arg10[%dma_start3A_79, %dma_start3A_80] : memref<10240x128xf32, #tpu.memory_space<vmem_shared>> -> memref<10240x128xf32, #tpu.memory_space<vmem_shared>>
      tpu.enqueue_indirect_dma source(%arg7 : memref<80x128xf32, #tpu.memory_space<vmem>>) target(%dma_start3A_81 : memref<10240x128xf32, #tpu.memory_space<vmem_shared>>) offsets(%dma_start3A_78 : memref<80xi32, #tpu.memory_space<vmem>>) semaphore(%arg9 : memref<!tpu.dma_semaphore, #tpu.memory_space<semaphore_mem>>) {add = true}
      %sub3A = arith.constant 4 : i32
      %sub3A_82 = arith.subi %scan3A_75, %sub3A : i32
      %dma_wait3A_83 = arith.constant 0 : i32
      %dma_wait3A_84 = tpu.memref_slice %arg6[%sub3A_82, %dma_wait3A_83] : memref<125x80xi32, #tpu.memory_space<vmem>> -> memref<1x80xi32, #tpu.memory_space<vmem>>
      %dma_wait3A_85 = tpu.memref_squeeze %dma_wait3A_84 : memref<1x80xi32, #tpu.memory_space<vmem>> -> memref<80xi32, #tpu.memory_space<vmem>>
      %dma_wait3A_86 = arith.constant 0 : i32
      %dma_wait3A_87 = arith.constant 0 : i32
      %dma_wait3A_88 = tpu.memref_slice %arg10[%dma_wait3A_86, %dma_wait3A_87] : memref<10240x128xf32, #tpu.memory_space<vmem_shared>> -> memref<10240x128xf32, #tpu.memory_space<vmem_shared>>
      tpu.wait_indirect_dma semaphore(%arg9 : memref<!tpu.dma_semaphore, #tpu.memory_space<semaphore_mem>>) src(%arg7 : memref<80x128xf32, #tpu.memory_space<vmem>>) dst(%dma_wait3A_88 : memref<10240x128xf32, #tpu.memory_space<vmem_shared>>)
    }
    %scan3A_40 = arith.constant 121 : i32
    %dma_wait3A = arith.constant 121 : i32
    %dma_wait3A_41 = arith.constant 0 : i32
    %dma_wait3A_42 = tpu.memref_slice %arg6[%dma_wait3A, %dma_wait3A_41] : memref<125x80xi32, #tpu.memory_space<vmem>> -> memref<1x80xi32, #tpu.memory_space<vmem>>
    %dma_wait3A_43 = tpu.memref_squeeze %dma_wait3A_42 : memref<1x80xi32, #tpu.memory_space<vmem>> -> memref<80xi32, #tpu.memory_space<vmem>>
    %dma_wait3A_44 = arith.constant 0 : i32
    %dma_wait3A_45 = arith.constant 0 : i32
    %dma_wait3A_46 = tpu.memref_slice %arg10[%dma_wait3A_44, %dma_wait3A_45] : memref<10240x128xf32, #tpu.memory_space<vmem_shared>> -> memref<10240x128xf32, #tpu.memory_space<vmem_shared>>
    tpu.wait_indirect_dma semaphore(%arg9 : memref<!tpu.dma_semaphore, #tpu.memory_space<semaphore_mem>>) src(%arg7 : memref<80x128xf32, #tpu.memory_space<vmem>>) dst(%dma_wait3A_46 : memref<10240x128xf32, #tpu.memory_space<vmem_shared>>)
    %dma_wait3A_47 = arith.constant 122 : i32
    %dma_wait3A_48 = arith.constant 0 : i32
    %dma_wait3A_49 = tpu.memref_slice %arg6[%dma_wait3A_47, %dma_wait3A_48] : memref<125x80xi32, #tpu.memory_space<vmem>> -> memref<1x80xi32, #tpu.memory_space<vmem>>
    %dma_wait3A_50 = tpu.memref_squeeze %dma_wait3A_49 : memref<1x80xi32, #tpu.memory_space<vmem>> -> memref<80xi32, #tpu.memory_space<vmem>>
    %dma_wait3A_51 = arith.constant 0 : i32
    %dma_wait3A_52 = arith.constant 0 : i32
    %dma_wait3A_53 = tpu.memref_slice %arg10[%dma_wait3A_51, %dma_wait3A_52] : memref<10240x128xf32, #tpu.memory_space<vmem_shared>> -> memref<10240x128xf32, #tpu.memory_space<vmem_shared>>
    tpu.wait_indirect_dma semaphore(%arg9 : memref<!tpu.dma_semaphore, #tpu.memory_space<semaphore_mem>>) src(%arg7 : memref<80x128xf32, #tpu.memory_space<vmem>>) dst(%dma_wait3A_53 : memref<10240x128xf32, #tpu.memory_space<vmem_shared>>)
    %dma_wait3A_54 = arith.constant 123 : i32
    %dma_wait3A_55 = arith.constant 0 : i32
    %dma_wait3A_56 = tpu.memref_slice %arg6[%dma_wait3A_54, %dma_wait3A_55] : memref<125x80xi32, #tpu.memory_space<vmem>> -> memref<1x80xi32, #tpu.memory_space<vmem>>
    %dma_wait3A_57 = tpu.memref_squeeze %dma_wait3A_56 : memref<1x80xi32, #tpu.memory_space<vmem>> -> memref<80xi32, #tpu.memory_space<vmem>>
    %dma_wait3A_58 = arith.constant 0 : i32
    %dma_wait3A_59 = arith.constant 0 : i32
    %dma_wait3A_60 = tpu.memref_slice %arg10[%dma_wait3A_58, %dma_wait3A_59] : memref<10240x128xf32, #tpu.memory_space<vmem_shared>> -> memref<10240x128xf32, #tpu.memory_space<vmem_shared>>
    tpu.wait_indirect_dma semaphore(%arg9 : memref<!tpu.dma_semaphore, #tpu.memory_space<semaphore_mem>>) src(%arg7 : memref<80x128xf32, #tpu.memory_space<vmem>>) dst(%dma_wait3A_60 : memref<10240x128xf32, #tpu.memory_space<vmem_shared>>)
    %dma_wait3A_61 = arith.constant 124 : i32
    %dma_wait3A_62 = arith.constant 0 : i32
    %dma_wait3A_63 = tpu.memref_slice %arg6[%dma_wait3A_61, %dma_wait3A_62] : memref<125x80xi32, #tpu.memory_space<vmem>> -> memref<1x80xi32, #tpu.memory_space<vmem>>
    %dma_wait3A_64 = tpu.memref_squeeze %dma_wait3A_63 : memref<1x80xi32, #tpu.memory_space<vmem>> -> memref<80xi32, #tpu.memory_space<vmem>>
    %dma_wait3A_65 = arith.constant 0 : i32
    %dma_wait3A_66 = arith.constant 0 : i32
    %dma_wait3A_67 = tpu.memref_slice %arg10[%dma_wait3A_65, %dma_wait3A_66] : memref<10240x128xf32, #tpu.memory_space<vmem_shared>> -> memref<10240x128xf32, #tpu.memory_space<vmem_shared>>
    tpu.wait_indirect_dma semaphore(%arg9 : memref<!tpu.dma_semaphore, #tpu.memory_space<semaphore_mem>>) src(%arg7 : memref<80x128xf32, #tpu.memory_space<vmem>>) dst(%dma_wait3A_67 : memref<10240x128xf32, #tpu.memory_space<vmem_shared>>)
    %barrier3A_68 = arith.constant 0 : index
    tpu.barrier barrier_id(%barrier3A_68)
    %scan3A_69 = arith.constant 0 : i32
    %scan3A_70 = arith.constant 0 : i32
    %scan3A_71 = arith.constant 20 : i32
    %scan3A_72 = arith.addi %scan3A_70, %scan3A_71 : i32
    %scan3A_73 = arith.constant 1 : i32
    scf.for %scan3A_75 = %scan3A_70 to %scan3A_72 step %scan3A_73  : i32 {
      %mul3A_76 = arith.constant 32 : i32
      %mul3A_77 = arith.muli %scan3A_75, %mul3A_76 : i32
      %add3A_78 = arith.addi %mul3A_2, %mul3A_77 : i32
      "tpu.region"() ({
        %run_scoped3A = tpu.sem_alloc : memref<!tpu.dma_semaphore, #tpu.memory_space<semaphore_mem>>
        %dma_start3A_79 = arith.constant 0 : i32
        %dma_start3A_80 = tpu.memref_slice %arg10[%add3A_78, %dma_start3A_79] : memref<10240x128xf32, #tpu.memory_space<vmem_shared>> -> memref<32x128xf32, #tpu.memory_space<vmem_shared>>
        %dma_start3A_81 = arith.constant 0 : i32
        %dma_start3A_82 = tpu.memref_slice %arg10[%add3A_78, %dma_start3A_81] : memref<10240x128xf32, #tpu.memory_space<vmem_shared>> -> memref<32x128xf32, #tpu.memory_space<vmem_shared>>
        tpu.enqueue_dma source(%dma_start3A_82 : memref<32x128xf32, #tpu.memory_space<vmem_shared>>) target(%arg8 : memref<32x128xf32, #tpu.memory_space<vmem>>) target_semaphore(%run_scoped3A : memref<!tpu.dma_semaphore, #tpu.memory_space<semaphore_mem>>)
        %dma_wait3A_83 = arith.constant 0 : i32
        %dma_wait3A_84 = tpu.memref_slice %arg10[%add3A_78, %dma_wait3A_83] : memref<10240x128xf32, #tpu.memory_space<vmem_shared>> -> memref<32x128xf32, #tpu.memory_space<vmem_shared>>
        %dma_wait3A_85 = arith.constant 0 : i32
        %dma_wait3A_86 = tpu.memref_slice %arg10[%add3A_78, %dma_wait3A_85] : memref<10240x128xf32, #tpu.memory_space<vmem_shared>> -> memref<32x128xf32, #tpu.memory_space<vmem_shared>>
        tpu.wait_dma2 semaphore(%run_scoped3A : memref<!tpu.dma_semaphore, #tpu.memory_space<semaphore_mem>>) src(%dma_wait3A_86 : memref<32x128xf32, #tpu.memory_space<vmem_shared>>) dst(%arg8 : memref<32x128xf32, #tpu.memory_space<vmem>>)
        tpu.yield
      }) : () -> ()
      "tpu.region"() ({
        %run_scoped3A = tpu.sem_alloc : memref<!tpu.dma_semaphore, #tpu.memory_space<semaphore_mem>>
        %dma_start3A_79 = arith.constant 0 : i32
        %dma_start3A_80 = tpu.memref_slice %arg5[%arg0, %add3A_78, %dma_start3A_79] : memref<2x10240x128xf32, #tpu.memory_space<hbm>> -> memref<1x32x128xf32, #tpu.memory_space<hbm>>
        %dma_start3A_81 = tpu.memref_squeeze %dma_start3A_80 : memref<1x32x128xf32, #tpu.memory_space<hbm>> -> memref<32x128xf32, #tpu.memory_space<hbm>>
        %dma_start3A_82 = arith.constant 0 : i32
        %dma_start3A_83 = tpu.memref_slice %arg5[%arg0, %add3A_78, %dma_start3A_82] : memref<2x10240x128xf32, #tpu.memory_space<hbm>> -> memref<1x32x128xf32, #tpu.memory_space<hbm>>
        %dma_start3A_84 = tpu.memref_squeeze %dma_start3A_83 : memref<1x32x128xf32, #tpu.memory_space<hbm>> -> memref<32x128xf32, #tpu.memory_space<hbm>>
        tpu.enqueue_dma source(%arg8 : memref<32x128xf32, #tpu.memory_space<vmem>>) target(%dma_start3A_84 : memref<32x128xf32, #tpu.memory_space<hbm>>) target_semaphore(%run_scoped3A : memref<!tpu.dma_semaphore, #tpu.memory_space<semaphore_mem>>)
        %dma_wait3A_85 = arith.constant 0 : i32
        %dma_wait3A_86 = tpu.memref_slice %arg5[%arg0, %add3A_78, %dma_wait3A_85] : memref<2x10240x128xf32, #tpu.memory_space<hbm>> -> memref<1x32x128xf32, #tpu.memory_space<hbm>>
        %dma_wait3A_87 = tpu.memref_squeeze %dma_wait3A_86 : memref<1x32x128xf32, #tpu.memory_space<hbm>> -> memref<32x128xf32, #tpu.memory_space<hbm>>
        %dma_wait3A_88 = arith.constant 0 : i32
        %dma_wait3A_89 = tpu.memref_slice %arg5[%arg0, %add3A_78, %dma_wait3A_88] : memref<2x10240x128xf32, #tpu.memory_space<hbm>> -> memref<1x32x128xf32, #tpu.memory_space<hbm>>
        %dma_wait3A_90 = tpu.memref_squeeze %dma_wait3A_89 : memref<1x32x128xf32, #tpu.memory_space<hbm>> -> memref<32x128xf32, #tpu.memory_space<hbm>>
        tpu.wait_dma2 semaphore(%run_scoped3A : memref<!tpu.dma_semaphore, #tpu.memory_space<semaphore_mem>>) src(%arg8 : memref<32x128xf32, #tpu.memory_space<vmem>>) dst(%dma_wait3A_90 : memref<32x128xf32, #tpu.memory_space<hbm>>)
        tpu.yield
      }) : () -> ()
    }
    %scan3A_74 = arith.constant 20 : i32
    return
  }
}

module attributes {stable_mosaic.version = 14 : i64} {
  func.func @_tc1_body(%arg0: i32, %arg1: memref<1000x128xf32, #tpu.memory_space<vmem>>, %arg2: memref<2x1000x128xf32, #tpu.memory_space<vmem>>, %arg3: memref<2x1000x128xf32, #tpu.memory_space<vmem>>, %arg4: memref<128x256xf32, #tpu.memory_space<vmem>>, %arg5: memref<128x256xf32, #tpu.memory_space<vmem>>, %arg6: memref<1x256xf32, #tpu.memory_space<vmem>>, %arg7: memref<256x128xf32, #tpu.memory_space<vmem>>, %arg8: memref<1000x256xf32, #tpu.memory_space<vmem>>, %arg9: memref<1000x128xf32, #tpu.memory_space<vmem>>) attributes {dimension_semantics = [#tpu.dimension_semantics<arbitrary>], iteration_bounds = array<i64: 10>, scalar_prefetch = 0 : i64, scratch_operands = 0 : i64, tpu.core_type = #tpu.core_type<tc>, window_params = [{transform_indices = @transform_0, window_bounds = array<i64: 1000, 128>}, {transform_indices = @transform_1, window_bounds = array<i64: 2, 1000, 128>}, {transform_indices = @transform_2, window_bounds = array<i64: 2, 1000, 128>}, {pipeline_mode = #tpu.pipeline_mode<synchronous>, transform_indices = @transform_3, window_bounds = array<i64: 128, 256>}, {pipeline_mode = #tpu.pipeline_mode<synchronous>, transform_indices = @transform_4, window_bounds = array<i64: 128, 256>}, {pipeline_mode = #tpu.pipeline_mode<synchronous>, transform_indices = @transform_5, window_bounds = array<i64: 1, 256>}, {pipeline_mode = #tpu.pipeline_mode<synchronous>, transform_indices = @transform_6, window_bounds = array<i64: 256, 128>}, {transform_indices = @transform_7, window_bounds = array<i64: 1000, 256>}, {transform_indices = @transform_8, window_bounds = array<i64: 1000, 128>}]} {
    %get3A = arith.constant 0 : index
    %get3A_0 = arith.constant 0 : index
    %get3A_1 = arith.constant 0 : index
    %get3A_2 = vector.load %arg3[%get3A, %get3A_0, %get3A_1] : memref<2x1000x128xf32, #tpu.memory_space<vmem>>, vector<1x1000x128xf32>
    %get3A_3 = vector.shape_cast %get3A_2 : vector<1x1000x128xf32> to vector<1000x128xf32>
    %slice3A = vector.extract_strided_slice %get3A_3 {offsets = [0, 0], sizes = [1000, 1], strides = [1, 1]} : vector<1000x128xf32> to vector<1000x1xf32>
    %get3A_4 = arith.constant 1 : index
    %get3A_5 = arith.constant 0 : index
    %get3A_6 = arith.constant 0 : index
    %get3A_7 = vector.load %arg3[%get3A_4, %get3A_5, %get3A_6] : memref<2x1000x128xf32, #tpu.memory_space<vmem>>, vector<1x1000x128xf32>
    %get3A_8 = vector.shape_cast %get3A_7 : vector<1x1000x128xf32> to vector<1000x128xf32>
    %slice3A_9 = vector.extract_strided_slice %get3A_8 {offsets = [0, 0], sizes = [1000, 1], strides = [1, 1]} : vector<1000x128xf32> to vector<1000x1xf32>
    %add3A = arith.addf %slice3A, %slice3A_9 : vector<1000x1xf32>
    %max3A = arith.constant 1.000000e+00 : f32
    %max3A_10 = vector.broadcast %max3A : f32 to vector<1000x1xf32>
    %max3A_11 = arith.maximumf %add3A, %max3A_10 : vector<1000x1xf32>
    %get3A_12 = arith.constant 0 : index
    %get3A_13 = arith.constant 0 : index
    %get3A_14 = arith.constant 0 : index
    %get3A_15 = vector.load %arg2[%get3A_12, %get3A_13, %get3A_14] : memref<2x1000x128xf32, #tpu.memory_space<vmem>>, vector<1x1000x128xf32>
    %get3A_16 = vector.shape_cast %get3A_15 : vector<1x1000x128xf32> to vector<1000x128xf32>
    %get3A_17 = arith.constant 1 : index
    %get3A_18 = arith.constant 0 : index
    %get3A_19 = arith.constant 0 : index
    %get3A_20 = vector.load %arg2[%get3A_17, %get3A_18, %get3A_19] : memref<2x1000x128xf32, #tpu.memory_space<vmem>>, vector<1x1000x128xf32>
    %get3A_21 = vector.shape_cast %get3A_20 : vector<1x1000x128xf32> to vector<1000x128xf32>
    %add3A_22 = arith.addf %get3A_16, %get3A_21 : vector<1000x128xf32>
    %div3A = vector.broadcast %max3A_11 : vector<1000x1xf32> to vector<1000x128xf32>
    %div3A_23 = arith.divf %add3A_22, %div3A : vector<1000x128xf32>
    %get3A_24 = arith.constant 0 : index
    %get3A_25 = arith.constant 0 : index
    %get3A_26 = vector.load %arg4[%get3A_24, %get3A_25] : memref<128x256xf32, #tpu.memory_space<vmem>>, vector<128x256xf32>
    %dot_general3A = arith.constant dense<0.000000e+00> : vector<1000x256xf32>
    %dot_general3A_27 = tpu.matmul %div3A_23, %get3A_26, %dot_general3A {dimension_numbers = #tpu.dot_dimension_numbers<[1], [0], [0], [1], [0, 0, 1, 1], [], []>, transpose_lhs_hint = false} : vector<1000x128xf32>, vector<128x256xf32>, vector<1000x256xf32> -> vector<1000x256xf32>
    %get3A_28 = arith.constant 0 : index
    %get3A_29 = arith.constant 0 : index
    %get3A_30 = vector.load %arg1[%get3A_28, %get3A_29] : memref<1000x128xf32, #tpu.memory_space<vmem>>, vector<1000x128xf32>
    %get3A_31 = arith.constant 0 : index
    %get3A_32 = arith.constant 0 : index
    %get3A_33 = vector.load %arg5[%get3A_31, %get3A_32] : memref<128x256xf32, #tpu.memory_space<vmem>>, vector<128x256xf32>
    %dot_general3A_34 = arith.constant dense<0.000000e+00> : vector<1000x256xf32>
    %dot_general3A_35 = tpu.matmul %get3A_30, %get3A_33, %dot_general3A_34 {dimension_numbers = #tpu.dot_dimension_numbers<[1], [0], [0], [1], [0, 0, 1, 1], [], []>, transpose_lhs_hint = false} : vector<1000x128xf32>, vector<128x256xf32>, vector<1000x256xf32> -> vector<1000x256xf32>
    %add3A_36 = arith.addf %dot_general3A_27, %dot_general3A_35 : vector<1000x256xf32>
    %get3A_37 = arith.constant 0 : index
    %get3A_38 = arith.constant 0 : index
    %get3A_39 = vector.load %arg6[%get3A_37, %get3A_38] : memref<1x256xf32, #tpu.memory_space<vmem>>, vector<1x256xf32>
    %add3A_40 = vector.broadcast %get3A_39 : vector<1x256xf32> to vector<1000x256xf32>
    %add3A_41 = arith.addf %add3A_36, %add3A_40 : vector<1000x256xf32>
    %max3A_42 = arith.constant 0.000000e+00 : f32
    %max3A_43 = vector.broadcast %max3A_42 : f32 to vector<1000x256xf32>
    %max3A_44 = arith.maximumf %add3A_41, %max3A_43 : vector<1000x256xf32>
    %swap3A = arith.constant 0 : index
    %swap3A_45 = arith.constant 0 : index
    %swap3A_46 = vector.load %arg8[%swap3A, %swap3A_45] : memref<1000x256xf32, #tpu.memory_space<vmem>>, vector<1000x256xf32>
    tpu.vector_store %arg8[%swap3A, %swap3A_45], %max3A_44 {strides = array<i32>} : memref<1000x256xf32, #tpu.memory_space<vmem>>, vector<1000x256xf32>,
    %get3A_47 = arith.constant 0 : index
    %get3A_48 = arith.constant 0 : index
    %get3A_49 = vector.load %arg7[%get3A_47, %get3A_48] : memref<256x128xf32, #tpu.memory_space<vmem>>, vector<256x128xf32>
    %dot_general3A_50 = arith.constant dense<0.000000e+00> : vector<1000x128xf32>
    %dot_general3A_51 = tpu.matmul %max3A_44, %get3A_49, %dot_general3A_50 {dimension_numbers = #tpu.dot_dimension_numbers<[1], [0], [0], [1], [0, 0, 1, 1], [], []>, transpose_lhs_hint = false} : vector<1000x256xf32>, vector<256x128xf32>, vector<1000x128xf32> -> vector<1000x128xf32>
    %swap3A_52 = arith.constant 0 : index
    %swap3A_53 = arith.constant 0 : index
    %swap3A_54 = vector.load %arg9[%swap3A_52, %swap3A_53] : memref<1000x128xf32, #tpu.memory_space<vmem>>, vector<1000x128xf32>
    tpu.vector_store %arg9[%swap3A_52, %swap3A_53], %dot_general3A_51 {strides = array<i32>} : memref<1000x128xf32, #tpu.memory_space<vmem>>, vector<1000x128xf32>,
    return
  }
  func.func @transform_0(%arg0: i32) -> (i32, i32) {
    %c0_i32 = arith.constant 0 : i32
    %c0_i32_0 = arith.constant 0 : i32
    return %arg0, %c0_i32 : i32, i32
  }
  func.func @transform_1(%arg0: i32) -> (i32, i32, i32) {
    %c0_i32 = arith.constant 0 : i32
    %c0_i32_0 = arith.constant 0 : i32
    %c0_i32_1 = arith.constant 0 : i32
    return %c0_i32, %arg0, %c0_i32_0 : i32, i32, i32
  }
  func.func @transform_2(%arg0: i32) -> (i32, i32, i32) {
    %c0_i32 = arith.constant 0 : i32
    %c0_i32_0 = arith.constant 0 : i32
    %c0_i32_1 = arith.constant 0 : i32
    return %c0_i32, %arg0, %c0_i32_0 : i32, i32, i32
  }
  func.func @transform_3(%arg0: i32) -> (i32, i32) {
    %c0_i32 = arith.constant 0 : i32
    %c0_i32_0 = arith.constant 0 : i32
    %c0_i32_1 = arith.constant 0 : i32
    return %c0_i32, %c0_i32_0 : i32, i32
  }
  func.func @transform_4(%arg0: i32) -> (i32, i32) {
    %c0_i32 = arith.constant 0 : i32
    %c0_i32_0 = arith.constant 0 : i32
    %c0_i32_1 = arith.constant 0 : i32
    return %c0_i32, %c0_i32_0 : i32, i32
  }
  func.func @transform_5(%arg0: i32) -> (i32, i32) {
    %c0_i32 = arith.constant 0 : i32
    %c0_i32_0 = arith.constant 0 : i32
    %c0_i32_1 = arith.constant 0 : i32
    return %c0_i32, %c0_i32_0 : i32, i32
  }
  func.func @transform_6(%arg0: i32) -> (i32, i32) {
    %c0_i32 = arith.constant 0 : i32
    %c0_i32_0 = arith.constant 0 : i32
    %c0_i32_1 = arith.constant 0 : i32
    return %c0_i32, %c0_i32_0 : i32, i32
  }
  func.func @transform_7(%arg0: i32) -> (i32, i32) {
    %c0_i32 = arith.constant 0 : i32
    %c0_i32_0 = arith.constant 0 : i32
    return %arg0, %c0_i32 : i32, i32
  }
  func.func @transform_8(%arg0: i32) -> (i32, i32) {
    %c0_i32 = arith.constant 0 : i32
    %c0_i32_0 = arith.constant 0 : i32
    return %arg0, %c0_i32 : i32, i32
  }
}

module attributes {stable_mosaic.version = 14 : i64} {
  func.func @_tc2_body(%arg0: i32, %arg1: memref<1000x256xf32, #tpu.memory_space<vmem>>, %arg2: memref<2x1000x128xf32, #tpu.memory_space<vmem>>, %arg3: memref<2x1000x128xf32, #tpu.memory_space<vmem>>, %arg4: memref<256x128xf32, #tpu.memory_space<vmem>>, %arg5: memref<1x128xf32, #tpu.memory_space<vmem>>, %arg6: memref<128x64xf32, #tpu.memory_space<vmem>>, %arg7: memref<1x64xf32, #tpu.memory_space<vmem>>, %arg8: memref<1000x64xf32, #tpu.memory_space<vmem>>, %arg9: memref<1000x128xf32, #tpu.memory_space<vmem>>) attributes {dimension_semantics = [#tpu.dimension_semantics<arbitrary>], iteration_bounds = array<i64: 10>, scalar_prefetch = 0 : i64, scratch_operands = 0 : i64, tpu.core_type = #tpu.core_type<tc>, window_params = [{transform_indices = @transform_0, window_bounds = array<i64: 1000, 256>}, {transform_indices = @transform_1, window_bounds = array<i64: 2, 1000, 128>}, {transform_indices = @transform_2, window_bounds = array<i64: 2, 1000, 128>}, {pipeline_mode = #tpu.pipeline_mode<synchronous>, transform_indices = @transform_3, window_bounds = array<i64: 256, 128>}, {pipeline_mode = #tpu.pipeline_mode<synchronous>, transform_indices = @transform_4, window_bounds = array<i64: 1, 128>}, {pipeline_mode = #tpu.pipeline_mode<synchronous>, transform_indices = @transform_5, window_bounds = array<i64: 128, 64>}, {pipeline_mode = #tpu.pipeline_mode<synchronous>, transform_indices = @transform_6, window_bounds = array<i64: 1, 64>}, {transform_indices = @transform_7, window_bounds = array<i64: 1000, 64>}, {transform_indices = @transform_8, window_bounds = array<i64: 1000, 128>}]} {
    %get3A = arith.constant 0 : index
    %get3A_0 = arith.constant 0 : index
    %get3A_1 = arith.constant 0 : index
    %get3A_2 = vector.load %arg3[%get3A, %get3A_0, %get3A_1] : memref<2x1000x128xf32, #tpu.memory_space<vmem>>, vector<1x1000x128xf32>
    %get3A_3 = vector.shape_cast %get3A_2 : vector<1x1000x128xf32> to vector<1000x128xf32>
    %slice3A = vector.extract_strided_slice %get3A_3 {offsets = [0, 0], sizes = [1000, 1], strides = [1, 1]} : vector<1000x128xf32> to vector<1000x1xf32>
    %get3A_4 = arith.constant 1 : index
    %get3A_5 = arith.constant 0 : index
    %get3A_6 = arith.constant 0 : index
    %get3A_7 = vector.load %arg3[%get3A_4, %get3A_5, %get3A_6] : memref<2x1000x128xf32, #tpu.memory_space<vmem>>, vector<1x1000x128xf32>
    %get3A_8 = vector.shape_cast %get3A_7 : vector<1x1000x128xf32> to vector<1000x128xf32>
    %slice3A_9 = vector.extract_strided_slice %get3A_8 {offsets = [0, 0], sizes = [1000, 1], strides = [1, 1]} : vector<1000x128xf32> to vector<1000x1xf32>
    %add3A = arith.addf %slice3A, %slice3A_9 : vector<1000x1xf32>
    %max3A = arith.constant 1.000000e+00 : f32
    %max3A_10 = vector.broadcast %max3A : f32 to vector<1000x1xf32>
    %max3A_11 = arith.maximumf %add3A, %max3A_10 : vector<1000x1xf32>
    %get3A_12 = arith.constant 0 : index
    %get3A_13 = arith.constant 0 : index
    %get3A_14 = arith.constant 0 : index
    %get3A_15 = vector.load %arg2[%get3A_12, %get3A_13, %get3A_14] : memref<2x1000x128xf32, #tpu.memory_space<vmem>>, vector<1x1000x128xf32>
    %get3A_16 = vector.shape_cast %get3A_15 : vector<1x1000x128xf32> to vector<1000x128xf32>
    %get3A_17 = arith.constant 1 : index
    %get3A_18 = arith.constant 0 : index
    %get3A_19 = arith.constant 0 : index
    %get3A_20 = vector.load %arg2[%get3A_17, %get3A_18, %get3A_19] : memref<2x1000x128xf32, #tpu.memory_space<vmem>>, vector<1x1000x128xf32>
    %get3A_21 = vector.shape_cast %get3A_20 : vector<1x1000x128xf32> to vector<1000x128xf32>
    %add3A_22 = arith.addf %get3A_16, %get3A_21 : vector<1000x128xf32>
    %div3A = vector.broadcast %max3A_11 : vector<1000x1xf32> to vector<1000x128xf32>
    %div3A_23 = arith.divf %add3A_22, %div3A : vector<1000x128xf32>
    %get3A_24 = arith.constant 0 : index
    %get3A_25 = arith.constant 0 : index
    %get3A_26 = vector.load %arg1[%get3A_24, %get3A_25] : memref<1000x256xf32, #tpu.memory_space<vmem>>, vector<1000x256xf32>
    %get3A_27 = arith.constant 0 : index
    %get3A_28 = arith.constant 0 : index
    %get3A_29 = vector.load %arg4[%get3A_27, %get3A_28] : memref<256x128xf32, #tpu.memory_space<vmem>>, vector<256x128xf32>
    %dot_general3A = arith.constant dense<0.000000e+00> : vector<1000x128xf32>
    %dot_general3A_30 = tpu.matmul %get3A_26, %get3A_29, %dot_general3A {dimension_numbers = #tpu.dot_dimension_numbers<[1], [0], [0], [1], [0, 0, 1, 1], [], []>, transpose_lhs_hint = false} : vector<1000x256xf32>, vector<256x128xf32>, vector<1000x128xf32> -> vector<1000x128xf32>
    %add3A_31 = arith.addf %div3A_23, %dot_general3A_30 : vector<1000x128xf32>
    %get3A_32 = arith.constant 0 : index
    %get3A_33 = arith.constant 0 : index
    %get3A_34 = vector.load %arg5[%get3A_32, %get3A_33] : memref<1x128xf32, #tpu.memory_space<vmem>>, vector<1x128xf32>
    %add3A_35 = vector.broadcast %get3A_34 : vector<1x128xf32> to vector<1000x128xf32>
    %add3A_36 = arith.addf %add3A_31, %add3A_35 : vector<1000x128xf32>
    %swap3A = arith.constant 0 : index
    %swap3A_37 = arith.constant 0 : index
    %swap3A_38 = vector.load %arg9[%swap3A, %swap3A_37] : memref<1000x128xf32, #tpu.memory_space<vmem>>, vector<1000x128xf32>
    tpu.vector_store %arg9[%swap3A, %swap3A_37], %add3A_36 {strides = array<i32>} : memref<1000x128xf32, #tpu.memory_space<vmem>>, vector<1000x128xf32>,
    %get3A_39 = arith.constant 0 : index
    %get3A_40 = arith.constant 0 : index
    %get3A_41 = vector.load %arg6[%get3A_39, %get3A_40] : memref<128x64xf32, #tpu.memory_space<vmem>>, vector<128x64xf32>
    %dot_general3A_42 = arith.constant dense<0.000000e+00> : vector<1000x64xf32>
    %dot_general3A_43 = tpu.matmul %add3A_36, %get3A_41, %dot_general3A_42 {dimension_numbers = #tpu.dot_dimension_numbers<[1], [0], [0], [1], [0, 0, 1, 1], [], []>, transpose_lhs_hint = false} : vector<1000x128xf32>, vector<128x64xf32>, vector<1000x64xf32> -> vector<1000x64xf32>
    %get3A_44 = arith.constant 0 : index
    %get3A_45 = arith.constant 0 : index
    %get3A_46 = vector.load %arg7[%get3A_44, %get3A_45] : memref<1x64xf32, #tpu.memory_space<vmem>>, vector<1x64xf32>
    %add3A_47 = vector.broadcast %get3A_46 : vector<1x64xf32> to vector<1000x64xf32>
    %add3A_48 = arith.addf %dot_general3A_43, %add3A_47 : vector<1000x64xf32>
    %swap3A_49 = arith.constant 0 : index
    %swap3A_50 = arith.constant 0 : index
    %swap3A_51 = vector.load %arg8[%swap3A_49, %swap3A_50] : memref<1000x64xf32, #tpu.memory_space<vmem>>, vector<1000x64xf32>
    tpu.vector_store %arg8[%swap3A_49, %swap3A_50], %add3A_48 {strides = array<i32>} : memref<1000x64xf32, #tpu.memory_space<vmem>>, vector<1000x64xf32>,
    return
  }
  func.func @transform_0(%arg0: i32) -> (i32, i32) {
    %c0_i32 = arith.constant 0 : i32
    %c0_i32_0 = arith.constant 0 : i32
    return %arg0, %c0_i32 : i32, i32
  }
  func.func @transform_1(%arg0: i32) -> (i32, i32, i32) {
    %c0_i32 = arith.constant 0 : i32
    %c0_i32_0 = arith.constant 0 : i32
    %c0_i32_1 = arith.constant 0 : i32
    return %c0_i32, %arg0, %c0_i32_0 : i32, i32, i32
  }
  func.func @transform_2(%arg0: i32) -> (i32, i32, i32) {
    %c0_i32 = arith.constant 0 : i32
    %c0_i32_0 = arith.constant 0 : i32
    %c0_i32_1 = arith.constant 0 : i32
    return %c0_i32, %arg0, %c0_i32_0 : i32, i32, i32
  }
  func.func @transform_3(%arg0: i32) -> (i32, i32) {
    %c0_i32 = arith.constant 0 : i32
    %c0_i32_0 = arith.constant 0 : i32
    %c0_i32_1 = arith.constant 0 : i32
    return %c0_i32, %c0_i32_0 : i32, i32
  }
  func.func @transform_4(%arg0: i32) -> (i32, i32) {
    %c0_i32 = arith.constant 0 : i32
    %c0_i32_0 = arith.constant 0 : i32
    %c0_i32_1 = arith.constant 0 : i32
    return %c0_i32, %c0_i32_0 : i32, i32
  }
  func.func @transform_5(%arg0: i32) -> (i32, i32) {
    %c0_i32 = arith.constant 0 : i32
    %c0_i32_0 = arith.constant 0 : i32
    %c0_i32_1 = arith.constant 0 : i32
    return %c0_i32, %c0_i32_0 : i32, i32
  }
  func.func @transform_6(%arg0: i32) -> (i32, i32) {
    %c0_i32 = arith.constant 0 : i32
    %c0_i32_0 = arith.constant 0 : i32
    %c0_i32_1 = arith.constant 0 : i32
    return %c0_i32, %c0_i32_0 : i32, i32
  }
  func.func @transform_7(%arg0: i32) -> (i32, i32) {
    %c0_i32 = arith.constant 0 : i32
    %c0_i32_0 = arith.constant 0 : i32
    return %arg0, %c0_i32 : i32, i32
  }
  func.func @transform_8(%arg0: i32) -> (i32, i32) {
    %c0_i32 = arith.constant 0 : i32
    %c0_i32_0 = arith.constant 0 : i32
    return %arg0, %c0_i32 : i32, i32
  }
}

</mosaic_0001>

<sc_bundles>
// kernel: kernel.10.cloned.1.call-start
scs
__scs_entry_jumppad:
0x0: {  	(pc) =	sbr.rel $0x88, $3  }
0x1: {  	(tag) =	ssettag $0x0;
	lr =	simm.s32 $0x1  }
0x2: {  	[smem:$0x3F97] =	sst lr;
	_ =	strace $0xD0000000  }
0x3: {  	_ = 	snop  }
0x4: {  	_ = 	snop  }
0x5: {  	_ = 	snop  }
0x6: {  	_ = 	snop  }
0x7: {  	_ = 	snop  }
__scs_overlays_trampoline_lowered:
0x8: {  	[smem:$0x3FA6] =	sst s0  }
0x9: {  	[smem:$0x3FA7] =	sst s1  }
0xa: {  	[smem:$0x3FA8] =	sst s2  }
0xb: {  	[smem:$0x3FA9] =	sst s3  }
0xc: {  	[smem:$0x3FAA] =	sst s4  }
0xd: {  	[smem:$0x3FAB] =	sst s5  }
0xe: {  	[smem:$0x3FAC] =	sst s6  }
0xf: {  	[smem:$0x3FAD] =	sst s7  }
0x10: {  	[smem:$0x3FAE] =	sst s8  }
0x11: {  	[smem:$0x3FAF] =	sst s9;
	s0 =	simm.s32 @!p0 $0x0  }
0x12: {  	s1 =	sld [smem:$0x3F95];
	s0 =	simm.s32 @p0 $0x1  }
0x13: {  	[smem:$0x3FB0] =	sst s0;
	s0 =	simm.s32 @!p1 $0x0  }
0x14: {  	s2 =	sld [smem:$0x3F94];
	s0 =	simm.s32 @p1 $0x1  }
0x15: {  	[smem:$0x3FB1] =	sst s0;
	s0 =	simm.s32 @!p2 $0x0  }
0x16: {  	s3 =	sld [smem:$0x3FDB];
	s0 =	simm.s32 @p2 $0x1  }
0x17: {  	s4 =	simm.s32 $0x1BF5;
	[smem:$0x3FB3] =	sst s0  }
0x18: {  	s0 =	sld [smem:$0x3F96];
	_ =	swait.ge [sflag:s4], $0x0  }
0x19: {  	s7 =	sld [smem:$0x3F97]  }
0x1a: {  	s8 =	sadd.s32 $0xFFFFE003, lr  }
0x1b: {  	s9 =	sadd.s32 $0xFFFFFEF7, lr;
	s5 =	simm.s32 $0xFFFFFFFF;
	p2 =	slt.u32 s8, $0xFFFFF086  }
0x1c: {  	p1 =	slt.u32 s9, $0xF7A;
	s5 =	simm.s32 @!p2 $0x0  }
0x1d: {  	s5 =	simm.s32 @p1 $0x1;
	p0 =	seq.s32 s7, s2  }
0x1e: {  	s7 =	smul.u32 @!p0 $0xF7A, s2;
	p2 =	seq.s32 @!p0 s5, $0x0  }
0x1f: {  	s9 =	smul.u32 $0xF7A, s1;
	s8 =	simm.s32 @!p0 $0x1BF5;
	p2 =	por !p2, p0  }
0x20: {  	[sflag:s8] =	ssyncset.s32 @!p0 $0xFFFFF086;
	s6 =	sadd.s32 @!p0 s3, s7;
	s7 =	simm.s32 @!p0 $0x108  }
0x21: {  	s3 =	sadd.s32 s3, s9;
	s6 =	sadd.s32 @!p0 $0x88, s6;
	s7 =	simm.s32 @p2 $0x1082  }
0x22: {  	[simem:s7], [sflag:s8] =	dma.local @!p0 [hbm:s6], $0xF7A  }
0x23: {  	s9 =	sor.u32 $0xD0000000, s2;
	s6 =	simm.s32 $0x108;
	_ =	swait.ge @!p0 [sflag:s8], $0x0  }
0x24: {  	s3 =	sadd.s32 $0x88, s3;
	s6 =	simm.s32 @!p1 $0x1082;
	[sflag:s4] =	ssyncset.s32 $0xFFFFF086  }
0x25: {  	[simem:s6], [sflag:s4] =	dma.local [hbm:s3], $0xF7A  }
0x26: {  	[smem:$0x3F97] =	sst s1;
	(tag) =	ssettag s2;
	_ =	strace s9  }
0x27: {  	s1 =	sld [smem:$0x3FA7]  }
0x28: {  	s2 =	sld [smem:$0x3FA8]  }
0x29: {  	s4 =	sld [smem:$0x3FAA]  }
0x2a: {  	p0 =	seq.s32 s5, $0x0;
	s5 =	sld [smem:$0x3FAB]  }
0x2b: {  	s6 =	sld [smem:$0x3FAC]  }
0x2c: {  	s7 =	sld [smem:$0x3FAD]  }
0x2d: {  	s3 =	simm.s32 $0x108;
	s8 =	sld [smem:$0x3FAE]  }
0x2e: {  	s3 =	simm.s32 @!p0 $0x1082;
	s9 =	sld [smem:$0x3FAF]  }
0x2f: {  	lr =	sadd.s32 s0, s3;
	s0 =	sld [smem:$0x3FA6]  }
0x30: {  	s3 =	sld [smem:$0x3FA9]  }
0x31: {  	[smem:$0x3FB2] =	sst s10  }
0x32: {  	s10 =	sld [smem:$0x3FB0];
	_ =	sdelay $0x3  }
0x33: {  	p0 =	seq.s32 s10, $0x1;
	s10 =	sld [smem:$0x3FB2];
	_ =	sdelay $0x3  }
0x34: {  	[smem:$0x3FB2] =	sst s10  }
0x35: {  	s10 =	sld [smem:$0x3FB1];
	_ =	sdelay $0x3  }
0x36: {  	p1 =	seq.s32 s10, $0x1;
	s10 =	sld [smem:$0x3FB2];
	_ =	sdelay $0x3  }
0x37: {  	[smem:$0x3FB2] =	sst s10  }
0x38: {  	s10 =	sld [smem:$0x3FB3]  }
0x39: {  	_ = 	snop;
	(pc) =	sbr.ind lr, $3  }
0x3a: {  	_ = 	snop  }
0x3b: {  	_ = 	snop  }
0x3c: {  	p2 =	seq.s32 s10, $0x1;
	s10 =	sld [smem:$0x3FB2]  }
0x3d: {  	_ =	shalt  }
0x3e: {  	_ =	shalt  }
0x3f: {  	_ =	shalt  }
0x40: {  	_ =	shalt  }
0x41: {  	_ =	shalt  }
0x42: {  	_ =	shalt  }
0x43: {  	_ =	shalt  }
0x44: {  	_ =	shalt  }
0x45: {  	_ =	shalt  }
0x46: {  	_ =	shalt  }
0x47: {  	_ =	shalt  }
0x48: {  	_ =	shalt  }
0x49: {  	_ =	shalt  }
0x4a: {  	_ =	shalt  }
0x4b: {  	_ =	shalt  }
0x4c: {  	_ =	shalt  }
0x4d: {  	_ =	shalt  }
0x4e: {  	_ =	shalt  }
0x4f: {  	_ =	shalt  }
0x50: {  	_ =	shalt  }
0x51: {  	_ =	shalt  }
0x52: {  	_ =	shalt  }
0x53: {  	_ =	shalt  }
0x54: {  	_ =	shalt  }
0x55: {  	_ =	shalt  }
0x56: {  	_ =	shalt  }
0x57: {  	_ =	shalt  }
0x58: {  	_ =	shalt  }
0x59: {  	_ =	shalt  }
0x5a: {  	_ =	shalt  }
0x5b: {  	_ =	shalt  }
0x5c: {  	_ =	shalt  }
0x5d: {  	_ =	shalt  }
0x5e: {  	_ =	shalt  }
0x5f: {  	_ =	shalt  }
0x60: {  	_ =	shalt  }
0x61: {  	_ =	shalt  }
0x62: {  	_ =	shalt  }
0x63: {  	_ =	shalt  }
0x64: {  	_ =	shalt  }
0x65: {  	_ =	shalt  }
0x66: {  	_ =	shalt  }
0x67: {  	_ =	shalt  }
0x68: {  	_ =	shalt  }
0x69: {  	_ =	shalt  }
0x6a: {  	_ =	shalt  }
0x6b: {  	_ =	shalt  }
0x6c: {  	_ =	shalt  }
0x6d: {  	_ =	shalt  }
0x6e: {  	_ =	shalt  }
0x6f: {  	_ =	shalt  }
0x70: {  	_ =	shalt  }
0x71: {  	_ =	shalt  }
0x72: {  	_ =	shalt  }
0x73: {  	_ =	shalt  }
0x74: {  	_ =	shalt  }
0x75: {  	_ =	shalt  }
0x76: {  	_ =	shalt  }
0x77: {  	_ =	shalt  }
0x78: {  	_ =	shalt  }
0x79: {  	_ =	shalt  }
0x7a: {  	_ =	shalt  }
0x7b: {  	_ =	shalt  }
0x7c: {  	_ =	shalt  }
0x7d: {  	_ =	shalt  }
0x7e: {  	_ =	shalt  }
0x7f: {  	_ =	shalt  }
0x80: {  	_ =	shalt  }
0x81: {  	_ =	shalt  }
0x82: {  	_ =	shalt  }
0x83: {  	_ =	shalt  }
0x84: {  	_ =	shalt  }
0x85: {  	_ =	shalt  }
0x86: {  	_ =	shalt  }
0x87: {  	_ =	shalt  }
.Lfunc_end0:
.L_simem_size_0:
called_computation.1_lowered:
.L_overlay_start_0:
0x88: {  	s2 =	sld [smem:$0x3FD9]  }
0x89: {  	s3 =	sld [smem:$0x3FFE];
	_ =	sdelay $0x1  }
0x8a: {  	s1 =	srdreg.scid  }
0x8b: {  	s0 =	sand.u32 $0x1, s1  }
0x8c: {  	s17 =	sshll.u32 s0, $0xA;
	s2 =	sadd.s32 s3, s2  }
0x8d: {  	s2 =	sadd.s32 s2, s17  }
0x8e: {  	[smem:$0x3FBE] =	sst s2  }
0x8f: {  	_ = 	snop  }
0x90: {  	s18 =	sld [smem:$0x3FC9];
	(tm) =	ssettm $0x1  }
0x91: {  	s19 =	sld [smem:$0x3FFB];
	_ =	sdelay $0x3  }
0x92: {  	_ =	strace s19  }
0x93: {  	s2 =	sld [smem:$0x3FFC];
	_ =	sdelay $0x3  }
0x94: {  	_ =	strace s2  }
0x95: {  	s2 =	sld [smem:$0x3FFD];
	_ =	sdelay $0x3  }
0x96: {  	_ =	strace s2  }
0x97: {  	_ =	strace $0x8FFFFFFF  }
0x98: {  	s20 =	sld [smem:$0x3FDB];
	_ =	sdelay $0x1  }
0x99: {  	s4 =	simm.s32 $_scs_section_size  }
0x9a: {  	s5 =	simm.s32 $_size__tile_overlayer_lowered;
	s6 =	simm.s32 $_tile_overlayer_lowered  }
0x9b: {  	s7 =	simm.s32 $0x1BFF;
	s21 =	sshll.u32 s6, $0x1;
	s4 =	sadd.s32 s4, s20  }
0x9c: {  	s22 =	simm.s32 $0x0;
	s5 =	sshll.u32 s5, $0x1;
	s6 =	sadd.s32 s21, s4  }
0x9d: {  	[timem:s22], [sflag:s7] =	dma.local [hbm:s6], s5  }
0x9e: {  	_ =	swait.ge [sflag:s7], s5  }
0x9f: {  	s5 =	ssub.s32 $0x0, s5;
	[sflag:s7] =	ssyncset.done $0x0  }
0xa0: {  	[sflag:s7] =	ssyncadd.s32 s5;
	_ =	sdelay $0x1  }
0xa1: {  	s23 =	simm.s32 $0x1B8B  }
0xa2: {  	_ =	swait.ge [sflag:s23], $0x1  }
0xa3: {  	[sflag:s23] =	ssyncset.done $0x0  }
0xa4: {  	[sflag:s23] =	ssyncadd.s32 $0xFFFFFFFF  }
0xa5: {  	s5 =	sld [smem:$0x0]  }
0xa6: {  	s6 =	sand.u32 $0xFFFFFFFE, s1  }
0xa7: {  	p0 =	sne.s32 s1, s6  }
0xa8: {  	s6 =	sshll.u32 @p0 s6, $0xE  }
0xa9: {  	s6 =	sadd.s32 @p0 $0x11B8D, s6;
	s7 =	sshll.u32 @p0 s5, $0x11  }
0xaa: {  	s6 =	sor.u32 @p0 s7, s6  }
0xab: {  	[sflag:s6] =	ssyncadd.remote.s32 @p0 $0x1;
	_ =	sdelay $0x1  }
0xac: {  	s6 =	simm.s32 @p0 $0x1B8D  }
0xad: {  	_ =	swait.eq @p0 [sflag:s6], $0x1  }
0xae: {  	[sflag:s6] =	ssyncadd.s32 @p0 $0xFFFFFFFF  }
0xaf: {  	s7 =	sshll.u32 @!p0 s1, $0xE  }
0xb0: {  	s7 =	sor.u32 @!p0 $0x4000, s7;
	s6 =	simm.s32 @!p0 $0x1B8D  }
0xb1: {  	s5 =	sshll.u32 @!p0 s5, $0x11;
	s7 =	sadd.s32 @!p0 $0x11B8D, s7;
	_ =	swait.eq @!p0 [sflag:s6], $0x1  }
0xb2: {  	s5 =	sor.u32 @!p0 s5, s7;
	[sflag:s6] =	ssyncadd.s32 @!p0 $0xFFFFFFFF  }
0xb3: {  	s25 =	simm.s32 $0x1B8E;
	s24 =	sld [smem:$0x3FFE];
	[sflag:s5] =	ssyncadd.remote.s32 @!p0 $0x1  }
0xb4: {  	s26 =	simm.s32 $execute0_lowered;
	[smem:$0x3FD2] =	sst s25  }
0xb5: {  	s6 =	sshll.u32 s26, $0x1;
	_ =	strace $0x80000049;
	[dreg:$0x1] =	wrdreg $0xFFFFFFFF  }
0xb6: {  	s28 =	simm.s32 $_size_execute0_lowered;
	s4 =	sadd.s32 s4, s6;
	[dreg:$0x0] =	wrdreg $0x0  }
0xb7: {  	s6 =	sshll.u32 s28, $0x1;
	[dreg:$0x2] =	wrdreg s4  }
0xb8: {  	[dreg:$0x3] =	wrdreg s6  }
0xb9: {  	[dreg:$0x4] =	wrdreg $0xC0  }
0xba: {  	_ =	task [dreg:s22], $0x5FFFF  }
0xbb: {  	[dreg:$0x1] =	wrdreg $0xFFFFFFFF  }
0xbc: {  	[dreg:$0x0] =	wrdreg $0x60  }
0xbd: {  	[dreg:$0x2] =	wrdreg s18  }
0xbe: {  	[dreg:$0x3] =	wrdreg s24  }
0xbf: {  	[dreg:$0x4] =	wrdreg $0x8B000  }
0xc0: {  	[dreg:$0x5] =	wrdreg $0xA  }
0xc1: {  	_ =	task.clear_ibuf [dreg:s22], $0x6FFFF;
	_ =	strace $0x90000049  }
0xc2: {  	s29 =	simm.s32 $0xA;
	_ =	strace $0x8000004B  }
0xc3: {  	_ =	swait.ge [sflag:s29], $0x1  }
0xc4: {  	[sflag:s29] =	ssyncadd.s32 $0xFFFFFFFF  }
0xc5: {  	_ =	strace $0x9000004B  }
0xc6: {  	_ =	sfence  }
0xc7: {  	s30 =	sld [smem:$0x0];
	_ =	sdelay $0x2  }
0xc8: {  	s31 =	sshll.u32 s1, $0xD;
	s1 =	sshrl.u32 s1, $0x2  }
0xc9: {  	s4 =	sand.u32 $0x4000, s31;
	s1 =	sadd.s32 s1, s30  }
0xca: {  	s0 =	sor.u32 s4, s0;
	s1 =	sshll.u32 s1, $0x11  }
0xcb: {  	s0 =	sor.u32 s1, s0  }
0xcc: {  	s0 =	sadd.s32 $0x8F2B, s0  }
0xcd: {  	[sflag:s0] =	ssyncadd.remote.s32 $0x1  }
0xce: {  	_ =	sfence.sel $0xFFFF  }
0xcf: {  	[dreg:$0x0] =	wrdreg $0xFFFFFFFF;
	(pc) =	sbr.abs _section_cstart, $3  }
0xd0: {  	[dreg:$0x1] =	wrdreg $0xFFFFFFFF  }
0xd1: {  	_ =	task.clear_ibuf [dreg:s22], $0x2FFFF;
	_ =	strace $0x9FFFFFFF  }
0xd2: {  	(tm) =	ssettm $0x7FFFFFFF  }
0xd3: {  	_ =	shalt  }
tec
execute0_lowered:
.L_overlay_start_1:
0x0: {  	(tag) =	ssettag $0x1  }
0x1: {  	s1 =	rddreg [dreg:$0x0]  }
0x2: {  	s0 =	rddreg [dreg:$0x1]  }
0x3: {  	s2 =	rddreg [dreg:$0x2]  }
0x4: {  	s4 =	simm.s32 $0x0;
	s3 =	srdreg.scid;
	s12 =	stileid.u32  }
0x5: {  	[smem:$0x7FF] =	sst s4;
	s3 =	sand.u32 $0x1, s3;
	s8 =	smul.u32 $0x14000, s12  }
0x6: {  	s5 =	sadd.s32 $0x2400, s0;
	s6 =	sadd.s32 $0xC200, s0;
	s23 =	smul.u32 $0x50000, s12  }
0x7: {  	s9 =	sadd.s32 $0x16000, s0;
	s21 =	sshll.u32 s12, $0x1;
	s19 =	smul.u32 $0x4E20, s12  }
0x8: {  	s7 =	smul.u32 $0x140000, s3;
	_ =	strace $0x8000004A;
	s22 =	sor.u32 s3, s21  }
0x9: {  	[dreg:$0x5] =	wrdreg s9;
	s11 =	smul.u32 $0x2710, s22;
	s25 =	sshrl.u32 s23, $0x2  }
0xa: {  	s10 =	ssub.s32 $0x2, s3;
	s3 =	smul.u32 $0x2710, s3;
	s13 =	sadd.s32 s25, s2  }
0xb: {  	s26 =	sshrl.u32 s11, $0x3;
	s11 =	sadd.s32 $0x190, s11;
	[dreg:$0x6] =	wrdreg s13  }
0xc: {  	s24 =	sshrl.u32 s10, $0x1;
	s22 =	sadd.s32 $0x1000, s13;
	[dreg:$0x4] =	wrdreg s11  }
0xd: {  	s3 =	sadd.s32 s3, s19;
	s23 =	sadd.s32 $0x2000, s13;
	[dreg:$0xe] =	wrdreg s22  }
0xe: {  	s25 =	sadd.s32 $0x140, s3;
	s3 =	sadd.s32 $0xF0, s3;
	[dreg:$0xf] =	wrdreg s23  }
0xf: {  	s7 =	sadd.s32 s8, s7;
	s12 =	sadd.s32 $0x7000, s13;
	[dreg:$0x16] =	wrdreg s3  }
0x10: {  	s7 =	sshrl.u32 s7, $0x3;
	s19 =	sadd.s32 $0xD000, s13;
	[dreg:$0x17] =	wrdreg s12  }
0x11: {  	s0 =	sadd.s32 s7, s0;
	s14 =	sadd.s32 s5, s26;
	[dreg:$0x1d] =	wrdreg s19  }
0x12: {  	s7 =	ssub.s32 s10, s24;
	s15 =	sadd.s32 s6, s26;
	[dreg:$0x7] =	wrdreg s14  }
0x13: {  	s16 =	sadd.s32 $0xA, s26;
	s24 =	sadd.s32 $0x3000, s13;
	[dreg:$0x8] =	wrdreg s15  }
0x14: {  	s9 =	sadd.s32 $0x14, s26;
	s26 =	sadd.s32 $0x4000, s13;
	[dreg:$0x10] =	wrdreg s24  }
0x15: {  	s10 =	sadd.s32 $0x6000, s13;
	[dreg:$0x11] =	wrdreg s26  }
0x16: {  	s22 =	sadd.s32 $0x10000, s13;
	[dreg:$0x13] =	wrdreg s10  }
0x17: {  	s28 =	simm.s32 $0x300;
	s23 =	sadd.s32 $0x11000, s13;
	[smem:$0x7FA] =	sst s22  }
0x18: {  	s29 =	simm.s32 $0x5;
	s17 =	sadd.s32 s5, s16;
	[smem:$0x7FB] =	sst s23  }
0x19: {  	s30 =	simm.s32 $0x2B00;
	s18 =	sadd.s32 s6, s16;
	[dreg:$0x9] =	wrdreg s17  }
0x1a: {  	s31 =	simm.s32 $0x1;
	s20 =	sadd.s32 s5, s9;
	[dreg:$0xa] =	wrdreg s18  }
0x1b: {  	s19 =	simm.s32 $0x100;
	s21 =	sadd.s32 s6, s9;
	[dreg:$0xb] =	wrdreg s20  }
0x1c: {  	s3 =	simm.s32 $0x5300;
	s7 =	smax.u32 s7, $0x1;
	[dreg:$0xc] =	wrdreg s21  }
0x1d: {  	s9 =	sadd.s32 $0x5000, s13;
	s14 =	sadd.s32 $0x8000, s13;
	[dreg:$0xd] =	wrdreg s7  }
0x1e: {  	s15 =	sadd.s32 $0x9000, s13;
	s16 =	sadd.s32 $0xA000, s13;
	[dreg:$0x12] =	wrdreg s9  }
0x1f: {  	s24 =	sadd.s32 $0x12000, s13;
	s26 =	sadd.s32 $0x13000, s13;
	[dreg:$0x18] =	wrdreg s14  }
0x20: {  	s10 =	simm.s32 $0x0;
	s7 =	sshrl.u32 s25, $0x3;
	[dreg:$0x19] =	wrdreg s15  }
0x21: {  	s25 =	sadd.s32 $0x66200, s0;
	[dreg:$0x1a] =	wrdreg s16;
	s17 =	sadd.s32 $0xB000, s13  }
0x22: {  	s18 =	sadd.s32 $0xC000, s13;
	s20 =	sadd.s32 $0xE000, s13;
	[smem:$0x7FC] =	sst s24  }
0x23: {  	s21 =	sadd.s32 $0xF000, s13;
	[smem:$0x7FD] =	sst s26;
	s14 =	simm.s32 $0x7B00  }
0x24: {  	s15 =	simm.s32 $0x7;
	s16 =	simm.s32 $0x180;
	[dreg:$0x1b] =	wrdreg s17  }
0x25: {  	s26 =	simm.s32 $0x50;
	s0 =	simm.s32 $0x6;
	[dreg:$0x1c] =	wrdreg s18  }
0x26: {  	s9 =	simm.s32 $0x3;
	s11 =	sadd.s32 s7, s6;
	[dreg:$0x1e] =	wrdreg s20  }
0x27: {  	s7 =	sadd.s32 s7, s5;
	[dreg:$0x1f] =	wrdreg s21;
	s17 =	simm.s32 $0x80  }
0x28: {  	s18 =	simm.s32 $0x200;
	s20 =	simm.s32 $0x280;
	[dreg:$0x14] =	wrdreg s11  }
0x29: {  	s21 =	simm.s32 $0x4;
	[dreg:$0x15] =	wrdreg s7;
	s7 =	simm.s32 $0x2  }
.LBB2_1:
0x2a: {  	s8 =	rddreg [dreg:$0x5]  }
0x2b: {  	[tilespmem:s14], [sflag:$0x7] =	stream.linear.gather [hbm4b:s8+s4], $0x1000, $0x38;
	[tilespmem:$0x1CB00] =	vst v63  }
0x2c: {  	_ =	swait.ge [sflag:s15], $0x1000  }
0x2d: {  	[sflag:s15] =	ssyncset.done $0x0  }
0x2e: {  	[sflag:s15] =	ssyncadd.s32 $0xFFFFF000  }
0x2f: {  	[spmem:s13] =	stream.linear.scatter [tilespmem:s14], [sflag:$0x7], $0x1000, $0x38;
	[tilespmem:$0x1CB00] =	vst v63  }
0x30: {  	_ =	swait.ge [sflag:s15], $0x1000  }
0x31: {  	[sflag:s15] =	ssyncset.done $0x0  }
0x32: {  	s11 =	rddreg [dreg:$0xe];
	[sflag:s15] =	ssyncadd.s32 $0xFFFFF000  }
0x33: {  	[spmem:s11] =	stream.linear.scatter [tilespmem:s14], [sflag:$0x7], $0x1000, $0x38;
	[tilespmem:$0x1CB00] =	vst v63  }
0x34: {  	_ =	swait.ge [sflag:s15], $0x1000  }
0x35: {  	[sflag:s15] =	ssyncset.done $0x0  }
0x36: {  	s12 =	rddreg [dreg:$0xf];
	[sflag:s15] =	ssyncadd.s32 $0xFFFFF000  }
0x37: {  	[spmem:s12] =	stream.linear.scatter [tilespmem:s14], [sflag:$0x7], $0x1000, $0x38;
	[tilespmem:$0x1CB00] =	vst v63  }
0x38: {  	_ =	swait.ge [sflag:s15], $0x1000  }
0x39: {  	[sflag:s15] =	ssyncset.done $0x0  }
0x3a: {  	s13 =	rddreg [dreg:$0x10];
	[sflag:s15] =	ssyncadd.s32 $0xFFFFF000  }
0x3b: {  	[spmem:s13] =	stream.linear.scatter [tilespmem:s14], [sflag:$0x7], $0x1000, $0x38;
	[tilespmem:$0x1CB00] =	vst v63  }
0x3c: {  	_ =	swait.ge [sflag:s15], $0x1000  }
0x3d: {  	[sflag:s15] =	ssyncset.done $0x0  }
0x3e: {  	s22 =	rddreg [dreg:$0x11];
	[sflag:s15] =	ssyncadd.s32 $0xFFFFF000  }
0x3f: {  	[spmem:s22] =	stream.linear.scatter [tilespmem:s14], [sflag:$0x7], $0x1000, $0x38;
	[tilespmem:$0x1CB00] =	vst v63  }
0x40: {  	_ =	swait.ge [sflag:s15], $0x1000  }
0x41: {  	[sflag:s15] =	ssyncset.done $0x0  }
0x42: {  	s23 =	rddreg [dreg:$0x12];
	[sflag:s15] =	ssyncadd.s32 $0xFFFFF000  }
0x43: {  	[spmem:s23] =	stream.linear.scatter [tilespmem:s14], [sflag:$0x7], $0x1000, $0x38;
	[tilespmem:$0x1CB00] =	vst v63  }
0x44: {  	_ =	swait.ge [sflag:s15], $0x1000  }
0x45: {  	[sflag:s15] =	ssyncset.done $0x0  }
0x46: {  	s24 =	rddreg [dreg:$0x13];
	[sflag:s15] =	ssyncadd.s32 $0xFFFFF000  }
0x47: {  	[spmem:s24] =	stream.linear.scatter [tilespmem:s14], [sflag:$0x7], $0x1000, $0x38;
	[tilespmem:$0x1CB00] =	vst v63  }
0x48: {  	_ =	swait.ge [sflag:s15], $0x1000  }
0x49: {  	[sflag:s15] =	ssyncset.done $0x0  }
0x4a: {  	s11 =	rddreg [dreg:$0x17];
	[sflag:s15] =	ssyncadd.s32 $0xFFFFF000  }
0x4b: {  	[spmem:s11] =	stream.linear.scatter [tilespmem:s14], [sflag:$0x7], $0x1000, $0x38;
	[tilespmem:$0x1CB00] =	vst v63  }
0x4c: {  	_ =	swait.ge [sflag:s15], $0x1000  }
0x4d: {  	[sflag:s15] =	ssyncset.done $0x0  }
0x4e: {  	s12 =	rddreg [dreg:$0x18];
	[sflag:s15] =	ssyncadd.s32 $0xFFFFF000  }
0x4f: {  	[spmem:s12] =	stream.linear.scatter [tilespmem:s14], [sflag:$0x7], $0x1000, $0x38;
	[tilespmem:$0x1CB00] =	vst v63  }
0x50: {  	_ =	swait.ge [sflag:s15], $0x1000  }
0x51: {  	[sflag:s15] =	ssyncset.done $0x0  }
0x52: {  	s13 =	rddreg [dreg:$0x19];
	[sflag:s15] =	ssyncadd.s32 $0xFFFFF000  }
0x53: {  	[spmem:s13] =	stream.linear.scatter [tilespmem:s14], [sflag:$0x7], $0x1000, $0x38;
	[tilespmem:$0x1CB00] =	vst v63  }
0x54: {  	_ =	swait.ge [sflag:s15], $0x1000  }
0x55: {  	[sflag:s15] =	ssyncset.done $0x0  }
0x56: {  	s22 =	rddreg [dreg:$0x1a];
	[sflag:s15] =	ssyncadd.s32 $0xFFFFF000  }
0x57: {  	[spmem:s22] =	stream.linear.scatter [tilespmem:s14], [sflag:$0x7], $0x1000, $0x38;
	[tilespmem:$0x1CB00] =	vst v63  }
0x58: {  	_ =	swait.ge [sflag:s15], $0x1000  }
0x59: {  	[sflag:s15] =	ssyncset.done $0x0  }
0x5a: {  	s23 =	rddreg [dreg:$0x1b];
	[sflag:s15] =	ssyncadd.s32 $0xFFFFF000  }
0x5b: {  	[spmem:s23] =	stream.linear.scatter [tilespmem:s14], [sflag:$0x7], $0x1000, $0x38;
	[tilespmem:$0x1CB00] =	vst v63  }
0x5c: {  	_ =	swait.ge [sflag:s15], $0x1000  }
0x5d: {  	[sflag:s15] =	ssyncset.done $0x0  }
0x5e: {  	s24 =	rddreg [dreg:$0x1c];
	[sflag:s15] =	ssyncadd.s32 $0xFFFFF000  }
0x5f: {  	[spmem:s24] =	stream.linear.scatter [tilespmem:s14], [sflag:$0x7], $0x1000, $0x38;
	[tilespmem:$0x1CB00] =	vst v63  }
0x60: {  	_ =	swait.ge [sflag:s15], $0x1000  }
0x61: {  	[sflag:s15] =	ssyncset.done $0x0  }
0x62: {  	s11 =	rddreg [dreg:$0x1d];
	[sflag:s15] =	ssyncadd.s32 $0xFFFFF000  }
0x63: {  	[spmem:s11] =	stream.linear.scatter [tilespmem:s14], [sflag:$0x7], $0x1000, $0x38;
	[tilespmem:$0x1CB00] =	vst v63  }
0x64: {  	_ =	swait.ge [sflag:s15], $0x1000  }
0x65: {  	[sflag:s15] =	ssyncset.done $0x0  }
0x66: {  	s12 =	rddreg [dreg:$0x1e];
	[sflag:s15] =	ssyncadd.s32 $0xFFFFF000  }
0x67: {  	[spmem:s12] =	stream.linear.scatter [tilespmem:s14], [sflag:$0x7], $0x1000, $0x38;
	[tilespmem:$0x1CB00] =	vst v63  }
0x68: {  	_ =	swait.ge [sflag:s15], $0x1000  }
0x69: {  	[sflag:s15] =	ssyncset.done $0x0  }
0x6a: {  	s13 =	rddreg [dreg:$0x1f];
	[sflag:s15] =	ssyncadd.s32 $0xFFFFF000  }
0x6b: {  	[spmem:s13] =	stream.linear.scatter [tilespmem:s14], [sflag:$0x7], $0x1000, $0x38;
	[tilespmem:$0x1CB00] =	vst v63  }
0x6c: {  	_ =	swait.ge [sflag:s15], $0x1000  }
0x6d: {  	s22 =	sld [smem:$0x7FA]  }
0x6e: {  	[sflag:s15] =	ssyncset.done $0x0  }
0x6f: {  	[sflag:s15] =	ssyncadd.s32 $0xFFFFF000  }
0x70: {  	[spmem:s22] =	stream.linear.scatter [tilespmem:s14], [sflag:$0x7], $0x1000, $0x38;
	[tilespmem:$0x1CB00] =	vst v63  }
0x71: {  	_ =	swait.ge [sflag:s15], $0x1000  }
0x72: {  	s23 =	sld [smem:$0x7FB]  }
0x73: {  	[sflag:s15] =	ssyncset.done $0x0  }
0x74: {  	[sflag:s15] =	ssyncadd.s32 $0xFFFFF000  }
0x75: {  	[spmem:s23] =	stream.linear.scatter [tilespmem:s14], [sflag:$0x7], $0x1000, $0x38;
	[tilespmem:$0x1CB00] =	vst v63  }
0x76: {  	_ =	swait.ge [sflag:s15], $0x1000  }
0x77: {  	s24 =	sld [smem:$0x7FC]  }
0x78: {  	[sflag:s15] =	ssyncset.done $0x0  }
0x79: {  	[sflag:s15] =	ssyncadd.s32 $0xFFFFF000  }
0x7a: {  	[spmem:s24] =	stream.linear.scatter [tilespmem:s14], [sflag:$0x7], $0x1000, $0x38;
	[tilespmem:$0x1CB00] =	vst v63  }
0x7b: {  	_ =	swait.ge [sflag:s15], $0x1000  }
0x7c: {  	s11 =	sld [smem:$0x7FD]  }
0x7d: {  	[sflag:s15] =	ssyncset.done $0x0  }
0x7e: {  	[sflag:s15] =	ssyncadd.s32 $0xFFFFF000  }
0x7f: {  	[spmem:s11] =	stream.linear.scatter [tilespmem:s14], [sflag:$0x7], $0x1000, $0x38;
	[tilespmem:$0x1CB00] =	vst v63  }
0x80: {  	_ =	swait.ge [sflag:s15], $0x1000  }
0x81: {  	[sflag:s15] =	ssyncset.done $0x0  }
0x82: {  	[sflag:s15] =	ssyncadd.s32 $0xFFFFF000  }
0x83: {  	[bflag:$0x0] =	sbarrier.arrive $0xFFFF  }
0x84: {  	s12 =	rddreg [dreg:$0x7]  }
0x85: {  	[tilespmem:s4], [sflag:$0x4] =	stream.linear.gather [hbm4b:s12+s4], $0x50, $0x38;
	[tilespmem:$0x1CB00] =	vst v63  }
0x86: {  	s13 =	rddreg [dreg:$0x8]  }
0x87: {  	[tilespmem:s16], [sflag:$0x4] =	stream.linear.gather [hbm4b:s13+s4], $0x50, $0x38;
	[tilespmem:$0x1CB00] =	vst v63  }
0x88: {  	s22 =	rddreg [dreg:$0x9]  }
0x89: {  	[tilespmem:s17], [sflag:$0x5] =	stream.linear.gather [hbm4b:s22+s4], $0x50, $0x38;
	[tilespmem:$0x1CB00] =	vst v63  }
0x8a: {  	s23 =	rddreg [dreg:$0xa]  }
0x8b: {  	[tilespmem:s18], [sflag:$0x5] =	stream.linear.gather [hbm4b:s23+s4], $0x50, $0x38;
	[tilespmem:$0x1CB00] =	vst v63  }
0x8c: {  	s24 =	rddreg [dreg:$0xb]  }
0x8d: {  	[tilespmem:s19], [sflag:$0x6] =	stream.linear.gather [hbm4b:s24+s4], $0x50, $0x38;
	[tilespmem:$0x1CB00] =	vst v63  }
0x8e: {  	s11 =	rddreg [dreg:$0xc]  }
0x8f: {  	[tilespmem:s20], [sflag:$0x6] =	stream.linear.gather [hbm4b:s11+s4], $0x50, $0x38;
	[tilespmem:$0x1CB00] =	vst v63  }
0x90: {  	_ =	swait.ge [sflag:s21], $0x50  }
0x91: {  	[sflag:s21] =	ssyncset.done $0x0  }
0x92: {  	[sflag:s21] =	ssyncadd.s32 $0xFFFFFFB0  }
0x93: {  	_ =	swait.ge [sflag:s21], $0x50  }
0x94: {  	[sflag:s21] =	ssyncset.done $0x0  }
0x95: {  	[sflag:s21] =	ssyncadd.s32 $0xFFFFFFB0  }
0x96: {  	[tilespmem:s28], [sflag:$0x1] =	stream.indirect.gather [hbm4b:s1+s26], $0x80, s4, s26, $0xb8;
	[tilespmem:$0x1CB00] =	vst v63  }
0x97: {  	_ =	swait.ge [sflag:s29], $0x50  }
0x98: {  	[sflag:s29] =	ssyncset.done $0x0  }
0x99: {  	[sflag:s29] =	ssyncadd.s32 $0xFFFFFFB0  }
0x9a: {  	_ =	swait.ge [sflag:s29], $0x50  }
0x9b: {  	[sflag:s29] =	ssyncset.done $0x0  }
0x9c: {  	[sflag:s29] =	ssyncadd.s32 $0xFFFFFFB0  }
0x9d: {  	[tilespmem:s30], [sflag:$0x2] =	stream.indirect.gather [hbm4b:s1+s26], $0x80, s17, s26, $0xb8;
	[tilespmem:$0x1CB00] =	vst v63  }
0x9e: {  	_ =	swait.ge [sflag:s31], $0x2800  }
0x9f: {  	[sflag:s31] =	ssyncset.done $0x0  }
0xa0: {  	[sflag:s31] =	ssyncadd.s32 $0xFFFFD800  }
0xa1: {  	_ =	swait.ge [sflag:s0], $0x50  }
0xa2: {  	[sflag:s0] =	ssyncset.done $0x0  }
0xa3: {  	[sflag:s0] =	ssyncadd.s32 $0xFFFFFFB0  }
0xa4: {  	_ =	swait.ge [sflag:s0], $0x50  }
0xa5: {  	[sflag:s0] =	ssyncset.done $0x0  }
0xa6: {  	[sflag:s0] =	ssyncadd.s32 $0xFFFFFFB0  }
0xa7: {  	[tilespmem:s3], [sflag:$0x3] =	stream.indirect.gather [hbm4b:s1+s26], $0x80, s19, s26, $0xb8;
	[tilespmem:$0x1CB00] =	vst v63  }
0xa8: {  	_ = 	snop  }
0xa9: {  	[spmem:s2] =	stream.indirect.scatter.add.f32 [tilespmem:s28], [sflag:$0x7], $0x80, s16, s26, $0xb8;
	[tilespmem:$0x1CB00] =	vst v63  }
0xaa: {  	_ =	swait.ge [sflag:s15], $0x2800  }
0xab: {  	s23 =	rddreg [dreg:$0x16]  }
0xac: {  	[sflag:s15] =	ssyncset.done $0x0;
	s11 =	sshrl.u32 s23, $0x3  }
0xad: {  	[sflag:s15] =	ssyncadd.s32 $0xFFFFD800;
	s12 =	sadd.s32 s5, s11  }
0xae: {  	[tilespmem:s4], [sflag:$0x4] =	stream.linear.gather [hbm4b:s12+s4], $0x50, $0x38;
	[tilespmem:$0x1CB00] =	vst v63  }
0xaf: {  	s11 =	sadd.s32 s6, s11  }
0xb0: {  	[tilespmem:s16], [sflag:$0x4] =	stream.linear.gather [hbm4b:s11+s4], $0x50, $0x38;
	[tilespmem:$0x1CB00] =	vst v63  }
0xb1: {  	_ =	swait.ge [sflag:s7], $0x2800  }
0xb2: {  	[sflag:s7] =	ssyncset.done $0x0  }
0xb3: {  	[sflag:s7] =	ssyncadd.s32 $0xFFFFD800  }
0xb4: {  	_ =	swait.ge [sflag:s21], $0x50  }
0xb5: {  	[sflag:s21] =	ssyncset.done $0x0  }
0xb6: {  	[sflag:s21] =	ssyncadd.s32 $0xFFFFFFB0  }
0xb7: {  	_ =	swait.ge [sflag:s21], $0x50  }
0xb8: {  	[sflag:s21] =	ssyncset.done $0x0  }
0xb9: {  	[sflag:s21] =	ssyncadd.s32 $0xFFFFFFB0  }
0xba: {  	[tilespmem:s28], [sflag:$0x1] =	stream.indirect.gather [hbm4b:s1+s26], $0x80, s4, s26, $0xb8;
	[tilespmem:$0x1CB00] =	vst v63  }
0xbb: {  	_ = 	snop  }
0xbc: {  	[spmem:s2] =	stream.indirect.scatter.add.f32 [tilespmem:s30], [sflag:$0x7], $0x80, s18, s26, $0xb8;
	[tilespmem:$0x1CB00] =	vst v63  }
0xbd: {  	_ =	swait.ge [sflag:s15], $0x2800  }
0xbe: {  	[sflag:s15] =	ssyncset.done $0x0  }
0xbf: {  	s22 =	rddreg [dreg:$0x15];
	[sflag:s15] =	ssyncadd.s32 $0xFFFFD800  }
0xc0: {  	[tilespmem:s17], [sflag:$0x5] =	stream.linear.gather [hbm4b:s22+s4], $0x50, $0x38;
	[tilespmem:$0x1CB00] =	vst v63  }
0xc1: {  	s8 =	rddreg [dreg:$0x14]  }
0xc2: {  	[tilespmem:s18], [sflag:$0x5] =	stream.linear.gather [hbm4b:s8+s4], $0x50, $0x38;
	[tilespmem:$0x1CB00] =	vst v63  }
0xc3: {  	_ =	swait.ge [sflag:s9], $0x2800  }
0xc4: {  	[sflag:s9] =	ssyncset.done $0x0  }
0xc5: {  	[sflag:s9] =	ssyncadd.s32 $0xFFFFD800  }
0xc6: {  	_ =	swait.ge [sflag:s29], $0x50  }
0xc7: {  	[sflag:s29] =	ssyncset.done $0x0  }
0xc8: {  	[sflag:s29] =	ssyncadd.s32 $0xFFFFFFB0  }
0xc9: {  	_ =	swait.ge [sflag:s29], $0x50  }
0xca: {  	[sflag:s29] =	ssyncset.done $0x0  }
0xcb: {  	[sflag:s29] =	ssyncadd.s32 $0xFFFFFFB0  }
0xcc: {  	[tilespmem:s30], [sflag:$0x2] =	stream.indirect.gather [hbm4b:s1+s26], $0x80, s17, s26, $0xb8;
	[tilespmem:$0x1CB00] =	vst v63  }
0xcd: {  	s12 =	smin.u32 s4, $0x77  }
0xce: {  	[spmem:s2] =	stream.indirect.scatter.add.f32 [tilespmem:s3], [sflag:$0x7], $0x80, s20, s26, $0xb8;
	[tilespmem:$0x1CB00] =	vst v63  }
0xcf: {  	s11 =	smul.u32 $0x50, s12;
	_ =	swait.ge [sflag:s15], $0x2800  }
0xd0: {  	s13 =	rddreg [dreg:$0x4]  }
0xd1: {  	s11 =	sadd.s32 s11, s13  }
0xd2: {  	s12 =	sadd.s32 $0xF0, s23;
	[sflag:s15] =	ssyncset.done $0x0;
	s24 =	sshrl.u32 s11, $0x3  }
0xd3: {  	s22 =	sadd.s32 $0x1E, s22;
	[sflag:s15] =	ssyncadd.s32 $0xFFFFD800;
	s11 =	sadd.s32 s5, s24  }
0xd4: {  	[tilespmem:s19], [sflag:$0x6] =	stream.linear.gather [hbm4b:s11+s4], $0x50, $0x38;
	[tilespmem:$0x1CB00] =	vst v63  }
0xd5: {  	s13 =	sadd.s32 $0x1E, s8;
	s23 =	sadd.s32 s6, s24;
	s11 =	simm.s32 $0x3  }
.LBB2_2:
0xd6: {  	[tilespmem:s20], [sflag:$0x6] =	stream.linear.gather [hbm4b:s23+s4], $0x50, $0x38;
	[tilespmem:$0x1CB00] =	vst v63  }
0xd7: {  	_ =	swait.ge [sflag:s31], $0x2800  }
0xd8: {  	[sflag:s31] =	ssyncset.done $0x0  }
0xd9: {  	[sflag:s31] =	ssyncadd.s32 $0xFFFFD800  }
0xda: {  	_ =	swait.ge [sflag:s0], $0x50  }
0xdb: {  	[sflag:s0] =	ssyncset.done $0x0  }
0xdc: {  	[sflag:s0] =	ssyncadd.s32 $0xFFFFFFB0  }
0xdd: {  	_ =	swait.ge [sflag:s0], $0x50  }
0xde: {  	[sflag:s0] =	ssyncset.done $0x0  }
0xdf: {  	[sflag:s0] =	ssyncadd.s32 $0xFFFFFFB0  }
0xe0: {  	[tilespmem:s3], [sflag:$0x3] =	stream.indirect.gather [hbm4b:s1+s26], $0x80, s19, s26, $0xb8;
	[tilespmem:$0x1CB00] =	vst v63  }
0xe1: {  	_ = 	snop  }
0xe2: {  	[spmem:s2] =	stream.indirect.scatter.add.f32 [tilespmem:s28], [sflag:$0x7], $0x80, s16, s26, $0xb8;
	[tilespmem:$0x1CB00] =	vst v63  }
0xe3: {  	_ =	swait.ge [sflag:s15], $0x2800  }
0xe4: {  	s24 =	sshrl.u32 s12, $0x3;
	[sflag:s15] =	ssyncset.done $0x0  }
0xe5: {  	s8 =	sadd.s32 s5, s24;
	[sflag:s15] =	ssyncadd.s32 $0xFFFFD800  }
0xe6: {  	[tilespmem:s4], [sflag:$0x4] =	stream.linear.gather [hbm4b:s8+s4], $0x50, $0x38;
	[tilespmem:$0x1CB00] =	vst v63  }
0xe7: {  	s24 =	sadd.s32 s6, s24  }
0xe8: {  	[tilespmem:s16], [sflag:$0x4] =	stream.linear.gather [hbm4b:s24+s4], $0x50, $0x38;
	[tilespmem:$0x1CB00] =	vst v63  }
0xe9: {  	_ =	swait.ge [sflag:s7], $0x2800  }
0xea: {  	[sflag:s7] =	ssyncset.done $0x0  }
0xeb: {  	[sflag:s7] =	ssyncadd.s32 $0xFFFFD800  }
0xec: {  	_ =	swait.ge [sflag:s21], $0x50  }
0xed: {  	[sflag:s21] =	ssyncset.done $0x0  }
0xee: {  	[sflag:s21] =	ssyncadd.s32 $0xFFFFFFB0  }
0xef: {  	_ =	swait.ge [sflag:s21], $0x50  }
0xf0: {  	[sflag:s21] =	ssyncset.done $0x0  }
0xf1: {  	[sflag:s21] =	ssyncadd.s32 $0xFFFFFFB0  }
0xf2: {  	[tilespmem:s28], [sflag:$0x1] =	stream.indirect.gather [hbm4b:s1+s26], $0x80, s4, s26, $0xb8;
	[tilespmem:$0x1CB00] =	vst v63  }
0xf3: {  	_ = 	snop  }
0xf4: {  	[spmem:s2] =	stream.indirect.scatter.add.f32 [tilespmem:s30], [sflag:$0x7], $0x80, s18, s26, $0xb8;
	[tilespmem:$0x1CB00] =	vst v63  }
0xf5: {  	_ =	swait.ge [sflag:s15], $0x2800  }
0xf6: {  	[sflag:s15] =	ssyncset.done $0x0  }
0xf7: {  	[sflag:s15] =	ssyncadd.s32 $0xFFFFD800  }
0xf8: {  	[tilespmem:s17], [sflag:$0x5] =	stream.linear.gather [hbm4b:s22+s4], $0x50, $0x38;
	[tilespmem:$0x1CB00] =	vst v63  }
0xf9: {  	_ = 	snop  }
0xfa: {  	[tilespmem:s18], [sflag:$0x5] =	stream.linear.gather [hbm4b:s13+s4], $0x50, $0x38;
	[tilespmem:$0x1CB00] =	vst v63  }
0xfb: {  	_ =	swait.ge [sflag:s9], $0x2800  }
0xfc: {  	[sflag:s9] =	ssyncset.done $0x0  }
0xfd: {  	[sflag:s9] =	ssyncadd.s32 $0xFFFFD800  }
0xfe: {  	_ =	swait.ge [sflag:s29], $0x50  }
0xff: {  	[sflag:s29] =	ssyncset.done $0x0  }
0x100: {  	[sflag:s29] =	ssyncadd.s32 $0xFFFFFFB0  }
0x101: {  	_ =	swait.ge [sflag:s29], $0x50  }
0x102: {  	[sflag:s29] =	ssyncset.done $0x0  }
0x103: {  	s23 =	smov.u32 s11;
	[sflag:s29] =	ssyncadd.s32 $0xFFFFFFB0  }
0x104: {  	[tilespmem:s30], [sflag:$0x2] =	stream.indirect.gather [hbm4b:s1+s26], $0x80, s17, s26, $0xb8;
	[tilespmem:$0x1CB00] =	vst v63  }
0x105: {  	s23 =	smin.u32 s23, $0x77  }
0x106: {  	[spmem:s2] =	stream.indirect.scatter.add.f32 [tilespmem:s3], [sflag:$0x7], $0x80, s20, s26, $0xb8;
	[tilespmem:$0x1CB00] =	vst v63  }
0x107: {  	p0 =	sne.s32 s11, $0x78;
	s8 =	smul.u32 $0x50, s23;
	_ =	swait.ge [sflag:s15], $0x2800  }
.Ltmp0:
0x108: {  	s11 =	sadd.s32 $0x3, s11;
	s24 =	rddreg [dreg:$0x4];
	(pc) =	sbr.rel @p0 .LBB2_2-.Ltmp0, $4  }
0x109: {  	s12 =	sadd.s32 $0xF0, s12;
	s22 =	sadd.s32 $0x1E, s22;
	s8 =	sadd.s32 s8, s24  }
0x10a: {  	s13 =	sadd.s32 $0x1E, s13;
	[sflag:s15] =	ssyncset.done $0x0;
	s8 =	sshrl.u32 s8, $0x3  }
0x10b: {  	[sflag:s15] =	ssyncadd.s32 $0xFFFFD800;
	s24 =	sadd.s32 s5, s8;
	s23 =	sadd.s32 s6, s8  }
0x10c: {  	[tilespmem:s19], [sflag:$0x6] =	stream.linear.gather [hbm4b:s24+s4], $0x50, $0x38;
	[tilespmem:$0x1CB00] =	vst v63  }
0x10d: {  	[tilespmem:s20], [sflag:$0x6] =	stream.linear.gather [hbm4b:s23+s4], $0x50, $0x38;
	[tilespmem:$0x1CB00] =	vst v63  }
0x10e: {  	_ =	swait.ge [sflag:s31], $0x2800  }
0x10f: {  	[sflag:s31] =	ssyncset.done $0x0  }
0x110: {  	[sflag:s31] =	ssyncadd.s32 $0xFFFFD800  }
0x111: {  	[spmem:s2] =	stream.indirect.scatter.add.f32 [tilespmem:s28], [sflag:$0x7], $0x80, s16, s26, $0xb8;
	[tilespmem:$0x1CB00] =	vst v63  }
0x112: {  	_ =	swait.ge [sflag:s15], $0x2800  }
0x113: {  	[sflag:s15] =	ssyncset.done $0x0  }
0x114: {  	[sflag:s15] =	ssyncadd.s32 $0xFFFFD800  }
0x115: {  	_ =	swait.ge [sflag:s7], $0x2800  }
0x116: {  	[sflag:s7] =	ssyncset.done $0x0  }
0x117: {  	[sflag:s7] =	ssyncadd.s32 $0xFFFFD800  }
0x118: {  	[spmem:s2] =	stream.indirect.scatter.add.f32 [tilespmem:s30], [sflag:$0x7], $0x80, s18, s26, $0xb8;
	[tilespmem:$0x1CB00] =	vst v63  }
0x119: {  	_ =	swait.ge [sflag:s15], $0x2800  }
0x11a: {  	[sflag:s15] =	ssyncset.done $0x0  }
0x11b: {  	[sflag:s15] =	ssyncadd.s32 $0xFFFFD800  }
0x11c: {  	_ =	swait.ge [sflag:s0], $0x50  }
0x11d: {  	[sflag:s0] =	ssyncset.done $0x0  }
0x11e: {  	[sflag:s0] =	ssyncadd.s32 $0xFFFFFFB0  }
0x11f: {  	_ =	swait.ge [sflag:s0], $0x50  }
0x120: {  	[sflag:s0] =	ssyncset.done $0x0  }
0x121: {  	[sflag:s0] =	ssyncadd.s32 $0xFFFFFFB0  }
0x122: {  	[bflag:$0x0] =	sbarrier.arrive $0xFFFF  }
0x123: {  	s13 =	rddreg [dreg:$0x6]  }
0x124: {  	[tilespmem:s14], [sflag:$0x7] =	stream.linear.gather [spmem:s13], $0x1000, $0x38;
	[tilespmem:$0x1CB00] =	vst v63  }
0x125: {  	_ =	swait.ge [sflag:s15], $0x1000  }
0x126: {  	[sflag:s15] =	ssyncset.done $0x0  }
0x127: {  	s8 =	sadd.s32 $0x0, s25;
	[sflag:s15] =	ssyncadd.s32 $0xFFFFF000  }
0x128: {  	[hbm4b:s8+s4] =	stream.linear.scatter [tilespmem:s14], [sflag:$0x7], $0x1000, $0x38;
	[tilespmem:$0x1CB00] =	vst v63  }
0x129: {  	_ =	swait.ge [sflag:s15], $0x1000  }
0x12a: {  	s11 =	simm.s32 $0x200;
	s12 =	smov.u32 s13;
	[sflag:s15] =	ssyncset.done $0x0  }
.LBB2_4:
0x12b: {  	p0 =	sne.s32 s11, $0x2600;
	[sflag:s15] =	ssyncadd.s32 $0xFFFFF000;
	s12 =	sadd.s32 $0x1000, s12  }
0x12c: {  	[tilespmem:s14], [sflag:$0x7] =	stream.linear.gather [spmem:s12], $0x1000, $0x38;
	[tilespmem:$0x1CB00] =	vst v63  }
0x12d: {  	s8 =	smov.u32 s11;
	s11 =	sadd.s32 $0x200, s11;
	_ =	swait.ge [sflag:s15], $0x1000  }
.Ltmp1:
0x12e: {  	[sflag:s15] =	ssyncset.done $0x0;
	(pc) =	sbr.rel @p0 .LBB2_4-.Ltmp1, $4  }
0x12f: {  	s8 =	sadd.s32 s8, s25;
	[sflag:s15] =	ssyncadd.s32 $0xFFFFF000  }
0x130: {  	[hbm4b:s8+s4] =	stream.linear.scatter [tilespmem:s14], [sflag:$0x7], $0x1000, $0x38;
	[tilespmem:$0x1CB00] =	vst v63  }
0x131: {  	_ =	swait.ge [sflag:s15], $0x1000  }
0x132: {  	[sflag:s15] =	ssyncset.done $0x0  }
0x133: {  	s10 =	sadd.s32 $0x1, s10;
	s8 =	rddreg [dreg:$0xd]  }
0x134: {  	p0 =	sne.s32 s10, s8  }
.Ltmp2:
0x135: {  	_ = 	snop;
	(pc) =	sbr.rel @p0 .LBB2_1-.Ltmp2, $2  }
0x136: {  	_ =	sdelay $0x2  }
0x137: {  	[sflag:s15] =	ssyncadd.s32 $0xFFFFF000  }
0x138: {  	_ =	sfence.sel $0x180000  }
0x139: {  	[bflag:$0x0] =	sbarrier.arrive $0xFFFF  }
0x13a: {  	_ =	strace $0x9000004A  }
0x13b: {  	s0 =	stileid.u32;
	[bflag:$0x2] =	sbarrier.arrive $0xFFFF  }
0x13c: {  	p0 =	sne.s32 s0, $0x0;
	s0 =	rddreg [dreg:$0x3]  }
0x13d: {  	s0 =	sadd.s32 @!p0 $0x100000, s0  }
0x13e: {  	[sflag:s0] =	ssyncadd.tile.s32 @!p0 $0x1;
	_ =	shalt  }
.Lfunc_end2:
_tile_overlayer_lowered:
.L_overlay_start_2:
0x13f: {  	(tag) =	ssettag $0x2  }
0x140: {  	s0 =	rddreg [dreg:$0x0];
	s2 =	stileid.u32  }
0x141: {  	s1 =	rddreg [dreg:$0x1];
	p0 =	sne.s32 s2, $0x0  }
0x142: {  	s3 =	rddreg [dreg:$0x2];
	[bflag:$0x3] =	sbarrier.arrive $0xFFFF;
	s2 =	simm.s32 @!p0 $0x1C07  }
0x143: {  	[timem:s3], [sflag:s2] =	dma.local @!p0 [hbm:s0], s1  }
0x144: {  	s0 =	simm.s32 @!p0 $0x7  }
0x145: {  	_ =	swait.ge @!p0 [sflag:s0], s1  }
0x146: {  	s1 =	ssub.s32 @!p0 $0x0, s1;
	[sflag:s0] =	ssyncset.done @!p0 $0x0  }
0x147: {  	[sflag:s0] =	ssyncadd.s32 @!p0 s1  }
0x148: {  	[bflag:$0x3] =	sbarrier.arrive $0xFFFF  }
0x149: {  	_ =	shalt  }

// kernel: kernel.13.cloned.1.call-start
scs
__scs_entry_jumppad:
0x0: {  	(pc) =	sbr.rel $0x88, $3  }
0x1: {  	(tag) =	ssettag $0x0;
	lr =	simm.s32 $0x1  }
0x2: {  	[smem:$0x3F97] =	sst lr;
	_ =	strace $0xD0000000  }
0x3: {  	_ = 	snop  }
0x4: {  	_ = 	snop  }
0x5: {  	_ = 	snop  }
0x6: {  	_ = 	snop  }
0x7: {  	_ = 	snop  }
__scs_overlays_trampoline_lowered:
0x8: {  	[smem:$0x3FA6] =	sst s0  }
0x9: {  	[smem:$0x3FA7] =	sst s1  }
0xa: {  	[smem:$0x3FA8] =	sst s2  }
0xb: {  	[smem:$0x3FA9] =	sst s3  }
0xc: {  	[smem:$0x3FAA] =	sst s4  }
0xd: {  	[smem:$0x3FAB] =	sst s5  }
0xe: {  	[smem:$0x3FAC] =	sst s6  }
0xf: {  	[smem:$0x3FAD] =	sst s7  }
0x10: {  	[smem:$0x3FAE] =	sst s8  }
0x11: {  	[smem:$0x3FAF] =	sst s9;
	s0 =	simm.s32 @!p0 $0x0  }
0x12: {  	s1 =	sld [smem:$0x3F95];
	s0 =	simm.s32 @p0 $0x1  }
0x13: {  	[smem:$0x3FB0] =	sst s0;
	s0 =	simm.s32 @!p1 $0x0  }
0x14: {  	s2 =	sld [smem:$0x3F94];
	s0 =	simm.s32 @p1 $0x1  }
0x15: {  	[smem:$0x3FB1] =	sst s0;
	s0 =	simm.s32 @!p2 $0x0  }
0x16: {  	s3 =	sld [smem:$0x3FDB];
	s0 =	simm.s32 @p2 $0x1  }
0x17: {  	s4 =	simm.s32 $0x1BF5;
	[smem:$0x3FB3] =	sst s0  }
0x18: {  	s0 =	sld [smem:$0x3F96];
	_ =	swait.ge [sflag:s4], $0x0  }
0x19: {  	s7 =	sld [smem:$0x3F97]  }
0x1a: {  	s8 =	sadd.s32 $0xFFFFE003, lr  }
0x1b: {  	s9 =	sadd.s32 $0xFFFFFEF7, lr;
	s5 =	simm.s32 $0xFFFFFFFF;
	p2 =	slt.u32 s8, $0xFFFFF086  }
0x1c: {  	p1 =	slt.u32 s9, $0xF7A;
	s5 =	simm.s32 @!p2 $0x0  }
0x1d: {  	s5 =	simm.s32 @p1 $0x1;
	p0 =	seq.s32 s7, s2  }
0x1e: {  	s7 =	smul.u32 @!p0 $0xF7A, s2;
	p2 =	seq.s32 @!p0 s5, $0x0  }
0x1f: {  	s9 =	smul.u32 $0xF7A, s1;
	s8 =	simm.s32 @!p0 $0x1BF5;
	p2 =	por !p2, p0  }
0x20: {  	[sflag:s8] =	ssyncset.s32 @!p0 $0xFFFFF086;
	s6 =	sadd.s32 @!p0 s3, s7;
	s7 =	simm.s32 @!p0 $0x108  }
0x21: {  	s3 =	sadd.s32 s3, s9;
	s6 =	sadd.s32 @!p0 $0x88, s6;
	s7 =	simm.s32 @p2 $0x1082  }
0x22: {  	[simem:s7], [sflag:s8] =	dma.local @!p0 [hbm:s6], $0xF7A  }
0x23: {  	s9 =	sor.u32 $0xD0000000, s2;
	s6 =	simm.s32 $0x108;
	_ =	swait.ge @!p0 [sflag:s8], $0x0  }
0x24: {  	s3 =	sadd.s32 $0x88, s3;
	s6 =	simm.s32 @!p1 $0x1082;
	[sflag:s4] =	ssyncset.s32 $0xFFFFF086  }
0x25: {  	[simem:s6], [sflag:s4] =	dma.local [hbm:s3], $0xF7A  }
0x26: {  	[smem:$0x3F97] =	sst s1;
	(tag) =	ssettag s2;
	_ =	strace s9  }
0x27: {  	s1 =	sld [smem:$0x3FA7]  }
0x28: {  	s2 =	sld [smem:$0x3FA8]  }
0x29: {  	s4 =	sld [smem:$0x3FAA]  }
0x2a: {  	p0 =	seq.s32 s5, $0x0;
	s5 =	sld [smem:$0x3FAB]  }
0x2b: {  	s6 =	sld [smem:$0x3FAC]  }
0x2c: {  	s7 =	sld [smem:$0x3FAD]  }
0x2d: {  	s3 =	simm.s32 $0x108;
	s8 =	sld [smem:$0x3FAE]  }
0x2e: {  	s3 =	simm.s32 @!p0 $0x1082;
	s9 =	sld [smem:$0x3FAF]  }
0x2f: {  	lr =	sadd.s32 s0, s3;
	s0 =	sld [smem:$0x3FA6]  }
0x30: {  	s3 =	sld [smem:$0x3FA9]  }
0x31: {  	[smem:$0x3FB2] =	sst s10  }
0x32: {  	s10 =	sld [smem:$0x3FB0];
	_ =	sdelay $0x3  }
0x33: {  	p0 =	seq.s32 s10, $0x1;
	s10 =	sld [smem:$0x3FB2];
	_ =	sdelay $0x3  }
0x34: {  	[smem:$0x3FB2] =	sst s10  }
0x35: {  	s10 =	sld [smem:$0x3FB1];
	_ =	sdelay $0x3  }
0x36: {  	p1 =	seq.s32 s10, $0x1;
	s10 =	sld [smem:$0x3FB2];
	_ =	sdelay $0x3  }
0x37: {  	[smem:$0x3FB2] =	sst s10  }
0x38: {  	s10 =	sld [smem:$0x3FB3]  }
0x39: {  	_ = 	snop;
	(pc) =	sbr.ind lr, $3  }
0x3a: {  	_ = 	snop  }
0x3b: {  	_ = 	snop  }
0x3c: {  	p2 =	seq.s32 s10, $0x1;
	s10 =	sld [smem:$0x3FB2]  }
0x3d: {  	_ =	shalt  }
0x3e: {  	_ =	shalt  }
0x3f: {  	_ =	shalt  }
0x40: {  	_ =	shalt  }
0x41: {  	_ =	shalt  }
0x42: {  	_ =	shalt  }
0x43: {  	_ =	shalt  }
0x44: {  	_ =	shalt  }
0x45: {  	_ =	shalt  }
0x46: {  	_ =	shalt  }
0x47: {  	_ =	shalt  }
0x48: {  	_ =	shalt  }
0x49: {  	_ =	shalt  }
0x4a: {  	_ =	shalt  }
0x4b: {  	_ =	shalt  }
0x4c: {  	_ =	shalt  }
0x4d: {  	_ =	shalt  }
0x4e: {  	_ =	shalt  }
0x4f: {  	_ =	shalt  }
0x50: {  	_ =	shalt  }
0x51: {  	_ =	shalt  }
0x52: {  	_ =	shalt  }
0x53: {  	_ =	shalt  }
0x54: {  	_ =	shalt  }
0x55: {  	_ =	shalt  }
0x56: {  	_ =	shalt  }
0x57: {  	_ =	shalt  }
0x58: {  	_ =	shalt  }
0x59: {  	_ =	shalt  }
0x5a: {  	_ =	shalt  }
0x5b: {  	_ =	shalt  }
0x5c: {  	_ =	shalt  }
0x5d: {  	_ =	shalt  }
0x5e: {  	_ =	shalt  }
0x5f: {  	_ =	shalt  }
0x60: {  	_ =	shalt  }
0x61: {  	_ =	shalt  }
0x62: {  	_ =	shalt  }
0x63: {  	_ =	shalt  }
0x64: {  	_ =	shalt  }
0x65: {  	_ =	shalt  }
0x66: {  	_ =	shalt  }
0x67: {  	_ =	shalt  }
0x68: {  	_ =	shalt  }
0x69: {  	_ =	shalt  }
0x6a: {  	_ =	shalt  }
0x6b: {  	_ =	shalt  }
0x6c: {  	_ =	shalt  }
0x6d: {  	_ =	shalt  }
0x6e: {  	_ =	shalt  }
0x6f: {  	_ =	shalt  }
0x70: {  	_ =	shalt  }
0x71: {  	_ =	shalt  }
0x72: {  	_ =	shalt  }
0x73: {  	_ =	shalt  }
0x74: {  	_ =	shalt  }
0x75: {  	_ =	shalt  }
0x76: {  	_ =	shalt  }
0x77: {  	_ =	shalt  }
0x78: {  	_ =	shalt  }
0x79: {  	_ =	shalt  }
0x7a: {  	_ =	shalt  }
0x7b: {  	_ =	shalt  }
0x7c: {  	_ =	shalt  }
0x7d: {  	_ =	shalt  }
0x7e: {  	_ =	shalt  }
0x7f: {  	_ =	shalt  }
0x80: {  	_ =	shalt  }
0x81: {  	_ =	shalt  }
0x82: {  	_ =	shalt  }
0x83: {  	_ =	shalt  }
0x84: {  	_ =	shalt  }
0x85: {  	_ =	shalt  }
0x86: {  	_ =	shalt  }
0x87: {  	_ =	shalt  }
.Lfunc_end0:
.L_simem_size_0:
called_computation.2_lowered:
.L_overlay_start_0:
0x88: {  	s2 =	sld [smem:$0x3FD9]  }
0x89: {  	s3 =	sld [smem:$0x3FFE];
	_ =	sdelay $0x1  }
0x8a: {  	s1 =	srdreg.scid  }
0x8b: {  	s0 =	sand.u32 $0x1, s1  }
0x8c: {  	s14 =	sshll.u32 s0, $0xA;
	s2 =	sadd.s32 s3, s2  }
0x8d: {  	s2 =	sadd.s32 s2, s14  }
0x8e: {  	[smem:$0x3FBE] =	sst s2  }
0x8f: {  	_ = 	snop  }
0x90: {  	s2 =	sld [smem:$0x3FD0];
	_ =	sdelay $0x2  }
0x91: {  	s15 =	simm.s32 $0xB;
	s4 =	simm.s32 $0x10  }
0x92: {  	[smem:s4], [sflag:s15] =	dma.local [hbm:s2], $0x1  }
0x93: {  	_ =	swait.eq [sflag:s15], $0x1  }
0x94: {  	[sflag:s15] =	ssyncset.done $0x0  }
0x95: {  	[sflag:s15] =	ssyncadd.s32 $0xFFFFFFFF  }
0x96: {  	s16 =	sld [smem:$0x11];
	(tm) =	ssettm $0x1  }
0x97: {  	s17 =	sld [smem:$0x3FFB];
	_ =	sdelay $0x3  }
0x98: {  	_ =	strace s17  }
0x99: {  	s3 =	sld [smem:$0x3FFC];
	_ =	sdelay $0x3  }
0x9a: {  	_ =	strace s3  }
0x9b: {  	s3 =	sld [smem:$0x3FFD];
	_ =	sdelay $0x3  }
0x9c: {  	_ =	strace s3  }
0x9d: {  	_ =	strace $0x8FFFFFFF  }
0x9e: {  	s18 =	sld [smem:$0x3FDB];
	_ =	sdelay $0x1  }
0x9f: {  	s19 =	simm.s32 $_scs_section_size  }
0xa0: {  	s5 =	simm.s32 $_size__tile_overlayer_lowered;
	s6 =	simm.s32 $_tile_overlayer_lowered  }
0xa1: {  	s22 =	simm.s32 $0x1BFF;
	s21 =	sshll.u32 s6, $0x1;
	s3 =	sadd.s32 s19, s18  }
0xa2: {  	s7 =	simm.s32 $0x0;
	s20 =	sshll.u32 s5, $0x1;
	s5 =	sadd.s32 s21, s3  }
0xa3: {  	[timem:s7], [sflag:s22] =	dma.local [hbm:s5], s20  }
0xa4: {  	_ =	swait.ge [sflag:s22], s20  }
0xa5: {  	s4 =	ssub.s32 $0x0, s20;
	[sflag:s22] =	ssyncset.done $0x0  }
0xa6: {  	[sflag:s22] =	ssyncadd.s32 s4;
	_ =	sdelay $0x1  }
0xa7: {  	s23 =	simm.s32 $0x1B8B  }
0xa8: {  	_ =	swait.ge [sflag:s23], $0x1  }
0xa9: {  	[sflag:s23] =	ssyncset.done $0x0  }
0xaa: {  	s25 =	simm.s32 $0x1B8E;
	s24 =	sld [smem:$0x3FFE];
	[sflag:s23] =	ssyncadd.s32 $0xFFFFFFFF  }
0xab: {  	s26 =	simm.s32 $execute0_lowered;
	[smem:$0x3FD2] =	sst s25  }
0xac: {  	s5 =	sshll.u32 s26, $0x1;
	_ =	strace $0x8000004C;
	[dreg:$0x1] =	wrdreg $0xFFFFFFFF  }
0xad: {  	s28 =	simm.s32 $_size_execute0_lowered;
	s3 =	sadd.s32 s3, s5;
	[dreg:$0x0] =	wrdreg $0x0  }
0xae: {  	s5 =	sshll.u32 s28, $0x1;
	[dreg:$0x2] =	wrdreg s3  }
0xaf: {  	[dreg:$0x3] =	wrdreg s5  }
0xb0: {  	[dreg:$0x4] =	wrdreg $0xC0  }
0xb1: {  	_ =	task [dreg:s7], $0x5FFFF  }
0xb2: {  	[dreg:$0x1] =	wrdreg $0xFFFFFFFF  }
0xb3: {  	[dreg:$0x0] =	wrdreg $0x60  }
0xb4: {  	[dreg:$0x2] =	wrdreg s16  }
0xb5: {  	[dreg:$0x3] =	wrdreg s24  }
0xb6: {  	[dreg:$0x4] =	wrdreg $0x8B000  }
0xb7: {  	[dreg:$0x5] =	wrdreg $0x9  }
0xb8: {  	_ =	task.clear_ibuf [dreg:s7], $0x6FFFF;
	_ =	strace $0x9000004C  }
0xb9: {  	s29 =	simm.s32 $0x9;
	_ =	strace $0x8000004E  }
0xba: {  	_ =	swait.ge [sflag:s29], $0x1  }
0xbb: {  	[sflag:s29] =	ssyncadd.s32 $0xFFFFFFFF  }
0xbc: {  	_ =	strace $0x9000004E  }
0xbd: {  	_ =	sfence  }
0xbe: {  	s30 =	sld [smem:$0x0];
	_ =	sdelay $0x2  }
0xbf: {  	s31 =	sshll.u32 s1, $0xD;
	s1 =	sshrl.u32 s1, $0x2  }
0xc0: {  	s3 =	sand.u32 $0x4000, s31;
	s1 =	sadd.s32 s1, s30  }
0xc1: {  	s0 =	sor.u32 s3, s0;
	s1 =	sshll.u32 s1, $0x11  }
0xc2: {  	s0 =	sor.u32 s1, s0  }
0xc3: {  	s0 =	sadd.s32 $0x8F2B, s0  }
0xc4: {  	[sflag:s0] =	ssyncadd.remote.s32 $0x1  }
0xc5: {  	_ =	sfence.sel $0xFFFF  }
0xc6: {  	[dreg:$0x0] =	wrdreg $0xFFFFFFFF;
	(pc) =	sbr.abs _section_cstart, $3  }
0xc7: {  	[dreg:$0x1] =	wrdreg $0xFFFFFFFF  }
0xc8: {  	_ =	task.clear_ibuf [dreg:s7], $0x2FFFF;
	_ =	strace $0x9FFFFFFF  }
0xc9: {  	(tm) =	ssettm $0x7FFFFFFF  }
tec
execute0_lowered:
.L_overlay_start_1:
0x0: {  	(tag) =	ssettag $0x1  }
0x1: {  	s1 =	rddreg [dreg:$0x0]  }
0x2: {  	s0 =	rddreg [dreg:$0x1]  }
0x3: {  	s2 =	rddreg [dreg:$0x2]  }
0x4: {  	s4 =	simm.s32 $0x0;
	s3 =	srdreg.scid;
	s12 =	stileid.u32  }
0x5: {  	[smem:$0x7FF] =	sst s4;
	s3 =	sand.u32 $0x1, s3;
	s8 =	smul.u32 $0x14000, s12  }
0x6: {  	s5 =	sadd.s32 $0x2400, s0;
	s6 =	sadd.s32 $0xC200, s0;
	s23 =	smul.u32 $0x50000, s12  }
0x7: {  	s9 =	sadd.s32 $0x16000, s0;
	s21 =	sshll.u32 s12, $0x1;
	s19 =	smul.u32 $0x4E20, s12  }
0x8: {  	s7 =	smul.u32 $0x140000, s3;
	_ =	strace $0x8000004D;
	s22 =	sor.u32 s3, s21  }
0x9: {  	[dreg:$0x5] =	wrdreg s9;
	s11 =	smul.u32 $0x2710, s22;
	s25 =	sshrl.u32 s23, $0x2  }
0xa: {  	s10 =	ssub.s32 $0x2, s3;
	s3 =	smul.u32 $0x2710, s3;
	s13 =	sadd.s32 s25, s2  }
0xb: {  	s26 =	sshrl.u32 s11, $0x3;
	s11 =	sadd.s32 $0x190, s11;
	[dreg:$0x6] =	wrdreg s13  }
0xc: {  	s24 =	sshrl.u32 s10, $0x1;
	s22 =	sadd.s32 $0x1000, s13;
	[dreg:$0x4] =	wrdreg s11  }
0xd: {  	s3 =	sadd.s32 s3, s19;
	s23 =	sadd.s32 $0x2000, s13;
	[dreg:$0xe] =	wrdreg s22  }
0xe: {  	s25 =	sadd.s32 $0x140, s3;
	s3 =	sadd.s32 $0xF0, s3;
	[dreg:$0xf] =	wrdreg s23  }
0xf: {  	s7 =	sadd.s32 s8, s7;
	s12 =	sadd.s32 $0x7000, s13;
	[dreg:$0x16] =	wrdreg s3  }
0x10: {  	s7 =	sshrl.u32 s7, $0x3;
	s19 =	sadd.s32 $0xD000, s13;
	[dreg:$0x17] =	wrdreg s12  }
0x11: {  	s0 =	sadd.s32 s7, s0;
	s14 =	sadd.s32 s5, s26;
	[dreg:$0x1d] =	wrdreg s19  }
0x12: {  	s7 =	ssub.s32 s10, s24;
	s15 =	sadd.s32 s6, s26;
	[dreg:$0x7] =	wrdreg s14  }
0x13: {  	s16 =	sadd.s32 $0xA, s26;
	s24 =	sadd.s32 $0x3000, s13;
	[dreg:$0x8] =	wrdreg s15  }
0x14: {  	s9 =	sadd.s32 $0x14, s26;
	s26 =	sadd.s32 $0x4000, s13;
	[dreg:$0x10] =	wrdreg s24  }
0x15: {  	s10 =	sadd.s32 $0x6000, s13;
	[dreg:$0x11] =	wrdreg s26  }
0x16: {  	s22 =	sadd.s32 $0x10000, s13;
	[dreg:$0x13] =	wrdreg s10  }
0x17: {  	s28 =	simm.s32 $0x300;
	s23 =	sadd.s32 $0x11000, s13;
	[smem:$0x7FA] =	sst s22  }
0x18: {  	s29 =	simm.s32 $0x5;
	s17 =	sadd.s32 s5, s16;
	[smem:$0x7FB] =	sst s23  }
0x19: {  	s30 =	simm.s32 $0x2B00;
	s18 =	sadd.s32 s6, s16;
	[dreg:$0x9] =	wrdreg s17  }
0x1a: {  	s31 =	simm.s32 $0x1;
	s20 =	sadd.s32 s5, s9;
	[dreg:$0xa] =	wrdreg s18  }
0x1b: {  	s19 =	simm.s32 $0x100;
	s21 =	sadd.s32 s6, s9;
	[dreg:$0xb] =	wrdreg s20  }
0x1c: {  	s3 =	simm.s32 $0x5300;
	s7 =	smax.u32 s7, $0x1;
	[dreg:$0xc] =	wrdreg s21  }
0x1d: {  	s9 =	sadd.s32 $0x5000, s13;
	s14 =	sadd.s32 $0x8000, s13;
	[dreg:$0xd] =	wrdreg s7  }
0x1e: {  	s15 =	sadd.s32 $0x9000, s13;
	s16 =	sadd.s32 $0xA000, s13;
	[dreg:$0x12] =	wrdreg s9  }
0x1f: {  	s24 =	sadd.s32 $0x12000, s13;
	s26 =	sadd.s32 $0x13000, s13;
	[dreg:$0x18] =	wrdreg s14  }
0x20: {  	s10 =	simm.s32 $0x0;
	s7 =	sshrl.u32 s25, $0x3;
	[dreg:$0x19] =	wrdreg s15  }
0x21: {  	s25 =	sadd.s32 $0x66200, s0;
	[dreg:$0x1a] =	wrdreg s16;
	s17 =	sadd.s32 $0xB000, s13  }
0x22: {  	s18 =	sadd.s32 $0xC000, s13;
	s20 =	sadd.s32 $0xE000, s13;
	[smem:$0x7FC] =	sst s24  }
0x23: {  	s21 =	sadd.s32 $0xF000, s13;
	[smem:$0x7FD] =	sst s26;
	s14 =	simm.s32 $0x7B00  }
0x24: {  	s15 =	simm.s32 $0x7;
	s16 =	simm.s32 $0x180;
	[dreg:$0x1b] =	wrdreg s17  }
0x25: {  	s26 =	simm.s32 $0x50;
	s0 =	simm.s32 $0x6;
	[dreg:$0x1c] =	wrdreg s18  }
0x26: {  	s9 =	simm.s32 $0x3;
	s11 =	sadd.s32 s7, s6;
	[dreg:$0x1e] =	wrdreg s20  }
0x27: {  	s7 =	sadd.s32 s7, s5;
	[dreg:$0x1f] =	wrdreg s21;
	s17 =	simm.s32 $0x80  }
0x28: {  	s18 =	simm.s32 $0x200;
	s20 =	simm.s32 $0x280;
	[dreg:$0x14] =	wrdreg s11  }
0x29: {  	s21 =	simm.s32 $0x4;
	[dreg:$0x15] =	wrdreg s7;
	s7 =	simm.s32 $0x2  }
.LBB2_1:
0x2a: {  	s8 =	rddreg [dreg:$0x5]  }
0x2b: {  	[tilespmem:s14], [sflag:$0x7] =	stream.linear.gather [hbm4b:s8+s4], $0x1000, $0x38;
	[tilespmem:$0x1CB00] =	vst v63  }
0x2c: {  	_ =	swait.ge [sflag:s15], $0x1000  }
0x2d: {  	[sflag:s15] =	ssyncset.done $0x0  }
0x2e: {  	[sflag:s15] =	ssyncadd.s32 $0xFFFFF000  }
0x2f: {  	[spmem:s13] =	stream.linear.scatter [tilespmem:s14], [sflag:$0x7], $0x1000, $0x38;
	[tilespmem:$0x1CB00] =	vst v63  }
0x30: {  	_ =	swait.ge [sflag:s15], $0x1000  }
0x31: {  	[sflag:s15] =	ssyncset.done $0x0  }
0x32: {  	s11 =	rddreg [dreg:$0xe];
	[sflag:s15] =	ssyncadd.s32 $0xFFFFF000  }
0x33: {  	[spmem:s11] =	stream.linear.scatter [tilespmem:s14], [sflag:$0x7], $0x1000, $0x38;
	[tilespmem:$0x1CB00] =	vst v63  }
0x34: {  	_ =	swait.ge [sflag:s15], $0x1000  }
0x35: {  	[sflag:s15] =	ssyncset.done $0x0  }
0x36: {  	s12 =	rddreg [dreg:$0xf];
	[sflag:s15] =	ssyncadd.s32 $0xFFFFF000  }
0x37: {  	[spmem:s12] =	stream.linear.scatter [tilespmem:s14], [sflag:$0x7], $0x1000, $0x38;
	[tilespmem:$0x1CB00] =	vst v63  }
0x38: {  	_ =	swait.ge [sflag:s15], $0x1000  }
0x39: {  	[sflag:s15] =	ssyncset.done $0x0  }
0x3a: {  	s13 =	rddreg [dreg:$0x10];
	[sflag:s15] =	ssyncadd.s32 $0xFFFFF000  }
0x3b: {  	[spmem:s13] =	stream.linear.scatter [tilespmem:s14], [sflag:$0x7], $0x1000, $0x38;
	[tilespmem:$0x1CB00] =	vst v63  }
0x3c: {  	_ =	swait.ge [sflag:s15], $0x1000  }
0x3d: {  	[sflag:s15] =	ssyncset.done $0x0  }
0x3e: {  	s22 =	rddreg [dreg:$0x11];
	[sflag:s15] =	ssyncadd.s32 $0xFFFFF000  }
0x3f: {  	[spmem:s22] =	stream.linear.scatter [tilespmem:s14], [sflag:$0x7], $0x1000, $0x38;
	[tilespmem:$0x1CB00] =	vst v63  }
0x40: {  	_ =	swait.ge [sflag:s15], $0x1000  }
0x41: {  	[sflag:s15] =	ssyncset.done $0x0  }
0x42: {  	s23 =	rddreg [dreg:$0x12];
	[sflag:s15] =	ssyncadd.s32 $0xFFFFF000  }
0x43: {  	[spmem:s23] =	stream.linear.scatter [tilespmem:s14], [sflag:$0x7], $0x1000, $0x38;
	[tilespmem:$0x1CB00] =	vst v63  }
0x44: {  	_ =	swait.ge [sflag:s15], $0x1000  }
0x45: {  	[sflag:s15] =	ssyncset.done $0x0  }
0x46: {  	s24 =	rddreg [dreg:$0x13];
	[sflag:s15] =	ssyncadd.s32 $0xFFFFF000  }
0x47: {  	[spmem:s24] =	stream.linear.scatter [tilespmem:s14], [sflag:$0x7], $0x1000, $0x38;
	[tilespmem:$0x1CB00] =	vst v63  }
0x48: {  	_ =	swait.ge [sflag:s15], $0x1000  }
0x49: {  	[sflag:s15] =	ssyncset.done $0x0  }
0x4a: {  	s11 =	rddreg [dreg:$0x17];
	[sflag:s15] =	ssyncadd.s32 $0xFFFFF000  }
0x4b: {  	[spmem:s11] =	stream.linear.scatter [tilespmem:s14], [sflag:$0x7], $0x1000, $0x38;
	[tilespmem:$0x1CB00] =	vst v63  }
0x4c: {  	_ =	swait.ge [sflag:s15], $0x1000  }
0x4d: {  	[sflag:s15] =	ssyncset.done $0x0  }
0x4e: {  	s12 =	rddreg [dreg:$0x18];
	[sflag:s15] =	ssyncadd.s32 $0xFFFFF000  }
0x4f: {  	[spmem:s12] =	stream.linear.scatter [tilespmem:s14], [sflag:$0x7], $0x1000, $0x38;
	[tilespmem:$0x1CB00] =	vst v63  }
0x50: {  	_ =	swait.ge [sflag:s15], $0x1000  }
0x51: {  	[sflag:s15] =	ssyncset.done $0x0  }
0x52: {  	s13 =	rddreg [dreg:$0x19];
	[sflag:s15] =	ssyncadd.s32 $0xFFFFF000  }
0x53: {  	[spmem:s13] =	stream.linear.scatter [tilespmem:s14], [sflag:$0x7], $0x1000, $0x38;
	[tilespmem:$0x1CB00] =	vst v63  }
0x54: {  	_ =	swait.ge [sflag:s15], $0x1000  }
0x55: {  	[sflag:s15] =	ssyncset.done $0x0  }
0x56: {  	s22 =	rddreg [dreg:$0x1a];
	[sflag:s15] =	ssyncadd.s32 $0xFFFFF000  }
0x57: {  	[spmem:s22] =	stream.linear.scatter [tilespmem:s14], [sflag:$0x7], $0x1000, $0x38;
	[tilespmem:$0x1CB00] =	vst v63  }
0x58: {  	_ =	swait.ge [sflag:s15], $0x1000  }
0x59: {  	[sflag:s15] =	ssyncset.done $0x0  }
0x5a: {  	s23 =	rddreg [dreg:$0x1b];
	[sflag:s15] =	ssyncadd.s32 $0xFFFFF000  }
0x5b: {  	[spmem:s23] =	stream.linear.scatter [tilespmem:s14], [sflag:$0x7], $0x1000, $0x38;
	[tilespmem:$0x1CB00] =	vst v63  }
0x5c: {  	_ =	swait.ge [sflag:s15], $0x1000  }
0x5d: {  	[sflag:s15] =	ssyncset.done $0x0  }
0x5e: {  	s24 =	rddreg [dreg:$0x1c];
	[sflag:s15] =	ssyncadd.s32 $0xFFFFF000  }
0x5f: {  	[spmem:s24] =	stream.linear.scatter [tilespmem:s14], [sflag:$0x7], $0x1000, $0x38;
	[tilespmem:$0x1CB00] =	vst v63  }
0x60: {  	_ =	swait.ge [sflag:s15], $0x1000  }
0x61: {  	[sflag:s15] =	ssyncset.done $0x0  }
0x62: {  	s11 =	rddreg [dreg:$0x1d];
	[sflag:s15] =	ssyncadd.s32 $0xFFFFF000  }
0x63: {  	[spmem:s11] =	stream.linear.scatter [tilespmem:s14], [sflag:$0x7], $0x1000, $0x38;
	[tilespmem:$0x1CB00] =	vst v63  }
0x64: {  	_ =	swait.ge [sflag:s15], $0x1000  }
0x65: {  	[sflag:s15] =	ssyncset.done $0x0  }
0x66: {  	s12 =	rddreg [dreg:$0x1e];
	[sflag:s15] =	ssyncadd.s32 $0xFFFFF000  }
0x67: {  	[spmem:s12] =	stream.linear.scatter [tilespmem:s14], [sflag:$0x7], $0x1000, $0x38;
	[tilespmem:$0x1CB00] =	vst v63  }
0x68: {  	_ =	swait.ge [sflag:s15], $0x1000  }
0x69: {  	[sflag:s15] =	ssyncset.done $0x0  }
0x6a: {  	s13 =	rddreg [dreg:$0x1f];
	[sflag:s15] =	ssyncadd.s32 $0xFFFFF000  }
0x6b: {  	[spmem:s13] =	stream.linear.scatter [tilespmem:s14], [sflag:$0x7], $0x1000, $0x38;
	[tilespmem:$0x1CB00] =	vst v63  }
0x6c: {  	_ =	swait.ge [sflag:s15], $0x1000  }
0x6d: {  	s22 =	sld [smem:$0x7FA]  }
0x6e: {  	[sflag:s15] =	ssyncset.done $0x0  }
0x6f: {  	[sflag:s15] =	ssyncadd.s32 $0xFFFFF000  }
0x70: {  	[spmem:s22] =	stream.linear.scatter [tilespmem:s14], [sflag:$0x7], $0x1000, $0x38;
	[tilespmem:$0x1CB00] =	vst v63  }
0x71: {  	_ =	swait.ge [sflag:s15], $0x1000  }
0x72: {  	s23 =	sld [smem:$0x7FB]  }
0x73: {  	[sflag:s15] =	ssyncset.done $0x0  }
0x74: {  	[sflag:s15] =	ssyncadd.s32 $0xFFFFF000  }
0x75: {  	[spmem:s23] =	stream.linear.scatter [tilespmem:s14], [sflag:$0x7], $0x1000, $0x38;
	[tilespmem:$0x1CB00] =	vst v63  }
0x76: {  	_ =	swait.ge [sflag:s15], $0x1000  }
0x77: {  	s24 =	sld [smem:$0x7FC]  }
0x78: {  	[sflag:s15] =	ssyncset.done $0x0  }
0x79: {  	[sflag:s15] =	ssyncadd.s32 $0xFFFFF000  }
0x7a: {  	[spmem:s24] =	stream.linear.scatter [tilespmem:s14], [sflag:$0x7], $0x1000, $0x38;
	[tilespmem:$0x1CB00] =	vst v63  }
0x7b: {  	_ =	swait.ge [sflag:s15], $0x1000  }
0x7c: {  	s11 =	sld [smem:$0x7FD]  }
0x7d: {  	[sflag:s15] =	ssyncset.done $0x0  }
0x7e: {  	[sflag:s15] =	ssyncadd.s32 $0xFFFFF000  }
0x7f: {  	[spmem:s11] =	stream.linear.scatter [tilespmem:s14], [sflag:$0x7], $0x1000, $0x38;
	[tilespmem:$0x1CB00] =	vst v63  }
0x80: {  	_ =	swait.ge [sflag:s15], $0x1000  }
0x81: {  	[sflag:s15] =	ssyncset.done $0x0  }
0x82: {  	[sflag:s15] =	ssyncadd.s32 $0xFFFFF000  }
0x83: {  	[bflag:$0x0] =	sbarrier.arrive $0xFFFF  }
0x84: {  	s12 =	rddreg [dreg:$0x7]  }
0x85: {  	[tilespmem:s4], [sflag:$0x4] =	stream.linear.gather [hbm4b:s12+s4], $0x50, $0x38;
	[tilespmem:$0x1CB00] =	vst v63  }
0x86: {  	s13 =	rddreg [dreg:$0x8]  }
0x87: {  	[tilespmem:s16], [sflag:$0x4] =	stream.linear.gather [hbm4b:s13+s4], $0x50, $0x38;
	[tilespmem:$0x1CB00] =	vst v63  }
0x88: {  	s22 =	rddreg [dreg:$0x9]  }
0x89: {  	[tilespmem:s17], [sflag:$0x5] =	stream.linear.gather [hbm4b:s22+s4], $0x50, $0x38;
	[tilespmem:$0x1CB00] =	vst v63  }
0x8a: {  	s23 =	rddreg [dreg:$0xa]  }
0x8b: {  	[tilespmem:s18], [sflag:$0x5] =	stream.linear.gather [hbm4b:s23+s4], $0x50, $0x38;
	[tilespmem:$0x1CB00] =	vst v63  }
0x8c: {  	s24 =	rddreg [dreg:$0xb]  }
0x8d: {  	[tilespmem:s19], [sflag:$0x6] =	stream.linear.gather [hbm4b:s24+s4], $0x50, $0x38;
	[tilespmem:$0x1CB00] =	vst v63  }
0x8e: {  	s11 =	rddreg [dreg:$0xc]  }
0x8f: {  	[tilespmem:s20], [sflag:$0x6] =	stream.linear.gather [hbm4b:s11+s4], $0x50, $0x38;
	[tilespmem:$0x1CB00] =	vst v63  }
0x90: {  	_ =	swait.ge [sflag:s21], $0x50  }
0x91: {  	[sflag:s21] =	ssyncset.done $0x0  }
0x92: {  	[sflag:s21] =	ssyncadd.s32 $0xFFFFFFB0  }
0x93: {  	_ =	swait.ge [sflag:s21], $0x50  }
0x94: {  	[sflag:s21] =	ssyncset.done $0x0  }
0x95: {  	[sflag:s21] =	ssyncadd.s32 $0xFFFFFFB0  }
0x96: {  	[tilespmem:s28], [sflag:$0x1] =	stream.indirect.gather [hbm4b:s1+s26], $0x80, s4, s26, $0xb8;
	[tilespmem:$0x1CB00] =	vst v63  }
0x97: {  	_ =	swait.ge [sflag:s29], $0x50  }
0x98: {  	[sflag:s29] =	ssyncset.done $0x0  }
0x99: {  	[sflag:s29] =	ssyncadd.s32 $0xFFFFFFB0  }
0x9a: {  	_ =	swait.ge [sflag:s29], $0x50  }
0x9b: {  	[sflag:s29] =	ssyncset.done $0x0  }
0x9c: {  	[sflag:s29] =	ssyncadd.s32 $0xFFFFFFB0  }
0x9d: {  	[tilespmem:s30], [sflag:$0x2] =	stream.indirect.gather [hbm4b:s1+s26], $0x80, s17, s26, $0xb8;
	[tilespmem:$0x1CB00] =	vst v63  }
0x9e: {  	_ =	swait.ge [sflag:s31], $0x2800  }
0x9f: {  	[sflag:s31] =	ssyncset.done $0x0  }
0xa0: {  	[sflag:s31] =	ssyncadd.s32 $0xFFFFD800  }
0xa1: {  	_ =	swait.ge [sflag:s0], $0x50  }
0xa2: {  	[sflag:s0] =	ssyncset.done $0x0  }
0xa3: {  	[sflag:s0] =	ssyncadd.s32 $0xFFFFFFB0  }
0xa4: {  	_ =	swait.ge [sflag:s0], $0x50  }
0xa5: {  	[sflag:s0] =	ssyncset.done $0x0  }
0xa6: {  	[sflag:s0] =	ssyncadd.s32 $0xFFFFFFB0  }
0xa7: {  	[tilespmem:s3], [sflag:$0x3] =	stream.indirect.gather [hbm4b:s1+s26], $0x80, s19, s26, $0xb8;
	[tilespmem:$0x1CB00] =	vst v63  }
0xa8: {  	_ = 	snop  }
0xa9: {  	[spmem:s2] =	stream.indirect.scatter.add.f32 [tilespmem:s28], [sflag:$0x7], $0x80, s16, s26, $0xb8;
	[tilespmem:$0x1CB00] =	vst v63  }
0xaa: {  	_ =	swait.ge [sflag:s15], $0x2800  }
0xab: {  	s23 =	rddreg [dreg:$0x16]  }
0xac: {  	[sflag:s15] =	ssyncset.done $0x0;
	s11 =	sshrl.u32 s23, $0x3  }
0xad: {  	[sflag:s15] =	ssyncadd.s32 $0xFFFFD800;
	s12 =	sadd.s32 s5, s11  }
0xae: {  	[tilespmem:s4], [sflag:$0x4] =	stream.linear.gather [hbm4b:s12+s4], $0x50, $0x38;
	[tilespmem:$0x1CB00] =	vst v63  }
0xaf: {  	s11 =	sadd.s32 s6, s11  }
0xb0: {  	[tilespmem:s16], [sflag:$0x4] =	stream.linear.gather [hbm4b:s11+s4], $0x50, $0x38;
	[tilespmem:$0x1CB00] =	vst v63  }
0xb1: {  	_ =	swait.ge [sflag:s7], $0x2800  }
0xb2: {  	[sflag:s7] =	ssyncset.done $0x0  }
0xb3: {  	[sflag:s7] =	ssyncadd.s32 $0xFFFFD800  }
0xb4: {  	_ =	swait.ge [sflag:s21], $0x50  }
0xb5: {  	[sflag:s21] =	ssyncset.done $0x0  }
0xb6: {  	[sflag:s21] =	ssyncadd.s32 $0xFFFFFFB0  }
0xb7: {  	_ =	swait.ge [sflag:s21], $0x50  }
0xb8: {  	[sflag:s21] =	ssyncset.done $0x0  }
0xb9: {  	[sflag:s21] =	ssyncadd.s32 $0xFFFFFFB0  }
0xba: {  	[tilespmem:s28], [sflag:$0x1] =	stream.indirect.gather [hbm4b:s1+s26], $0x80, s4, s26, $0xb8;
	[tilespmem:$0x1CB00] =	vst v63  }
0xbb: {  	_ = 	snop  }
0xbc: {  	[spmem:s2] =	stream.indirect.scatter.add.f32 [tilespmem:s30], [sflag:$0x7], $0x80, s18, s26, $0xb8;
	[tilespmem:$0x1CB00] =	vst v63  }
0xbd: {  	_ =	swait.ge [sflag:s15], $0x2800  }
0xbe: {  	[sflag:s15] =	ssyncset.done $0x0  }
0xbf: {  	s22 =	rddreg [dreg:$0x15];
	[sflag:s15] =	ssyncadd.s32 $0xFFFFD800  }
0xc0: {  	[tilespmem:s17], [sflag:$0x5] =	stream.linear.gather [hbm4b:s22+s4], $0x50, $0x38;
	[tilespmem:$0x1CB00] =	vst v63  }
0xc1: {  	s8 =	rddreg [dreg:$0x14]  }
0xc2: {  	[tilespmem:s18], [sflag:$0x5] =	stream.linear.gather [hbm4b:s8+s4], $0x50, $0x38;
	[tilespmem:$0x1CB00] =	vst v63  }
0xc3: {  	_ =	swait.ge [sflag:s9], $0x2800  }
0xc4: {  	[sflag:s9] =	ssyncset.done $0x0  }
0xc5: {  	[sflag:s9] =	ssyncadd.s32 $0xFFFFD800  }
0xc6: {  	_ =	swait.ge [sflag:s29], $0x50  }
0xc7: {  	[sflag:s29] =	ssyncset.done $0x0  }
0xc8: {  	[sflag:s29] =	ssyncadd.s32 $0xFFFFFFB0  }
0xc9: {  	_ =	swait.ge [sflag:s29], $0x50  }
0xca: {  	[sflag:s29] =	ssyncset.done $0x0  }
0xcb: {  	[sflag:s29] =	ssyncadd.s32 $0xFFFFFFB0  }
0xcc: {  	[tilespmem:s30], [sflag:$0x2] =	stream.indirect.gather [hbm4b:s1+s26], $0x80, s17, s26, $0xb8;
	[tilespmem:$0x1CB00] =	vst v63  }
0xcd: {  	s12 =	smin.u32 s4, $0x77  }
0xce: {  	[spmem:s2] =	stream.indirect.scatter.add.f32 [tilespmem:s3], [sflag:$0x7], $0x80, s20, s26, $0xb8;
	[tilespmem:$0x1CB00] =	vst v63  }
0xcf: {  	s11 =	smul.u32 $0x50, s12;
	_ =	swait.ge [sflag:s15], $0x2800  }
0xd0: {  	s13 =	rddreg [dreg:$0x4]  }
0xd1: {  	s11 =	sadd.s32 s11, s13  }
0xd2: {  	s12 =	sadd.s32 $0xF0, s23;
	[sflag:s15] =	ssyncset.done $0x0;
	s24 =	sshrl.u32 s11, $0x3  }
0xd3: {  	s22 =	sadd.s32 $0x1E, s22;
	[sflag:s15] =	ssyncadd.s32 $0xFFFFD800;
	s11 =	sadd.s32 s5, s24  }
0xd4: {  	[tilespmem:s19], [sflag:$0x6] =	stream.linear.gather [hbm4b:s11+s4], $0x50, $0x38;
	[tilespmem:$0x1CB00] =	vst v63  }
0xd5: {  	s13 =	sadd.s32 $0x1E, s8;
	s23 =	sadd.s32 s6, s24;
	s11 =	simm.s32 $0x3  }
.LBB2_2:
0xd6: {  	[tilespmem:s20], [sflag:$0x6] =	stream.linear.gather [hbm4b:s23+s4], $0x50, $0x38;
	[tilespmem:$0x1CB00] =	vst v63  }
0xd7: {  	_ =	swait.ge [sflag:s31], $0x2800  }
0xd8: {  	[sflag:s31] =	ssyncset.done $0x0  }
0xd9: {  	[sflag:s31] =	ssyncadd.s32 $0xFFFFD800  }
0xda: {  	_ =	swait.ge [sflag:s0], $0x50  }
0xdb: {  	[sflag:s0] =	ssyncset.done $0x0  }
0xdc: {  	[sflag:s0] =	ssyncadd.s32 $0xFFFFFFB0  }
0xdd: {  	_ =	swait.ge [sflag:s0], $0x50  }
0xde: {  	[sflag:s0] =	ssyncset.done $0x0  }
0xdf: {  	[sflag:s0] =	ssyncadd.s32 $0xFFFFFFB0  }
0xe0: {  	[tilespmem:s3], [sflag:$0x3] =	stream.indirect.gather [hbm4b:s1+s26], $0x80, s19, s26, $0xb8;
	[tilespmem:$0x1CB00] =	vst v63  }
0xe1: {  	_ = 	snop  }
0xe2: {  	[spmem:s2] =	stream.indirect.scatter.add.f32 [tilespmem:s28], [sflag:$0x7], $0x80, s16, s26, $0xb8;
	[tilespmem:$0x1CB00] =	vst v63  }
0xe3: {  	_ =	swait.ge [sflag:s15], $0x2800  }
0xe4: {  	s24 =	sshrl.u32 s12, $0x3;
	[sflag:s15] =	ssyncset.done $0x0  }
0xe5: {  	s8 =	sadd.s32 s5, s24;
	[sflag:s15] =	ssyncadd.s32 $0xFFFFD800  }
0xe6: {  	[tilespmem:s4], [sflag:$0x4] =	stream.linear.gather [hbm4b:s8+s4], $0x50, $0x38;
	[tilespmem:$0x1CB00] =	vst v63  }
0xe7: {  	s24 =	sadd.s32 s6, s24  }
0xe8: {  	[tilespmem:s16], [sflag:$0x4] =	stream.linear.gather [hbm4b:s24+s4], $0x50, $0x38;
	[tilespmem:$0x1CB00] =	vst v63  }
0xe9: {  	_ =	swait.ge [sflag:s7], $0x2800  }
0xea: {  	[sflag:s7] =	ssyncset.done $0x0  }
0xeb: {  	[sflag:s7] =	ssyncadd.s32 $0xFFFFD800  }
0xec: {  	_ =	swait.ge [sflag:s21], $0x50  }
0xed: {  	[sflag:s21] =	ssyncset.done $0x0  }
0xee: {  	[sflag:s21] =	ssyncadd.s32 $0xFFFFFFB0  }
0xef: {  	_ =	swait.ge [sflag:s21], $0x50  }
0xf0: {  	[sflag:s21] =	ssyncset.done $0x0  }
0xf1: {  	[sflag:s21] =	ssyncadd.s32 $0xFFFFFFB0  }
0xf2: {  	[tilespmem:s28], [sflag:$0x1] =	stream.indirect.gather [hbm4b:s1+s26], $0x80, s4, s26, $0xb8;
	[tilespmem:$0x1CB00] =	vst v63  }
0xf3: {  	_ = 	snop  }
0xf4: {  	[spmem:s2] =	stream.indirect.scatter.add.f32 [tilespmem:s30], [sflag:$0x7], $0x80, s18, s26, $0xb8;
	[tilespmem:$0x1CB00] =	vst v63  }
0xf5: {  	_ =	swait.ge [sflag:s15], $0x2800  }
0xf6: {  	[sflag:s15] =	ssyncset.done $0x0  }
0xf7: {  	[sflag:s15] =	ssyncadd.s32 $0xFFFFD800  }
0xf8: {  	[tilespmem:s17], [sflag:$0x5] =	stream.linear.gather [hbm4b:s22+s4], $0x50, $0x38;
	[tilespmem:$0x1CB00] =	vst v63  }
0xf9: {  	_ = 	snop  }
0xfa: {  	[tilespmem:s18], [sflag:$0x5] =	stream.linear.gather [hbm4b:s13+s4], $0x50, $0x38;
	[tilespmem:$0x1CB00] =	vst v63  }
0xfb: {  	_ =	swait.ge [sflag:s9], $0x2800  }
0xfc: {  	[sflag:s9] =	ssyncset.done $0x0  }
0xfd: {  	[sflag:s9] =	ssyncadd.s32 $0xFFFFD800  }
0xfe: {  	_ =	swait.ge [sflag:s29], $0x50  }
0xff: {  	[sflag:s29] =	ssyncset.done $0x0  }
0x100: {  	[sflag:s29] =	ssyncadd.s32 $0xFFFFFFB0  }
0x101: {  	_ =	swait.ge [sflag:s29], $0x50  }
0x102: {  	[sflag:s29] =	ssyncset.done $0x0  }
0x103: {  	s23 =	smov.u32 s11;
	[sflag:s29] =	ssyncadd.s32 $0xFFFFFFB0  }
0x104: {  	[tilespmem:s30], [sflag:$0x2] =	stream.indirect.gather [hbm4b:s1+s26], $0x80, s17, s26, $0xb8;
	[tilespmem:$0x1CB00] =	vst v63  }
0x105: {  	s23 =	smin.u32 s23, $0x77  }
0x106: {  	[spmem:s2] =	stream.indirect.scatter.add.f32 [tilespmem:s3], [sflag:$0x7], $0x80, s20, s26, $0xb8;
	[tilespmem:$0x1CB00] =	vst v63  }
0x107: {  	p0 =	sne.s32 s11, $0x78;
	s8 =	smul.u32 $0x50, s23;
	_ =	swait.ge [sflag:s15], $0x2800  }
.Ltmp0:
0x108: {  	s11 =	sadd.s32 $0x3, s11;
	s24 =	rddreg [dreg:$0x4];
	(pc) =	sbr.rel @p0 .LBB2_2-.Ltmp0, $4  }
0x109: {  	s12 =	sadd.s32 $0xF0, s12;
	s22 =	sadd.s32 $0x1E, s22;
	s8 =	sadd.s32 s8, s24  }
0x10a: {  	s13 =	sadd.s32 $0x1E, s13;
	[sflag:s15] =	ssyncset.done $0x0;
	s8 =	sshrl.u32 s8, $0x3  }
0x10b: {  	[sflag:s15] =	ssyncadd.s32 $0xFFFFD800;
	s24 =	sadd.s32 s5, s8;
	s23 =	sadd.s32 s6, s8  }
0x10c: {  	[tilespmem:s19], [sflag:$0x6] =	stream.linear.gather [hbm4b:s24+s4], $0x50, $0x38;
	[tilespmem:$0x1CB00] =	vst v63  }
0x10d: {  	[tilespmem:s20], [sflag:$0x6] =	stream.linear.gather [hbm4b:s23+s4], $0x50, $0x38;
	[tilespmem:$0x1CB00] =	vst v63  }
0x10e: {  	_ =	swait.ge [sflag:s31], $0x2800  }
0x10f: {  	[sflag:s31] =	ssyncset.done $0x0  }
0x110: {  	[sflag:s31] =	ssyncadd.s32 $0xFFFFD800  }
0x111: {  	[spmem:s2] =	stream.indirect.scatter.add.f32 [tilespmem:s28], [sflag:$0x7], $0x80, s16, s26, $0xb8;
	[tilespmem:$0x1CB00] =	vst v63  }
0x112: {  	_ =	swait.ge [sflag:s15], $0x2800  }
0x113: {  	[sflag:s15] =	ssyncset.done $0x0  }
0x114: {  	[sflag:s15] =	ssyncadd.s32 $0xFFFFD800  }
0x115: {  	_ =	swait.ge [sflag:s7], $0x2800  }
0x116: {  	[sflag:s7] =	ssyncset.done $0x0  }
0x117: {  	[sflag:s7] =	ssyncadd.s32 $0xFFFFD800  }
0x118: {  	[spmem:s2] =	stream.indirect.scatter.add.f32 [tilespmem:s30], [sflag:$0x7], $0x80, s18, s26, $0xb8;
	[tilespmem:$0x1CB00] =	vst v63  }
0x119: {  	_ =	swait.ge [sflag:s15], $0x2800  }
0x11a: {  	[sflag:s15] =	ssyncset.done $0x0  }
0x11b: {  	[sflag:s15] =	ssyncadd.s32 $0xFFFFD800  }
0x11c: {  	_ =	swait.ge [sflag:s0], $0x50  }
0x11d: {  	[sflag:s0] =	ssyncset.done $0x0  }
0x11e: {  	[sflag:s0] =	ssyncadd.s32 $0xFFFFFFB0  }
0x11f: {  	_ =	swait.ge [sflag:s0], $0x50  }
0x120: {  	[sflag:s0] =	ssyncset.done $0x0  }
0x121: {  	[sflag:s0] =	ssyncadd.s32 $0xFFFFFFB0  }
0x122: {  	[bflag:$0x0] =	sbarrier.arrive $0xFFFF  }
0x123: {  	s13 =	rddreg [dreg:$0x6]  }
0x124: {  	[tilespmem:s14], [sflag:$0x7] =	stream.linear.gather [spmem:s13], $0x1000, $0x38;
	[tilespmem:$0x1CB00] =	vst v63  }
0x125: {  	_ =	swait.ge [sflag:s15], $0x1000  }
0x126: {  	[sflag:s15] =	ssyncset.done $0x0  }
0x127: {  	s8 =	sadd.s32 $0x0, s25;
	[sflag:s15] =	ssyncadd.s32 $0xFFFFF000  }
0x128: {  	[hbm4b:s8+s4] =	stream.linear.scatter [tilespmem:s14], [sflag:$0x7], $0x1000, $0x38;
	[tilespmem:$0x1CB00] =	vst v63  }
0x129: {  	_ =	swait.ge [sflag:s15], $0x1000  }
0x12a: {  	s11 =	simm.s32 $0x200;
	s12 =	smov.u32 s13;
	[sflag:s15] =	ssyncset.done $0x0  }
.LBB2_4:
0x12b: {  	p0 =	sne.s32 s11, $0x2600;
	[sflag:s15] =	ssyncadd.s32 $0xFFFFF000;
	s12 =	sadd.s32 $0x1000, s12  }
0x12c: {  	[tilespmem:s14], [sflag:$0x7] =	stream.linear.gather [spmem:s12], $0x1000, $0x38;
	[tilespmem:$0x1CB00] =	vst v63  }
0x12d: {  	s8 =	smov.u32 s11;
	s11 =	sadd.s32 $0x200, s11;
	_ =	swait.ge [sflag:s15], $0x1000  }
.Ltmp1:
0x12e: {  	[sflag:s15] =	ssyncset.done $0x0;
	(pc) =	sbr.rel @p0 .LBB2_4-.Ltmp1, $4  }
0x12f: {  	s8 =	sadd.s32 s8, s25;
	[sflag:s15] =	ssyncadd.s32 $0xFFFFF000  }
0x130: {  	[hbm4b:s8+s4] =	stream.linear.scatter [tilespmem:s14], [sflag:$0x7], $0x1000, $0x38;
	[tilespmem:$0x1CB00] =	vst v63  }
0x131: {  	_ =	swait.ge [sflag:s15], $0x1000  }
0x132: {  	[sflag:s15] =	ssyncset.done $0x0  }
0x133: {  	s10 =	sadd.s32 $0x1, s10;
	s8 =	rddreg [dreg:$0xd]  }
0x134: {  	p0 =	sne.s32 s10, s8  }
.Ltmp2:
0x135: {  	_ = 	snop;
	(pc) =	sbr.rel @p0 .LBB2_1-.Ltmp2, $2  }
0x136: {  	_ =	sdelay $0x2  }
0x137: {  	[sflag:s15] =	ssyncadd.s32 $0xFFFFF000  }
0x138: {  	_ =	sfence.sel $0x180000  }
0x139: {  	[bflag:$0x0] =	sbarrier.arrive $0xFFFF  }
0x13a: {  	_ =	strace $0x9000004D  }
0x13b: {  	s0 =	stileid.u32;
	[bflag:$0x2] =	sbarrier.arrive $0xFFFF  }
0x13c: {  	p0 =	sne.s32 s0, $0x0;
	s0 =	rddreg [dreg:$0x3]  }
0x13d: {  	s0 =	sadd.s32 @!p0 $0x100000, s0  }
0x13e: {  	[sflag:s0] =	ssyncadd.tile.s32 @!p0 $0x1;
	_ =	shalt  }
.Lfunc_end2:
_tile_overlayer_lowered:
.L_overlay_start_2:
0x13f: {  	(tag) =	ssettag $0x2  }
0x140: {  	s0 =	rddreg [dreg:$0x0];
	s2 =	stileid.u32  }
0x141: {  	s1 =	rddreg [dreg:$0x1];
	p0 =	sne.s32 s2, $0x0  }
0x142: {  	s3 =	rddreg [dreg:$0x2];
	[bflag:$0x3] =	sbarrier.arrive $0xFFFF;
	s2 =	simm.s32 @!p0 $0x1C07  }
0x143: {  	[timem:s3], [sflag:s2] =	dma.local @!p0 [hbm:s0], s1  }
0x144: {  	s0 =	simm.s32 @!p0 $0x7  }
0x145: {  	_ =	swait.ge @!p0 [sflag:s0], s1  }
0x146: {  	s1 =	ssub.s32 @!p0 $0x0, s1;
	[sflag:s0] =	ssyncset.done @!p0 $0x0  }
0x147: {  	[sflag:s0] =	ssyncadd.s32 @!p0 s1  }
0x148: {  	[bflag:$0x3] =	sbarrier.arrive $0xFFFF  }
0x149: {  	_ =	shalt  }

// kernel: kernel.7.cloned.1.call-start
scs
__scs_entry_jumppad:
0x0: {  	(pc) =	sbr.rel $0x88, $3  }
0x1: {  	(tag) =	ssettag $0x0;
	lr =	simm.s32 $0x1  }
0x2: {  	[smem:$0x3F97] =	sst lr;
	_ =	strace $0xD0000000  }
0x3: {  	_ = 	snop  }
0x4: {  	_ = 	snop  }
0x5: {  	_ = 	snop  }
0x6: {  	_ = 	snop  }
0x7: {  	_ = 	snop  }
__scs_overlays_trampoline_lowered:
0x8: {  	[smem:$0x3FA6] =	sst s0  }
0x9: {  	[smem:$0x3FA7] =	sst s1  }
0xa: {  	[smem:$0x3FA8] =	sst s2  }
0xb: {  	[smem:$0x3FA9] =	sst s3  }
0xc: {  	[smem:$0x3FAA] =	sst s4  }
0xd: {  	[smem:$0x3FAB] =	sst s5  }
0xe: {  	[smem:$0x3FAC] =	sst s6  }
0xf: {  	[smem:$0x3FAD] =	sst s7  }
0x10: {  	[smem:$0x3FAE] =	sst s8  }
0x11: {  	[smem:$0x3FAF] =	sst s9;
	s0 =	simm.s32 @!p0 $0x0  }
0x12: {  	s1 =	sld [smem:$0x3F95];
	s0 =	simm.s32 @p0 $0x1  }
0x13: {  	[smem:$0x3FB0] =	sst s0;
	s0 =	simm.s32 @!p1 $0x0  }
0x14: {  	s2 =	sld [smem:$0x3F94];
	s0 =	simm.s32 @p1 $0x1  }
0x15: {  	[smem:$0x3FB1] =	sst s0;
	s0 =	simm.s32 @!p2 $0x0  }
0x16: {  	s3 =	sld [smem:$0x3FDB];
	s0 =	simm.s32 @p2 $0x1  }
0x17: {  	s4 =	simm.s32 $0x1BF5;
	[smem:$0x3FB3] =	sst s0  }
0x18: {  	s0 =	sld [smem:$0x3F96];
	_ =	swait.ge [sflag:s4], $0x0  }
0x19: {  	s7 =	sld [smem:$0x3F97]  }
0x1a: {  	s8 =	sadd.s32 $0xFFFFE003, lr  }
0x1b: {  	s9 =	sadd.s32 $0xFFFFFEF7, lr;
	s5 =	simm.s32 $0xFFFFFFFF;
	p2 =	slt.u32 s8, $0xFFFFF086  }
0x1c: {  	p1 =	slt.u32 s9, $0xF7A;
	s5 =	simm.s32 @!p2 $0x0  }
0x1d: {  	s5 =	simm.s32 @p1 $0x1;
	p0 =	seq.s32 s7, s2  }
0x1e: {  	s7 =	smul.u32 @!p0 $0xF7A, s2;
	p2 =	seq.s32 @!p0 s5, $0x0  }
0x1f: {  	s9 =	smul.u32 $0xF7A, s1;
	s8 =	simm.s32 @!p0 $0x1BF5;
	p2 =	por !p2, p0  }
0x20: {  	[sflag:s8] =	ssyncset.s32 @!p0 $0xFFFFF086;
	s6 =	sadd.s32 @!p0 s3, s7;
	s7 =	simm.s32 @!p0 $0x108  }
0x21: {  	s3 =	sadd.s32 s3, s9;
	s6 =	sadd.s32 @!p0 $0x88, s6;
	s7 =	simm.s32 @p2 $0x1082  }
0x22: {  	[simem:s7], [sflag:s8] =	dma.local @!p0 [hbm:s6], $0xF7A  }
0x23: {  	s9 =	sor.u32 $0xD0000000, s2;
	s6 =	simm.s32 $0x108;
	_ =	swait.ge @!p0 [sflag:s8], $0x0  }
0x24: {  	s3 =	sadd.s32 $0x88, s3;
	s6 =	simm.s32 @!p1 $0x1082;
	[sflag:s4] =	ssyncset.s32 $0xFFFFF086  }
0x25: {  	[simem:s6], [sflag:s4] =	dma.local [hbm:s3], $0xF7A  }
0x26: {  	[smem:$0x3F97] =	sst s1;
	(tag) =	ssettag s2;
	_ =	strace s9  }
0x27: {  	s1 =	sld [smem:$0x3FA7]  }
0x28: {  	s2 =	sld [smem:$0x3FA8]  }
0x29: {  	s4 =	sld [smem:$0x3FAA]  }
0x2a: {  	p0 =	seq.s32 s5, $0x0;
	s5 =	sld [smem:$0x3FAB]  }
0x2b: {  	s6 =	sld [smem:$0x3FAC]  }
0x2c: {  	s7 =	sld [smem:$0x3FAD]  }
0x2d: {  	s3 =	simm.s32 $0x108;
	s8 =	sld [smem:$0x3FAE]  }
0x2e: {  	s3 =	simm.s32 @!p0 $0x1082;
	s9 =	sld [smem:$0x3FAF]  }
0x2f: {  	lr =	sadd.s32 s0, s3;
	s0 =	sld [smem:$0x3FA6]  }
0x30: {  	s3 =	sld [smem:$0x3FA9]  }
0x31: {  	[smem:$0x3FB2] =	sst s10  }
0x32: {  	s10 =	sld [smem:$0x3FB0];
	_ =	sdelay $0x3  }
0x33: {  	p0 =	seq.s32 s10, $0x1;
	s10 =	sld [smem:$0x3FB2];
	_ =	sdelay $0x3  }
0x34: {  	[smem:$0x3FB2] =	sst s10  }
0x35: {  	s10 =	sld [smem:$0x3FB1];
	_ =	sdelay $0x3  }
0x36: {  	p1 =	seq.s32 s10, $0x1;
	s10 =	sld [smem:$0x3FB2];
	_ =	sdelay $0x3  }
0x37: {  	[smem:$0x3FB2] =	sst s10  }
0x38: {  	s10 =	sld [smem:$0x3FB3]  }
0x39: {  	_ = 	snop;
	(pc) =	sbr.ind lr, $3  }
0x3a: {  	_ = 	snop  }
0x3b: {  	_ = 	snop  }
0x3c: {  	p2 =	seq.s32 s10, $0x1;
	s10 =	sld [smem:$0x3FB2]  }
0x3d: {  	_ =	shalt  }
0x3e: {  	_ =	shalt  }
0x3f: {  	_ =	shalt  }
0x40: {  	_ =	shalt  }
0x41: {  	_ =	shalt  }
0x42: {  	_ =	shalt  }
0x43: {  	_ =	shalt  }
0x44: {  	_ =	shalt  }
0x45: {  	_ =	shalt  }
0x46: {  	_ =	shalt  }
0x47: {  	_ =	shalt  }
0x48: {  	_ =	shalt  }
0x49: {  	_ =	shalt  }
0x4a: {  	_ =	shalt  }
0x4b: {  	_ =	shalt  }
0x4c: {  	_ =	shalt  }
0x4d: {  	_ =	shalt  }
0x4e: {  	_ =	shalt  }
0x4f: {  	_ =	shalt  }
0x50: {  	_ =	shalt  }
0x51: {  	_ =	shalt  }
0x52: {  	_ =	shalt  }
0x53: {  	_ =	shalt  }
0x54: {  	_ =	shalt  }
0x55: {  	_ =	shalt  }
0x56: {  	_ =	shalt  }
0x57: {  	_ =	shalt  }
0x58: {  	_ =	shalt  }
0x59: {  	_ =	shalt  }
0x5a: {  	_ =	shalt  }
0x5b: {  	_ =	shalt  }
0x5c: {  	_ =	shalt  }
0x5d: {  	_ =	shalt  }
0x5e: {  	_ =	shalt  }
0x5f: {  	_ =	shalt  }
0x60: {  	_ =	shalt  }
0x61: {  	_ =	shalt  }
0x62: {  	_ =	shalt  }
0x63: {  	_ =	shalt  }
0x64: {  	_ =	shalt  }
0x65: {  	_ =	shalt  }
0x66: {  	_ =	shalt  }
0x67: {  	_ =	shalt  }
0x68: {  	_ =	shalt  }
0x69: {  	_ =	shalt  }
0x6a: {  	_ =	shalt  }
0x6b: {  	_ =	shalt  }
0x6c: {  	_ =	shalt  }
0x6d: {  	_ =	shalt  }
0x6e: {  	_ =	shalt  }
0x6f: {  	_ =	shalt  }
0x70: {  	_ =	shalt  }
0x71: {  	_ =	shalt  }
0x72: {  	_ =	shalt  }
0x73: {  	_ =	shalt  }
0x74: {  	_ =	shalt  }
0x75: {  	_ =	shalt  }
0x76: {  	_ =	shalt  }
0x77: {  	_ =	shalt  }
0x78: {  	_ =	shalt  }
0x79: {  	_ =	shalt  }
0x7a: {  	_ =	shalt  }
0x7b: {  	_ =	shalt  }
0x7c: {  	_ =	shalt  }
0x7d: {  	_ =	shalt  }
0x7e: {  	_ =	shalt  }
0x7f: {  	_ =	shalt  }
0x80: {  	_ =	shalt  }
0x81: {  	_ =	shalt  }
0x82: {  	_ =	shalt  }
0x83: {  	_ =	shalt  }
0x84: {  	_ =	shalt  }
0x85: {  	_ =	shalt  }
0x86: {  	_ =	shalt  }
0x87: {  	_ =	shalt  }
.Lfunc_end0:
.L_simem_size_0:
called_computation_lowered:
.L_overlay_start_0:
0x88: {  	s2 =	sld [smem:$0x3FD9]  }
0x89: {  	s3 =	sld [smem:$0x3FFE];
	_ =	sdelay $0x1  }
0x8a: {  	s1 =	srdreg.scid  }
0x8b: {  	s0 =	sand.u32 $0x1, s1  }
0x8c: {  	s14 =	sshll.u32 s0, $0xA;
	s2 =	sadd.s32 s3, s2  }
0x8d: {  	s2 =	sadd.s32 s2, s14  }
0x8e: {  	[smem:$0x3FBE] =	sst s2  }
0x8f: {  	_ = 	snop  }
0x90: {  	s2 =	sld [smem:$0x3FD0];
	_ =	sdelay $0x2  }
0x91: {  	s15 =	simm.s32 $0xB;
	s4 =	simm.s32 $0x10  }
0x92: {  	[smem:s4], [sflag:s15] =	dma.local [hbm:s2], $0x1  }
0x93: {  	_ =	swait.eq [sflag:s15], $0x1  }
0x94: {  	[sflag:s15] =	ssyncset.done $0x0  }
0x95: {  	s16 =	sld [smem:$0x10];
	[sflag:s15] =	ssyncadd.s32 $0xFFFFFFFF  }
0x96: {  	s17 =	sld [smem:$0x11];
	(tm) =	ssettm $0x1  }
0x97: {  	s18 =	sld [smem:$0x3FFB];
	_ =	sdelay $0x3  }
0x98: {  	_ =	strace s18  }
0x99: {  	s4 =	sld [smem:$0x3FFC];
	_ =	sdelay $0x3  }
0x9a: {  	_ =	strace s4  }
0x9b: {  	s4 =	sld [smem:$0x3FFD];
	_ =	sdelay $0x3  }
0x9c: {  	_ =	strace s4  }
0x9d: {  	_ =	strace $0x8FFFFFFF  }
0x9e: {  	s19 =	sld [smem:$0x3FDB];
	_ =	sdelay $0x1  }
0x9f: {  	s5 =	simm.s32 $_scs_section_size  }
0xa0: {  	s6 =	simm.s32 $_size__tile_overlayer_lowered;
	s7 =	simm.s32 $_tile_overlayer_lowered  }
0xa1: {  	s22 =	simm.s32 $0x1BFF;
	s21 =	sshll.u32 s7, $0x1;
	s4 =	sadd.s32 s5, s19  }
0xa2: {  	s8 =	simm.s32 $0x0;
	s20 =	sshll.u32 s6, $0x1;
	s6 =	sadd.s32 s21, s4  }
0xa3: {  	[timem:s8], [sflag:s22] =	dma.local [hbm:s6], s20  }
0xa4: {  	_ =	swait.ge [sflag:s22], s20  }
0xa5: {  	s5 =	ssub.s32 $0x0, s20;
	[sflag:s22] =	ssyncset.done $0x0  }
0xa6: {  	[sflag:s22] =	ssyncadd.s32 s5;
	_ =	sdelay $0x1  }
0xa7: {  	s23 =	simm.s32 $0x1B8B  }
0xa8: {  	_ =	swait.ge [sflag:s23], $0x1  }
0xa9: {  	[sflag:s23] =	ssyncset.done $0x0  }
0xaa: {  	s25 =	simm.s32 $0x1B8E;
	s24 =	sld [smem:$0x3FFE];
	[sflag:s23] =	ssyncadd.s32 $0xFFFFFFFF  }
0xab: {  	s26 =	simm.s32 $execute0_lowered;
	[smem:$0x3FD2] =	sst s25  }
0xac: {  	s6 =	sshll.u32 s26, $0x1;
	_ =	strace $0x80000046;
	[dreg:$0x1] =	wrdreg $0xFFFFFFFF  }
0xad: {  	s28 =	simm.s32 $_size_execute0_lowered;
	s4 =	sadd.s32 s4, s6;
	[dreg:$0x0] =	wrdreg $0x0  }
0xae: {  	s6 =	sshll.u32 s28, $0x1;
	[dreg:$0x2] =	wrdreg s4  }
0xaf: {  	[dreg:$0x3] =	wrdreg s6  }
0xb0: {  	[dreg:$0x4] =	wrdreg $0xC0  }
0xb1: {  	_ =	task [dreg:s8], $0x5FFFF  }
0xb2: {  	[dreg:$0x1] =	wrdreg $0xFFFFFFFF  }
0xb3: {  	[dreg:$0x0] =	wrdreg $0x60  }
0xb4: {  	[dreg:$0x2] =	wrdreg s16  }
0xb5: {  	[dreg:$0x3] =	wrdreg s24  }
0xb6: {  	[dreg:$0x4] =	wrdreg s17  }
0xb7: {  	[dreg:$0x5] =	wrdreg $0x78000  }
0xb8: {  	[dreg:$0x6] =	wrdreg $0x9  }
0xb9: {  	_ =	task.clear_ibuf [dreg:s8], $0x7FFFF;
	_ =	strace $0x90000046  }
0xba: {  	s29 =	simm.s32 $0x9;
	_ =	strace $0x80000048  }
0xbb: {  	_ =	swait.ge [sflag:s29], $0x1  }
0xbc: {  	[sflag:s29] =	ssyncadd.s32 $0xFFFFFFFF  }
0xbd: {  	_ =	strace $0x90000048  }
0xbe: {  	_ =	sfence  }
0xbf: {  	s30 =	sld [smem:$0x0];
	_ =	sdelay $0x2  }
0xc0: {  	s31 =	sshll.u32 s1, $0xD;
	s1 =	sshrl.u32 s1, $0x2  }
0xc1: {  	s3 =	sand.u32 $0x4000, s31;
	s1 =	sadd.s32 s1, s30  }
0xc2: {  	s0 =	sor.u32 s3, s0;
	s1 =	sshll.u32 s1, $0x11  }
0xc3: {  	s0 =	sor.u32 s1, s0  }
0xc4: {  	s0 =	sadd.s32 $0x8F2B, s0  }
0xc5: {  	[sflag:s0] =	ssyncadd.remote.s32 $0x1  }
0xc6: {  	_ =	sfence.sel $0xFFFF  }
0xc7: {  	[dreg:$0x0] =	wrdreg $0xFFFFFFFF;
	(pc) =	sbr.abs _section_cstart, $3  }
0xc8: {  	[dreg:$0x1] =	wrdreg $0xFFFFFFFF  }
0xc9: {  	_ =	task.clear_ibuf [dreg:s8], $0x2FFFF;
	_ =	strace $0x9FFFFFFF  }
0xca: {  	(tm) =	ssettm $0x7FFFFFFF  }
0xcb: {  	_ =	shalt  }
tec
execute0_lowered:
.L_overlay_start_1:
0x0: {  	(tag) =	ssettag $0x1  }
0x1: {  	s0 =	rddreg [dreg:$0x0]  }
0x2: {  	s1 =	rddreg [dreg:$0x1];
	s2 =	srdreg.scid  }
0x3: {  	s3 =	rddreg [dreg:$0x3];
	s8 =	stileid.u32  }
0x4: {  	s4 =	simm.s32 $0x0;
	s30 =	simm.s32 $0x4000;
	s31 =	simm.s32 $0x2  }
0x5: {  	s2 =	sand.u32 $0x1, s2;
	s6 =	smul.u32 $0x14000, s8;
	[smem:$0x7FF] =	sst s4  }
0x6: {  	s7 =	sadd.s32 $0x16000, s1;
	s22 =	smul.u32 $0x50000, s8;
	s9 =	sshll.u32 s8, $0xC  }
0x7: {  	s5 =	smul.u32 $0x140000, s2;
	_ =	strace $0x80000047;
	s21 =	ssub.s32 $0x2, s2  }
0x8: {  	[dreg:$0x5] =	wrdreg s7;
	s2 =	sshll.u32 s2, $0xB;
	s23 =	sshrl.u32 s21, $0x1  }
0x9: {  	s7 =	sshrl.u32 s22, $0x2;
	s0 =	sadd.s32 s0, s2;
	s2 =	simm.s32 $0x1  }
0xa: {  	s5 =	sadd.s32 s6, s5;
	s24 =	ssub.s32 s21, s23;
	s0 =	sadd.s32 s9, s0  }
0xb: {  	s8 =	sadd.s32 s7, s3;
	s5 =	sshrl.u32 s5, $0x3;
	[dreg:$0x6] =	wrdreg s0  }
0xc: {  	s25 =	smax.u32 s24, $0x1;
	s26 =	sadd.s32 $0x1000, s8;
	s10 =	sadd.s32 $0x2000, s8  }
0xd: {  	s11 =	sadd.s32 $0x3000, s8;
	s12 =	sadd.s32 $0x4000, s8;
	s13 =	sadd.s32 $0x5000, s8  }
0xe: {  	s14 =	sadd.s32 $0x6000, s8;
	s15 =	sadd.s32 $0x7000, s8;
	s16 =	sadd.s32 $0x8000, s8  }
0xf: {  	s17 =	sadd.s32 $0x9000, s8;
	s18 =	sadd.s32 $0xA000, s8;
	s19 =	sadd.s32 $0xB000, s8  }
0x10: {  	s20 =	sadd.s32 $0xC000, s8;
	s21 =	sadd.s32 $0xD000, s8;
	s22 =	sadd.s32 $0xE000, s8  }
0x11: {  	s23 =	sadd.s32 $0xF000, s8;
	s24 =	sadd.s32 $0x10000, s8;
	s28 =	sadd.s32 $0x12000, s8  }
0x12: {  	s29 =	sadd.s32 $0x13000, s8;
	s0 =	simm.s32 $0x6800;
	[dreg:$0x7] =	wrdreg s25  }
0x13: {  	s1 =	sadd.s32 s5, s1;
	[dreg:$0x8] =	wrdreg s26;
	s26 =	sadd.s32 $0x11000, s8  }
0x14: {  	s5 =	simm.s32 $0x0;
	s25 =	sadd.s32 $0x16200, s1;
	s1 =	simm.s32 $0x50  }
.LBB2_1:
0x15: {  	s6 =	rddreg [dreg:$0x2]  }
0x16: {  	[tilespmem:s30], [sflag:$0x2] =	stream.linear.gather [hbm4b:s6+s4], $0x2800, $0x38;
	[tilespmem:$0x1B800] =	vst v63  }
0x17: {  	_ =	swait.ge [sflag:s31], $0x2800  }
0x18: {  	[sflag:s31] =	ssyncset.done $0x0  }
0x19: {  	s9 =	rddreg [dreg:$0x5];
	[sflag:s31] =	ssyncadd.s32 $0xFFFFD800  }
0x1a: {  	[tilespmem:s0], [sflag:$0x2] =	stream.linear.gather [hbm4b:s9+s4], $0x1000, $0x38;
	[tilespmem:$0x1B800] =	vst v63  }
0x1b: {  	_ =	swait.ge [sflag:s31], $0x1000  }
0x1c: {  	[sflag:s31] =	ssyncset.done $0x0  }
0x1d: {  	[sflag:s31] =	ssyncadd.s32 $0xFFFFF000  }
0x1e: {  	[spmem:s8] =	stream.linear.scatter [tilespmem:s0], [sflag:$0x2], $0x1000, $0x38;
	[tilespmem:$0x1B800] =	vst v63  }
0x1f: {  	_ =	swait.ge [sflag:s31], $0x1000  }
0x20: {  	[sflag:s31] =	ssyncset.done $0x0  }
0x21: {  	s7 =	rddreg [dreg:$0x8];
	[sflag:s31] =	ssyncadd.s32 $0xFFFFF000  }
0x22: {  	[spmem:s7] =	stream.linear.scatter [tilespmem:s0], [sflag:$0x2], $0x1000, $0x38;
	[tilespmem:$0x1B800] =	vst v63  }
0x23: {  	_ =	swait.ge [sflag:s31], $0x1000  }
0x24: {  	[sflag:s31] =	ssyncset.done $0x0  }
0x25: {  	[sflag:s31] =	ssyncadd.s32 $0xFFFFF000  }
0x26: {  	[spmem:s10] =	stream.linear.scatter [tilespmem:s0], [sflag:$0x2], $0x1000, $0x38;
	[tilespmem:$0x1B800] =	vst v63  }
0x27: {  	_ =	swait.ge [sflag:s31], $0x1000  }
0x28: {  	[sflag:s31] =	ssyncset.done $0x0  }
0x29: {  	[sflag:s31] =	ssyncadd.s32 $0xFFFFF000  }
0x2a: {  	[spmem:s11] =	stream.linear.scatter [tilespmem:s0], [sflag:$0x2], $0x1000, $0x38;
	[tilespmem:$0x1B800] =	vst v63  }
0x2b: {  	_ =	swait.ge [sflag:s31], $0x1000  }
0x2c: {  	[sflag:s31] =	ssyncset.done $0x0  }
0x2d: {  	[sflag:s31] =	ssyncadd.s32 $0xFFFFF000  }
0x2e: {  	[spmem:s12] =	stream.linear.scatter [tilespmem:s0], [sflag:$0x2], $0x1000, $0x38;
	[tilespmem:$0x1B800] =	vst v63  }
0x2f: {  	_ =	swait.ge [sflag:s31], $0x1000  }
0x30: {  	[sflag:s31] =	ssyncset.done $0x0  }
0x31: {  	[sflag:s31] =	ssyncadd.s32 $0xFFFFF000  }
0x32: {  	[spmem:s13] =	stream.linear.scatter [tilespmem:s0], [sflag:$0x2], $0x1000, $0x38;
	[tilespmem:$0x1B800] =	vst v63  }
0x33: {  	_ =	swait.ge [sflag:s31], $0x1000  }
0x34: {  	[sflag:s31] =	ssyncset.done $0x0  }
0x35: {  	[sflag:s31] =	ssyncadd.s32 $0xFFFFF000  }
0x36: {  	[spmem:s14] =	stream.linear.scatter [tilespmem:s0], [sflag:$0x2], $0x1000, $0x38;
	[tilespmem:$0x1B800] =	vst v63  }
0x37: {  	_ =	swait.ge [sflag:s31], $0x1000  }
0x38: {  	[sflag:s31] =	ssyncset.done $0x0  }
0x39: {  	[sflag:s31] =	ssyncadd.s32 $0xFFFFF000  }
0x3a: {  	[spmem:s15] =	stream.linear.scatter [tilespmem:s0], [sflag:$0x2], $0x1000, $0x38;
	[tilespmem:$0x1B800] =	vst v63  }
0x3b: {  	_ =	swait.ge [sflag:s31], $0x1000  }
0x3c: {  	[sflag:s31] =	ssyncset.done $0x0  }
0x3d: {  	[sflag:s31] =	ssyncadd.s32 $0xFFFFF000  }
0x3e: {  	[spmem:s16] =	stream.linear.scatter [tilespmem:s0], [sflag:$0x2], $0x1000, $0x38;
	[tilespmem:$0x1B800] =	vst v63  }
0x3f: {  	_ =	swait.ge [sflag:s31], $0x1000  }
0x40: {  	[sflag:s31] =	ssyncset.done $0x0  }
0x41: {  	[sflag:s31] =	ssyncadd.s32 $0xFFFFF000  }
0x42: {  	[spmem:s17] =	stream.linear.scatter [tilespmem:s0], [sflag:$0x2], $0x1000, $0x38;
	[tilespmem:$0x1B800] =	vst v63  }
0x43: {  	_ =	swait.ge [sflag:s31], $0x1000  }
0x44: {  	[sflag:s31] =	ssyncset.done $0x0  }
0x45: {  	[sflag:s31] =	ssyncadd.s32 $0xFFFFF000  }
0x46: {  	[spmem:s18] =	stream.linear.scatter [tilespmem:s0], [sflag:$0x2], $0x1000, $0x38;
	[tilespmem:$0x1B800] =	vst v63  }
0x47: {  	_ =	swait.ge [sflag:s31], $0x1000  }
0x48: {  	[sflag:s31] =	ssyncset.done $0x0  }
0x49: {  	[sflag:s31] =	ssyncadd.s32 $0xFFFFF000  }
0x4a: {  	[spmem:s19] =	stream.linear.scatter [tilespmem:s0], [sflag:$0x2], $0x1000, $0x38;
	[tilespmem:$0x1B800] =	vst v63  }
0x4b: {  	_ =	swait.ge [sflag:s31], $0x1000  }
0x4c: {  	[sflag:s31] =	ssyncset.done $0x0  }
0x4d: {  	[sflag:s31] =	ssyncadd.s32 $0xFFFFF000  }
0x4e: {  	[spmem:s20] =	stream.linear.scatter [tilespmem:s0], [sflag:$0x2], $0x1000, $0x38;
	[tilespmem:$0x1B800] =	vst v63  }
0x4f: {  	_ =	swait.ge [sflag:s31], $0x1000  }
0x50: {  	[sflag:s31] =	ssyncset.done $0x0  }
0x51: {  	[sflag:s31] =	ssyncadd.s32 $0xFFFFF000  }
0x52: {  	[spmem:s21] =	stream.linear.scatter [tilespmem:s0], [sflag:$0x2], $0x1000, $0x38;
	[tilespmem:$0x1B800] =	vst v63  }
0x53: {  	_ =	swait.ge [sflag:s31], $0x1000  }
0x54: {  	[sflag:s31] =	ssyncset.done $0x0  }
0x55: {  	[sflag:s31] =	ssyncadd.s32 $0xFFFFF000  }
0x56: {  	[spmem:s22] =	stream.linear.scatter [tilespmem:s0], [sflag:$0x2], $0x1000, $0x38;
	[tilespmem:$0x1B800] =	vst v63  }
0x57: {  	_ =	swait.ge [sflag:s31], $0x1000  }
0x58: {  	[sflag:s31] =	ssyncset.done $0x0  }
0x59: {  	[sflag:s31] =	ssyncadd.s32 $0xFFFFF000  }
0x5a: {  	[spmem:s23] =	stream.linear.scatter [tilespmem:s0], [sflag:$0x2], $0x1000, $0x38;
	[tilespmem:$0x1B800] =	vst v63  }
0x5b: {  	_ =	swait.ge [sflag:s31], $0x1000  }
0x5c: {  	[sflag:s31] =	ssyncset.done $0x0  }
0x5d: {  	[sflag:s31] =	ssyncadd.s32 $0xFFFFF000  }
0x5e: {  	[spmem:s24] =	stream.linear.scatter [tilespmem:s0], [sflag:$0x2], $0x1000, $0x38;
	[tilespmem:$0x1B800] =	vst v63  }
0x5f: {  	_ =	swait.ge [sflag:s31], $0x1000  }
0x60: {  	[sflag:s31] =	ssyncset.done $0x0  }
0x61: {  	[sflag:s31] =	ssyncadd.s32 $0xFFFFF000  }
0x62: {  	[spmem:s26] =	stream.linear.scatter [tilespmem:s0], [sflag:$0x2], $0x1000, $0x38;
	[tilespmem:$0x1B800] =	vst v63  }
0x63: {  	_ =	swait.ge [sflag:s31], $0x1000  }
0x64: {  	[sflag:s31] =	ssyncset.done $0x0  }
0x65: {  	[sflag:s31] =	ssyncadd.s32 $0xFFFFF000  }
0x66: {  	[spmem:s28] =	stream.linear.scatter [tilespmem:s0], [sflag:$0x2], $0x1000, $0x38;
	[tilespmem:$0x1B800] =	vst v63  }
0x67: {  	_ =	swait.ge [sflag:s31], $0x1000  }
0x68: {  	[sflag:s31] =	ssyncset.done $0x0  }
0x69: {  	[sflag:s31] =	ssyncadd.s32 $0xFFFFF000  }
0x6a: {  	[spmem:s29] =	stream.linear.scatter [tilespmem:s0], [sflag:$0x2], $0x1000, $0x38;
	[tilespmem:$0x1B800] =	vst v63  }
0x6b: {  	_ =	swait.ge [sflag:s31], $0x1000  }
0x6c: {  	[sflag:s31] =	ssyncset.done $0x0  }
0x6d: {  	[sflag:s31] =	ssyncadd.s32 $0xFFFFF000  }
0x6e: {  	[bflag:$0x0] =	sbarrier.arrive $0xFFFF  }
0x6f: {  	s9 =	rddreg [dreg:$0x6]  }
0x70: {  	[tilespmem:s4], [sflag:$0x2] =	stream.linear.gather [hbm4b:s9+s4], $0x3E80, $0x38;
	[tilespmem:$0x1B800] =	vst v63  }
0x71: {  	_ =	swait.ge [sflag:s31], $0x3E80  }
0x72: {  	[sflag:s31] =	ssyncset.done $0x0  }
0x73: {  	[sflag:s31] =	ssyncadd.s32 $0xFFFFC180  }
0x74: {  	[spmem:s3] =	stream.indirect.scatter.add.f32 [tilespmem:s30], [sflag:$0x1], $0x80, s4, s1, $0xb8;
	[tilespmem:$0x1B800] =	vst v63  }
0x75: {  	s7 =	simm.s32 $0x80  }
0x76: {  	[spmem:s3] =	stream.indirect.scatter.add.f32 [tilespmem:s30], [sflag:$0x1], $0x80, s7, s1, $0xb8;
	[tilespmem:$0x1B800] =	vst v63  }
0x77: {  	s9 =	simm.s32 $0x100  }
0x78: {  	[spmem:s3] =	stream.indirect.scatter.add.f32 [tilespmem:s30], [sflag:$0x1], $0x80, s9, s1, $0xb8;
	[tilespmem:$0x1B800] =	vst v63  }
0x79: {  	s7 =	simm.s32 $0x180  }
0x7a: {  	[spmem:s3] =	stream.indirect.scatter.add.f32 [tilespmem:s30], [sflag:$0x1], $0x80, s7, s1, $0xb8;
	[tilespmem:$0x1B800] =	vst v63  }
0x7b: {  	s9 =	simm.s32 $0x200  }
0x7c: {  	[spmem:s3] =	stream.indirect.scatter.add.f32 [tilespmem:s30], [sflag:$0x1], $0x80, s9, s1, $0xb8;
	[tilespmem:$0x1B800] =	vst v63  }
0x7d: {  	_ =	swait.ge [sflag:s2], $0x2800  }
0x7e: {  	s6 =	simm.s32 $0xA00;
	[sflag:s2] =	ssyncset.done $0x0  }
.LBB2_2:
0x7f: {  	s7 =	sshra.s32 s6, $0x2;
	[sflag:s2] =	ssyncadd.s32 $0xFFFFD800;
	p0 =	sne.s32 s6, $0xF800  }
0x80: {  	[spmem:s3] =	stream.indirect.scatter.add.f32 [tilespmem:s30], [sflag:$0x1], $0x80, s7, s1, $0xb8;
	[tilespmem:$0x1B800] =	vst v63  }
.Ltmp0:
0x81: {  	_ = 	snop;
	(pc) =	sbr.rel @p0 .LBB2_2-.Ltmp0, $4  }
0x82: {  	_ = 	snop  }
0x83: {  	s6 =	sadd.s32 $0x200, s6  }
0x84: {  	_ =	swait.ge [sflag:s2], $0x2800  }
0x85: {  	[sflag:s2] =	ssyncset.done $0x0  }
0x86: {  	[sflag:s2] =	ssyncadd.s32 $0xFFFFD800  }
0x87: {  	_ =	swait.ge [sflag:s2], $0x2800  }
0x88: {  	[sflag:s2] =	ssyncset.done $0x0  }
0x89: {  	[sflag:s2] =	ssyncadd.s32 $0xFFFFD800  }
0x8a: {  	_ =	swait.ge [sflag:s2], $0x2800  }
0x8b: {  	[sflag:s2] =	ssyncset.done $0x0  }
0x8c: {  	[sflag:s2] =	ssyncadd.s32 $0xFFFFD800  }
0x8d: {  	_ =	swait.ge [sflag:s2], $0x2800  }
0x8e: {  	[sflag:s2] =	ssyncset.done $0x0  }
0x8f: {  	[sflag:s2] =	ssyncadd.s32 $0xFFFFD800  }
0x90: {  	_ =	swait.ge [sflag:s2], $0x2800  }
0x91: {  	[sflag:s2] =	ssyncset.done $0x0  }
0x92: {  	[sflag:s2] =	ssyncadd.s32 $0xFFFFD800  }
0x93: {  	[bflag:$0x0] =	sbarrier.arrive $0xFFFF  }
0x94: {  	[tilespmem:s0], [sflag:$0x2] =	stream.linear.gather [spmem:s8], $0x1000, $0x38;
	[tilespmem:$0x1B800] =	vst v63  }
0x95: {  	_ =	swait.ge [sflag:s31], $0x1000  }
0x96: {  	[sflag:s31] =	ssyncset.done $0x0  }
0x97: {  	s6 =	sadd.s32 $0x0, s25;
	[sflag:s31] =	ssyncadd.s32 $0xFFFFF000  }
0x98: {  	[hbm4b:s6+s4] =	stream.linear.scatter [tilespmem:s0], [sflag:$0x2], $0x1000, $0x38;
	[tilespmem:$0x1B800] =	vst v63  }
0x99: {  	_ =	swait.ge [sflag:s31], $0x1000  }
0x9a: {  	s7 =	simm.s32 $0x200;
	s6 =	smov.u32 s8;
	[sflag:s31] =	ssyncset.done $0x0  }
.LBB2_4:
0x9b: {  	p0 =	sne.s32 s7, $0x2600;
	[sflag:s31] =	ssyncadd.s32 $0xFFFFF000;
	s6 =	sadd.s32 $0x1000, s6  }
0x9c: {  	[tilespmem:s0], [sflag:$0x2] =	stream.linear.gather [spmem:s6], $0x1000, $0x38;
	[tilespmem:$0x1B800] =	vst v63  }
0x9d: {  	s9 =	smov.u32 s7;
	s7 =	sadd.s32 $0x200, s7;
	_ =	swait.ge [sflag:s31], $0x1000  }
.Ltmp1:
0x9e: {  	[sflag:s31] =	ssyncset.done $0x0;
	(pc) =	sbr.rel @p0 .LBB2_4-.Ltmp1, $4  }
0x9f: {  	s9 =	sadd.s32 s9, s25;
	[sflag:s31] =	ssyncadd.s32 $0xFFFFF000  }
0xa0: {  	[hbm4b:s9+s4] =	stream.linear.scatter [tilespmem:s0], [sflag:$0x2], $0x1000, $0x38;
	[tilespmem:$0x1B800] =	vst v63  }
0xa1: {  	_ =	swait.ge [sflag:s31], $0x1000  }
0xa2: {  	[sflag:s31] =	ssyncset.done $0x0  }
0xa3: {  	s5 =	sadd.s32 $0x1, s5;
	s6 =	rddreg [dreg:$0x7]  }
0xa4: {  	p0 =	sne.s32 s5, s6  }
.Ltmp2:
0xa5: {  	_ = 	snop;
	(pc) =	sbr.rel @p0 .LBB2_1-.Ltmp2, $2  }
0xa6: {  	_ =	sdelay $0x2  }
0xa7: {  	[sflag:s31] =	ssyncadd.s32 $0xFFFFF000  }
0xa8: {  	_ =	sfence.sel $0x180000  }
0xa9: {  	[bflag:$0x0] =	sbarrier.arrive $0xFFFF  }
0xaa: {  	_ =	strace $0x90000047  }
0xab: {  	s0 =	stileid.u32;
	[bflag:$0x2] =	sbarrier.arrive $0xFFFF  }
0xac: {  	p0 =	sne.s32 s0, $0x0;
	s0 =	rddreg [dreg:$0x4]  }
0xad: {  	s0 =	sadd.s32 @!p0 $0x100000, s0  }
0xae: {  	[sflag:s0] =	ssyncadd.tile.s32 @!p0 $0x1;
	_ =	shalt  }
.Lfunc_end2:
_tile_overlayer_lowered:
.L_overlay_start_2:
0xaf: {  	(tag) =	ssettag $0x2  }
0xb0: {  	s0 =	rddreg [dreg:$0x0];
	s2 =	stileid.u32  }
0xb1: {  	s1 =	rddreg [dreg:$0x1];
	p0 =	sne.s32 s2, $0x0  }
0xb2: {  	s3 =	rddreg [dreg:$0x2];
	[bflag:$0x3] =	sbarrier.arrive $0xFFFF;
	s2 =	simm.s32 @!p0 $0x1C02  }
0xb3: {  	[timem:s3], [sflag:s2] =	dma.local @!p0 [hbm:s0], s1  }
0xb4: {  	s0 =	simm.s32 @!p0 $0x2  }
0xb5: {  	_ =	swait.ge @!p0 [sflag:s0], s1  }
0xb6: {  	s1 =	ssub.s32 @!p0 $0x0, s1;
	[sflag:s0] =	ssyncset.done @!p0 $0x0  }
0xb7: {  	[sflag:s0] =	ssyncadd.s32 @!p0 s1  }
0xb8: {  	[bflag:$0x3] =	sbarrier.arrive $0xFFFF  }
0xb9: {  	_ =	shalt  }

</sc_bundles>
